<compile_context>
chip_gen: v7x
topology: tpu7x:2x2x1
jax: 0.10.2.dev20260603
libtpu: 0.0.44.dev20260713+nightly
codegen_flags: <defaults>
</compile_context>

<pallas_src>
import functools

import numpy as np

import jax
import jax.numpy as jnp
from jax import lax
from jax.experimental import pallas as pl
from jax.experimental.pallas import tpu as pltpu
from jax.experimental.pallas import tpu_sc as plsc

NUM_HEADS = 8
NUM_BASES = 4
F = 64
HID = 128
NC = 2
NS = 16
NW = NC * NS
CHUNK = 125
SCHUNK = 250
DEGW = 8
BN = 2000


def _sc_mesh():
    return plsc.VectorSubcoreMesh(
        core_axis_name="c", subcore_axis_name="s", num_cores=NC,
        num_subcores=NS)


_SC_PARAMS = pltpu.CompilerParams(use_tc_tiling_on_sc=False)
_SC_PARAMS_NOLAYOUT = pltpu.CompilerParams(
    use_tc_tiling_on_sc=False, needs_layout_passes=False)


def _degree_partials(ei3, ones_in, zeros_in, npad):
    eb = ei3.shape[0]
    base_b = eb // NW
    extra = eb - base_b * NW
    npt = npad // NS

    @functools.partial(
        pl.kernel,
        out_type=jax.ShapeDtypeStruct((npad, 128), jnp.float32),
        mesh=_sc_mesh(),
        compiler_params=_SC_PARAMS,
        scratch_types=[
            pltpu.VMEM((base_b + 1, 2, 128), jnp.int32),
            pltpu.VMEM((128, DEGW), jnp.float32),
            pltpu.VMEM_SHARED((npad, DEGW), jnp.float32),
        ],
    )
    def k(ei_hbm, ones_hbm, zeros_hbm, out_hbm, slab, ones_v, acc_sh):
        c = lax.axis_index("c")
        s = lax.axis_index("s")
        w = s * NC + c
        pltpu.sync_copy(zeros_hbm, acc_sh.at[pl.ds(s * npt, npt)])
        pltpu.sync_copy(ones_hbm, ones_v)
        pltpu.sync_copy(ei_hbm.at[pl.ds(w * base_b, base_b)],
                        slab.at[pl.ds(0, base_b)])

        @pl.when(w < extra)
        def _():
            pltpu.sync_copy(ei_hbm.at[pl.ds(eb - extra + w, 1)],
                            slab.at[pl.ds(base_b, 1)])

        plsc.subcore_barrier()

        def body(j, carry):
            pltpu.sync_copy(ones_v, acc_sh.at[slab.at[j, 1]], add=True)
            return carry

        lax.fori_loop(0, base_b, body, 0)

        @pl.when(w < extra)
        def _():
            pltpu.sync_copy(ones_v, acc_sh.at[slab.at[base_b, 1]], add=True)

        plsc.subcore_barrier()
        pltpu.sync_copy(acc_sh.at[pl.ds(s * npt, npt)],
                        out_hbm.at[pl.ds(s * npt, npt), pl.ds(DEGW * c, DEGW)])

    return k(ei3, ones_in, zeros_in)


def _scatter_partials(sb, row2d, col2d, zeros_in, npad):
    rows2d, chunk = row2d.shape
    rpt = rows2d // NW
    npt = npad // NS

    @functools.partial(
        pl.kernel,
        out_type=jax.ShapeDtypeStruct((npad, NC * F), jnp.float32),
        mesh=_sc_mesh(),
        compiler_params=_SC_PARAMS,
        scratch_types=[
            pltpu.VMEM((rpt, chunk), jnp.int32),
            pltpu.VMEM((rpt, chunk), jnp.int32),
            pltpu.VMEM((chunk, F), jnp.float32),
            pltpu.VMEM((chunk, F), jnp.float32),
            pltpu.VMEM_SHARED((npad, F), jnp.float32),
            pltpu.SemaphoreType.DMA,
            pltpu.SemaphoreType.DMA,
        ],
    )
    def k(sb_hbm, row_hbm, col_hbm, zeros_hbm, out_hbm,
          ri_v, ci_v, gb0, gb1, acc_sh, sem0, sem1):
        c = lax.axis_index("c")
        s = lax.axis_index("s")
        w = s * NC + c
        pltpu.sync_copy(zeros_hbm, acc_sh.at[pl.ds(s * npt, npt)])
        pltpu.sync_copy(row_hbm.at[pl.ds(w * rpt, rpt)], ri_v)
        pltpu.sync_copy(col_hbm.at[pl.ds(w * rpt, rpt)], ci_v)
        plsc.subcore_barrier()

        pltpu.async_copy(sb_hbm.at[ri_v.at[0]], gb0, sem0)

        def body(i, carry):
            j0 = 2 * i
            j1 = 2 * i + 1
            pltpu.async_copy(sb_hbm.at[ri_v.at[j1]], gb1, sem1)
            pltpu.make_async_copy(sb_hbm.at[ri_v.at[j0]], gb0, sem0).wait()
            pltpu.sync_copy(gb0, acc_sh.at[ci_v.at[j0]], add=True)

            @pl.when(i < rpt // 2 - 1)
            def _():
                pltpu.async_copy(sb_hbm.at[ri_v.at[j0 + 2]], gb0, sem0)

            pltpu.make_async_copy(sb_hbm.at[ri_v.at[j1]], gb1, sem1).wait()
            pltpu.sync_copy(gb1, acc_sh.at[ci_v.at[j1]], add=True)
            return carry

        lax.fori_loop(0, rpt // 2, body, 0)
        plsc.subcore_barrier()
        pltpu.sync_copy(acc_sh.at[pl.ds(s * npt, npt)],
                        out_hbm.at[pl.ds(s * npt, npt), pl.ds(F * c, F)])

    return k(sb, row2d, col2d, zeros_in)


def _edge_outputs(tflat, ei3, n, e):
    eb = ei3.shape[0]
    base_b = eb // NW
    extra = eb - base_b * NW

    @functools.partial(
        pl.kernel,
        out_type=jax.ShapeDtypeStruct((eb, 2, 128), jnp.float32),
        mesh=_sc_mesh(),
        compiler_params=_SC_PARAMS_NOLAYOUT,
        scratch_types=[
            pltpu.VMEM((4 * n,), jnp.float32),
            pltpu.VMEM((base_b + 1, 2, 128), jnp.int32),
            pltpu.VMEM((base_b + 1, 2, 128), jnp.float32),
        ],
    )
    def k(t_hbm, ei_hbm, out_hbm, tbuf, slab, obuf):
        c = lax.axis_index("c")
        s = lax.axis_index("s")
        w = s * NC + c
        pltpu.sync_copy(t_hbm, tbuf)
        pltpu.sync_copy(ei_hbm.at[pl.ds(w * base_b, base_b)],
                        slab.at[pl.ds(0, base_b)])

        @pl.when(w < extra)
        def _():
            pltpu.sync_copy(ei_hbm.at[pl.ds(eb - extra + w, 1)],
                            slab.at[pl.ds(base_b, 1)])

        def do_block(j):
            for l in range(8):
                ri = slab[j, 0, pl.ds(l * 16, 16)] * 4
                ci = slab[j, 1, pl.ds(l * 16, 16)] * 4
                a0 = plsc.load_gather(tbuf, [ri])
                a1 = plsc.load_gather(tbuf, [ri + 1])
                b0 = plsc.load_gather(tbuf, [ci + 2])
                b1 = plsc.load_gather(tbuf, [ci + 3])
                obuf[j, 0, pl.ds(l * 16, 16)] = a0 + b0
                obuf[j, 1, pl.ds(l * 16, 16)] = a1 + b1

        def body(j, carry):
            do_block(j)
            return carry

        lax.fori_loop(0, base_b, body, 0)

        @pl.when(w < extra)
        def _():
            do_block(base_b)

        pltpu.sync_copy(obuf.at[pl.ds(0, base_b)],
                        out_hbm.at[pl.ds(w * base_b, base_b)])

        @pl.when(w < extra)
        def _():
            pltpu.sync_copy(obuf.at[pl.ds(base_b, 1)],
                            out_hbm.at[pl.ds(eb - extra + w, 1)])

    return k(tflat, ei3)


def _einsum_combine(wts, agg, e_ref, f_ref):
    w2 = jnp.dot(wts, e_ref[...], preferred_element_type=jnp.float32)
    a2 = jnp.dot(agg, f_ref[...], preferred_element_type=jnp.float32)
    p = w2 * a2
    return (p[:, 0:128] + p[:, 128:256]) + (p[:, 256:384] + p[:, 384:512])


def _einsum_selectors():
    li = np.arange(NUM_BASES * HID)
    l_b = li // HID
    l_h = (li % HID) // (HID // NUM_HEADS)
    l_f = li % (HID // NUM_HEADS)
    e = (np.arange(NUM_HEADS * NUM_BASES)[:, None]
         == (NUM_BASES * l_h + l_b)[None, :]).astype(np.float32)
    f = (np.arange(F)[:, None]
         == ((HID // NUM_HEADS) * l_b + l_f)[None, :]).astype(np.float32)
    return jnp.asarray(e), jnp.asarray(f)


def _tc_stage1(degp, x, Wb1, Wc1, bc1, n):
    def body(degp_ref, x_ref, wb_ref, wc_ref, bc_ref,
             sb_ref, w1_ref, dis_ref):
        degp = degp_ref[...]
        deg = degp[:, 0:1] + degp[:, DEGW:DEGW + 1]
        dis = 1.0 / jnp.sqrt(deg + 1.0)
        dis_ref[...] = jnp.broadcast_to(dis, (BN, DEGW))
        xb = x_ref[...]
        bases = jnp.dot(xb, wb_ref[...], preferred_element_type=jnp.float32)
        sb_ref[...] = bases * dis
        w1_ref[...] = jnp.dot(xb, wc_ref[...],
                              preferred_element_type=jnp.float32) + bc_ref[...]

    grid = n // BN
    return pl.pallas_call(
        body,
        grid=(grid,),
        in_specs=[
            pl.BlockSpec((BN, 128), lambda i: (i, 0)),
            pl.BlockSpec((BN, HID), lambda i: (i, 0)),
            pl.BlockSpec((HID, F), lambda i: (0, 0)),
            pl.BlockSpec((HID, 32), lambda i: (0, 0)),
            pl.BlockSpec((1, 32), lambda i: (0, 0)),
        ],
        out_specs=[
            pl.BlockSpec((BN, F), lambda i: (i, 0)),
            pl.BlockSpec((BN, 32), lambda i: (i, 0)),
            pl.BlockSpec((BN, DEGW), lambda i: (i, 0)),
        ],
        out_shape=[
            jax.ShapeDtypeStruct((n, F), jnp.float32),
            jax.ShapeDtypeStruct((n, 32), jnp.float32),
            jax.ShapeDtypeStruct((n, DEGW), jnp.float32),
        ],
    )(degp, x, Wb1, Wc1, bc1)


def _tc_stage2(scatp, sb1, dis, w1, b1, Wb2, Wc2, bc2, emat, fmat, n):
    def body(scat_ref, sb_ref, dis_ref, w1_ref, b1_ref, wb_ref, wc_ref,
             bc_ref, e_ref, f_ref, sb2_ref, w2_ref):
        dis = dis_ref[...][:, 0:1]
        scat = scat_ref[...]
        agg = (scat[:, 0:F] + scat[:, F:2 * F] + sb_ref[...]) * dis
        h1 = _einsum_combine(w1_ref[...], agg, e_ref, f_ref) + b1_ref[...]
        h1 = jnp.maximum(h1, 0.0)
        bases2 = jnp.dot(h1, wb_ref[...], preferred_element_type=jnp.float32)
        sb2_ref[...] = bases2 * dis
        w2_ref[...] = jnp.dot(h1, wc_ref[...],
                              preferred_element_type=jnp.float32) + bc_ref[...]

    grid = n // BN
    return pl.pallas_call(
        body,
        grid=(grid,),
        in_specs=[
            pl.BlockSpec((BN, NC * F), lambda i: (i, 0)),
            pl.BlockSpec((BN, F), lambda i: (i, 0)),
            pl.BlockSpec((BN, DEGW), lambda i: (i, 0)),
            pl.BlockSpec((BN, 32), lambda i: (i, 0)),
            pl.BlockSpec((1, HID), lambda i: (0, 0)),
            pl.BlockSpec((HID, F), lambda i: (0, 0)),
            pl.BlockSpec((HID, 32), lambda i: (0, 0)),
            pl.BlockSpec((1, 32), lambda i: (0, 0)),
            pl.BlockSpec((NUM_HEADS * NUM_BASES, NUM_BASES * HID),
                         lambda i: (0, 0)),
            pl.BlockSpec((F, NUM_BASES * HID), lambda i: (0, 0)),
        ],
        out_specs=[
            pl.BlockSpec((BN, F), lambda i: (i, 0)),
            pl.BlockSpec((BN, 32), lambda i: (i, 0)),
        ],
        out_shape=[
            jax.ShapeDtypeStruct((n, F), jnp.float32),
            jax.ShapeDtypeStruct((n, 32), jnp.float32),
        ],
    )(scatp, sb1, dis, w1, b1, Wb2, Wc2, bc2, emat, fmat)


def _tc_stage3(scatp, sb2, dis, w2, b2, Wt, bt, emat, fmat, n):
    def body(scat_ref, sb_ref, dis_ref, w2_ref, b2_ref, wt_ref, bt_ref,
             e_ref, f_ref, t_ref):
        dis = dis_ref[...][:, 0:1]
        scat = scat_ref[...]
        agg = (scat[:, 0:F] + scat[:, F:2 * F] + sb_ref[...]) * dis
        h2 = _einsum_combine(w2_ref[...], agg, e_ref, f_ref) + b2_ref[...]
        t_ref[...] = jnp.dot(h2, wt_ref[...],
                             preferred_element_type=jnp.float32) + bt_ref[...]

    grid = n // BN
    return pl.pallas_call(
        body,
        grid=(grid,),
        in_specs=[
            pl.BlockSpec((BN, NC * F), lambda i: (i, 0)),
            pl.BlockSpec((BN, F), lambda i: (i, 0)),
            pl.BlockSpec((BN, DEGW), lambda i: (i, 0)),
            pl.BlockSpec((BN, 32), lambda i: (i, 0)),
            pl.BlockSpec((1, HID), lambda i: (0, 0)),
            pl.BlockSpec((HID, 4), lambda i: (0, 0)),
            pl.BlockSpec((1, 4), lambda i: (0, 0)),
            pl.BlockSpec((NUM_HEADS * NUM_BASES, NUM_BASES * HID),
                         lambda i: (0, 0)),
            pl.BlockSpec((F, NUM_BASES * HID), lambda i: (0, 0)),
        ],
        out_specs=pl.BlockSpec((BN, 4), lambda i: (i, 0)),
        out_shape=jax.ShapeDtypeStruct((n, 4), jnp.float32),
    )(scatp, sb2, dis, w2, b2, Wt, bt, emat, fmat)


def kernel(x, edge_index, Wb1, Wc1, bc1, b1, Wb2, Wc2, bc2, b2, Wcls, bcls):
    n = x.shape[0]
    e = edge_index.shape[1]
    ei3 = jnp.transpose(edge_index.reshape(2, e // 128, 128), (1, 0, 2))
    row = edge_index[0]
    col = edge_index[1]
    row_sc = row.reshape(e // SCHUNK, SCHUNK)
    col_sc = col.reshape(e // SCHUNK, SCHUNK)

    npad = -(-n // (NS * 8)) * (NS * 8)
    npt = npad // NS
    ones_in = jnp.ones((128, DEGW), jnp.float32)
    zeros_deg = jnp.zeros((npt, DEGW), jnp.float32)
    zeros_f = jnp.zeros((npt, F), jnp.float32)
    bc1r = bc1.reshape(1, -1)
    bc2r = bc2.reshape(1, -1)
    b1r = b1.reshape(1, -1)
    b2r = b2.reshape(1, -1)
    Wt = jnp.concatenate([Wcls[:HID], Wcls[HID:]], axis=1)
    bt = jnp.concatenate([bcls, jnp.zeros_like(bcls)]).reshape(1, 4)

    degp = _degree_partials(ei3, ones_in, zeros_deg, npad)
    sb1, w1, dis = _tc_stage1(degp, x, Wb1, Wc1, bc1r, n)
    scat1 = _scatter_partials(sb1, row_sc, col_sc, zeros_f, npad)
    emat, fmat = _einsum_selectors()
    sb2, w2 = _tc_stage2(scat1, sb1, dis, w1, b1r, Wb2, Wc2, bc2r,
                         emat, fmat, n)
    scat2 = _scatter_partials(sb2, row_sc, col_sc, zeros_f, npad)
    tmat = _tc_stage3(scat2, sb2, dis, w2, b2r, Wt, bt, emat, fmat, n)

    out3 = _edge_outputs(tmat.reshape(-1), ei3, n, e)
    return jnp.swapaxes(out3, 0, 1).reshape(2, e).T

# --- scband reference (transcript-rebuilt; emitter-appended) ---
"""Pipeline reference for scband-egconv-edge-classifier-86938728005820 (READ-ONLY COPY).

The authoritative reference and input builder live on the scoring server;
editing this copy changes nothing except your own understanding.
"""

import jax, jax.numpy as jnp
import numpy as np

NUM_HEADS = 8
NUM_BASES = 4
HID = 128

def gcn_norm(edge_index, num_nodes):
    row, col = edge_index[0], edge_index[1]
    loop = jnp.arange(num_nodes, dtype=row.dtype)
    row = jnp.concatenate([row, loop])
    col = jnp.concatenate([col, loop])
    ew = jnp.ones(row.shape[0], dtype=jnp.float32)
    deg = jnp.zeros((num_nodes,), dtype=jnp.float32).at[col].add(ew)
    dis = jnp.where(deg > 0, deg ** -0.5, 0.0)
    w = dis[row] * ew * dis[col]
    return row, col, w

def egconv(x, edge_index, Wb, Wc, bc, bias, out_channels):
    N = x.shape[0]
    row, col, w = gcn_norm(edge_index, N)
    bases = x @ Wb
    weightings = x @ Wc + bc
    msg = bases[row] * w[:, None]
    agg = jnp.zeros((N, bases.shape[1]), dtype=x.dtype).at[col].add(msg)
    f_h = out_channels // NUM_HEADS
    weightings = weightings.reshape(N, NUM_HEADS, NUM_BASES)
    agg = agg.reshape(N, NUM_BASES, f_h)
    out = jnp.einsum('nhb,nbf->nhf', weightings, agg).reshape(N, out_channels)
    return out + bias

def setup_inputs(seed: int = 0):
    key = jax.random.key(seed)
    ks = jax.random.split(key, 12)
    N, E = 10000, 320000
    IN, OUT = 128, 2
    fh = HID // NUM_HEADS
    def glorot(k, shape):
        lim = (6.0 / (shape[0] + shape[1])) ** 0.5
        return jax.random.uniform(k, shape, jnp.float32, -lim, lim)
    x = jax.random.normal(ks[0], (N, IN), jnp.float32)
    edge_index = jax.random.randint(ks[1], (2, E), 0, N, jnp.int32)
    Wb1 = glorot(ks[2], (IN, NUM_BASES * fh))
    Wc1 = glorot(ks[3], (IN, NUM_HEADS * NUM_BASES))
    bc1 = jnp.zeros((NUM_HEADS * NUM_BASES,), jnp.float32)
    b1 = jnp.zeros((HID,), jnp.float32)
    Wb2 = glorot(ks[4], (HID, NUM_BASES * fh))
    Wc2 = glorot(ks[5], (HID, NUM_HEADS * NUM_BASES))
    bc2 = jnp.zeros((NUM_HEADS * NUM_BASES,), jnp.float32)
    b2 = jnp.zeros((HID,), jnp.float32)
    Wcls = glorot(ks[6], (2 * HID, OUT))
    bcls = jnp.zeros((OUT,), jnp.float32)
    return {"x": x, "edge_index": edge_index, "Wb1": Wb1, "Wc1": Wc1, "bc1": bc1, "b1": b1, "Wb2": Wb2, "Wc2": Wc2, "bc2": bc2, "b2": b2, "Wcls": Wcls, "bcls": bcls}

def reference(x, edge_index, Wb1, Wc1, bc1, b1, Wb2, Wc2, bc2, b2, Wcls, bcls):
    h = jax.nn.relu(egconv(x, edge_index, Wb1, Wc1, bc1, b1, HID))
    h = egconv(h, edge_index, Wb2, Wc2, bc2, b2, HID)
    row, col = edge_index[0], edge_index[1]
    edge_embeddings = jnp.concatenate([h[row], h[col]], axis=-1)
    return edge_embeddings @ Wcls + bcls

if __name__ == "__main__":
    import jax
    _d = setup_inputs()
    print(jax.jit(kernel)(*tuple(_d.values())))

</pallas_src>

<mosaic_0001>
#map = affine_map<(d0, d1) -> (0, 0, 0)>
#map1 = affine_map<(d0, d1) -> (0, 0)>
module attributes {stable_mosaic.version = 14 : i64} {
  func.func @k(%arg0: i32, %arg1: i32, %arg2: memref<2500x2x128xi32, #tpu.memory_space<hbm>>, %arg3: memref<128x8xf32, #tpu.memory_space<hbm>>, %arg4: memref<632x8xf32, #tpu.memory_space<hbm>>, %arg5: memref<10112x128xf32, #tpu.memory_space<hbm>>, %arg6: memref<79x2x128xi32, #tpu.memory_space<vmem>>, %arg7: memref<128x8xf32, #tpu.memory_space<vmem>>, %arg8: memref<10112x8xf32, #tpu.memory_space<vmem_shared>>) attributes {dimension_semantics = [#tpu.dimension_semantics<core_parallel>, #tpu.dimension_semantics<subcore_parallel>], iteration_bounds = array<i64: 2, 16>, scalar_prefetch = 0 : i64, scratch_operands = 3 : i64, tpu.core_type = #tpu.core_type<sc_vector_subcore>, window_params = [{transform_indices = #map}, {transform_indices = #map1}, {transform_indices = #map1}, {transform_indices = #map1}]} {
    %mul3A = arith.constant 2 : i32
    %mul3A_0 = arith.muli %arg1, %mul3A : i32
    %add3A = arith.addi %mul3A_0, %arg0 : i32
    %mul3A_1 = arith.constant 632 : i32
    %mul3A_2 = arith.muli %arg1, %mul3A_1 : i32
    "tpu.region"() ({
      %run_scoped3A = tpu.sem_alloc : memref<!tpu.dma_semaphore, #tpu.memory_space<semaphore_mem>>
      %dma_start3A = arith.constant 0 : i32
      %dma_start3A_24 = tpu.memref_slice %arg8[%mul3A_2, %dma_start3A] : memref<10112x8xf32, #tpu.memory_space<vmem_shared>> -> memref<632x8xf32, #tpu.memory_space<vmem_shared>>
      tpu.enqueue_dma source(%arg4 : memref<632x8xf32, #tpu.memory_space<hbm>>) target(%dma_start3A_24 : memref<632x8xf32, #tpu.memory_space<vmem_shared>>) target_semaphore(%run_scoped3A : memref<!tpu.dma_semaphore, #tpu.memory_space<semaphore_mem>>)
      %dma_wait3A = arith.constant 0 : i32
      %dma_wait3A_25 = tpu.memref_slice %arg8[%mul3A_2, %dma_wait3A] : memref<10112x8xf32, #tpu.memory_space<vmem_shared>> -> memref<632x8xf32, #tpu.memory_space<vmem_shared>>
      tpu.wait_dma2 semaphore(%run_scoped3A : memref<!tpu.dma_semaphore, #tpu.memory_space<semaphore_mem>>) src(%arg4 : memref<632x8xf32, #tpu.memory_space<hbm>>) dst(%dma_wait3A_25 : memref<632x8xf32, #tpu.memory_space<vmem_shared>>)
      tpu.yield
    }) : () -> ()
    "tpu.region"() ({
      %run_scoped3A = tpu.sem_alloc : memref<!tpu.dma_semaphore, #tpu.memory_space<semaphore_mem>>
      tpu.enqueue_dma source(%arg3 : memref<128x8xf32, #tpu.memory_space<hbm>>) target(%arg7 : memref<128x8xf32, #tpu.memory_space<vmem>>) target_semaphore(%run_scoped3A : memref<!tpu.dma_semaphore, #tpu.memory_space<semaphore_mem>>)
      tpu.wait_dma2 semaphore(%run_scoped3A : memref<!tpu.dma_semaphore, #tpu.memory_space<semaphore_mem>>) src(%arg3 : memref<128x8xf32, #tpu.memory_space<hbm>>) dst(%arg7 : memref<128x8xf32, #tpu.memory_space<vmem>>)
      tpu.yield
    }) : () -> ()
    %mul3A_3 = arith.constant 78 : i32
    %mul3A_4 = arith.muli %add3A, %mul3A_3 : i32
    "tpu.region"() ({
      %run_scoped3A = tpu.sem_alloc : memref<!tpu.dma_semaphore, #tpu.memory_space<semaphore_mem>>
      %dma_start3A = arith.constant 0 : i32
      %dma_start3A_24 = arith.constant 0 : i32
      %dma_start3A_25 = arith.constant 0 : i32
      %dma_start3A_26 = tpu.memref_slice %arg6[%dma_start3A, %dma_start3A_24, %dma_start3A_25] : memref<79x2x128xi32, #tpu.memory_space<vmem>> -> memref<78x2x128xi32, #tpu.memory_space<vmem>>
      %dma_start3A_27 = arith.constant 0 : i32
      %dma_start3A_28 = arith.constant 0 : i32
      %dma_start3A_29 = tpu.memref_slice %arg2[%mul3A_4, %dma_start3A_27, %dma_start3A_28] : memref<2500x2x128xi32, #tpu.memory_space<hbm>> -> memref<78x2x128xi32, #tpu.memory_space<hbm>>
      %dma_start3A_30 = arith.constant 0 : i32
      %dma_start3A_31 = arith.constant 0 : i32
      %dma_start3A_32 = arith.constant 0 : i32
      %dma_start3A_33 = tpu.memref_slice %arg6[%dma_start3A_30, %dma_start3A_31, %dma_start3A_32] : memref<79x2x128xi32, #tpu.memory_space<vmem>> -> memref<78x2x128xi32, #tpu.memory_space<vmem>>
      %dma_start3A_34 = arith.constant 0 : i32
      %dma_start3A_35 = arith.constant 0 : i32
      %dma_start3A_36 = tpu.memref_slice %arg2[%mul3A_4, %dma_start3A_34, %dma_start3A_35] : memref<2500x2x128xi32, #tpu.memory_space<hbm>> -> memref<78x2x128xi32, #tpu.memory_space<hbm>>
      tpu.enqueue_dma source(%dma_start3A_36 : memref<78x2x128xi32, #tpu.memory_space<hbm>>) target(%dma_start3A_33 : memref<78x2x128xi32, #tpu.memory_space<vmem>>) target_semaphore(%run_scoped3A : memref<!tpu.dma_semaphore, #tpu.memory_space<semaphore_mem>>)
      %dma_wait3A = arith.constant 0 : i32
      %dma_wait3A_37 = arith.constant 0 : i32
      %dma_wait3A_38 = arith.constant 0 : i32
      %dma_wait3A_39 = tpu.memref_slice %arg6[%dma_wait3A, %dma_wait3A_37, %dma_wait3A_38] : memref<79x2x128xi32, #tpu.memory_space<vmem>> -> memref<78x2x128xi32, #tpu.memory_space<vmem>>
      %dma_wait3A_40 = arith.constant 0 : i32
      %dma_wait3A_41 = arith.constant 0 : i32
      %dma_wait3A_42 = tpu.memref_slice %arg2[%mul3A_4, %dma_wait3A_40, %dma_wait3A_41] : memref<2500x2x128xi32, #tpu.memory_space<hbm>> -> memref<78x2x128xi32, #tpu.memory_space<hbm>>
      %dma_wait3A_43 = arith.constant 0 : i32
      %dma_wait3A_44 = arith.constant 0 : i32
      %dma_wait3A_45 = arith.constant 0 : i32
      %dma_wait3A_46 = tpu.memref_slice %arg6[%dma_wait3A_43, %dma_wait3A_44, %dma_wait3A_45] : memref<79x2x128xi32, #tpu.memory_space<vmem>> -> memref<78x2x128xi32, #tpu.memory_space<vmem>>
      %dma_wait3A_47 = arith.constant 0 : i32
      %dma_wait3A_48 = arith.constant 0 : i32
      %dma_wait3A_49 = tpu.memref_slice %arg2[%mul3A_4, %dma_wait3A_47, %dma_wait3A_48] : memref<2500x2x128xi32, #tpu.memory_space<hbm>> -> memref<78x2x128xi32, #tpu.memory_space<hbm>>
      tpu.wait_dma2 semaphore(%run_scoped3A : memref<!tpu.dma_semaphore, #tpu.memory_space<semaphore_mem>>) src(%dma_wait3A_49 : memref<78x2x128xi32, #tpu.memory_space<hbm>>) dst(%dma_wait3A_46 : memref<78x2x128xi32, #tpu.memory_space<vmem>>)
      tpu.yield
    }) : () -> ()
    %lt3A = arith.constant 4 : i32
    %lt3A_5 = arith.cmpi slt, %add3A, %lt3A : i32
    %convert_element_type3A = arith.extui %lt3A_5 : i1 to i32
    %cond3A = arith.constant 0 : i32
    %cond3A_6 = arith.cmpi ne, %convert_element_type3A, %cond3A : i32
    scf.if %cond3A_6 {
      %add3A_24 = arith.constant 2496 : i32
      %add3A_25 = arith.addi %add3A_24, %add3A : i32
      "tpu.region"() ({
        %run_scoped3A = tpu.sem_alloc : memref<!tpu.dma_semaphore, #tpu.memory_space<semaphore_mem>>
        %dma_start3A = arith.constant 78 : i32
        %dma_start3A_26 = arith.constant 0 : i32
        %dma_start3A_27 = arith.constant 0 : i32
        %dma_start3A_28 = tpu.memref_slice %arg6[%dma_start3A, %dma_start3A_26, %dma_start3A_27] : memref<79x2x128xi32, #tpu.memory_space<vmem>> -> memref<1x2x128xi32, #tpu.memory_space<vmem>>
        %dma_start3A_29 = arith.constant 0 : i32
        %dma_start3A_30 = arith.constant 0 : i32
        %dma_start3A_31 = tpu.memref_slice %arg2[%add3A_25, %dma_start3A_29, %dma_start3A_30] : memref<2500x2x128xi32, #tpu.memory_space<hbm>> -> memref<1x2x128xi32, #tpu.memory_space<hbm>>
        %dma_start3A_32 = arith.constant 78 : i32
        %dma_start3A_33 = arith.constant 0 : i32
        %dma_start3A_34 = arith.constant 0 : i32
        %dma_start3A_35 = tpu.memref_slice %arg6[%dma_start3A_32, %dma_start3A_33, %dma_start3A_34] : memref<79x2x128xi32, #tpu.memory_space<vmem>> -> memref<1x2x128xi32, #tpu.memory_space<vmem>>
        %dma_start3A_36 = arith.constant 0 : i32
        %dma_start3A_37 = arith.constant 0 : i32
        %dma_start3A_38 = tpu.memref_slice %arg2[%add3A_25, %dma_start3A_36, %dma_start3A_37] : memref<2500x2x128xi32, #tpu.memory_space<hbm>> -> memref<1x2x128xi32, #tpu.memory_space<hbm>>
        tpu.enqueue_dma source(%dma_start3A_38 : memref<1x2x128xi32, #tpu.memory_space<hbm>>) target(%dma_start3A_35 : memref<1x2x128xi32, #tpu.memory_space<vmem>>) target_semaphore(%run_scoped3A : memref<!tpu.dma_semaphore, #tpu.memory_space<semaphore_mem>>)
        %dma_wait3A = arith.constant 78 : i32
        %dma_wait3A_39 = arith.constant 0 : i32
        %dma_wait3A_40 = arith.constant 0 : i32
        %dma_wait3A_41 = tpu.memref_slice %arg6[%dma_wait3A, %dma_wait3A_39, %dma_wait3A_40] : memref<79x2x128xi32, #tpu.memory_space<vmem>> -> memref<1x2x128xi32, #tpu.memory_space<vmem>>
        %dma_wait3A_42 = arith.constant 0 : i32
        %dma_wait3A_43 = arith.constant 0 : i32
        %dma_wait3A_44 = tpu.memref_slice %arg2[%add3A_25, %dma_wait3A_42, %dma_wait3A_43] : memref<2500x2x128xi32, #tpu.memory_space<hbm>> -> memref<1x2x128xi32, #tpu.memory_space<hbm>>
        %dma_wait3A_45 = arith.constant 78 : i32
        %dma_wait3A_46 = arith.constant 0 : i32
        %dma_wait3A_47 = arith.constant 0 : i32
        %dma_wait3A_48 = tpu.memref_slice %arg6[%dma_wait3A_45, %dma_wait3A_46, %dma_wait3A_47] : memref<79x2x128xi32, #tpu.memory_space<vmem>> -> memref<1x2x128xi32, #tpu.memory_space<vmem>>
        %dma_wait3A_49 = arith.constant 0 : i32
        %dma_wait3A_50 = arith.constant 0 : i32
        %dma_wait3A_51 = tpu.memref_slice %arg2[%add3A_25, %dma_wait3A_49, %dma_wait3A_50] : memref<2500x2x128xi32, #tpu.memory_space<hbm>> -> memref<1x2x128xi32, #tpu.memory_space<hbm>>
        tpu.wait_dma2 semaphore(%run_scoped3A : memref<!tpu.dma_semaphore, #tpu.memory_space<semaphore_mem>>) src(%dma_wait3A_51 : memref<1x2x128xi32, #tpu.memory_space<hbm>>) dst(%dma_wait3A_48 : memref<1x2x128xi32, #tpu.memory_space<vmem>>)
        tpu.yield
      }) : () -> ()
    } else {
    }
    %barrier3A = arith.constant 0 : index
    tpu.barrier barrier_id(%barrier3A)
    %scan3A = arith.constant 0 : i32
    %scan3A_7 = arith.constant 0 : i32
    %scan3A_8 = arith.constant 78 : i32
    %scan3A_9 = arith.addi %scan3A_7, %scan3A_8 : i32
    %scan3A_10 = arith.constant 1 : i32
    scf.for %scan3A_24 = %scan3A_7 to %scan3A_9 step %scan3A_10  : i32 {
      %run_scoped3A = arith.constant 1 : i32
      "tpu.region"() ({
        %run_scoped3A_25 = tpu.sem_alloc : memref<!tpu.dma_semaphore, #tpu.memory_space<semaphore_mem>>
        %dma_start3A = arith.constant 0 : i32
        %dma_start3A_26 = tpu.memref_slice %arg6[%scan3A_24, %run_scoped3A, %dma_start3A] : memref<79x2x128xi32, #tpu.memory_space<vmem>> -> memref<1x1x128xi32, #tpu.memory_space<vmem>>
        %dma_start3A_27 = tpu.memref_squeeze %dma_start3A_26 : memref<1x1x128xi32, #tpu.memory_space<vmem>> -> memref<128xi32, #tpu.memory_space<vmem>>
        %dma_start3A_28 = arith.constant 0 : i32
        %dma_start3A_29 = arith.constant 0 : i32
        %dma_start3A_30 = tpu.memref_slice %arg8[%dma_start3A_28, %dma_start3A_29] : memref<10112x8xf32, #tpu.memory_space<vmem_shared>> -> memref<10112x8xf32, #tpu.memory_space<vmem_shared>>
        tpu.enqueue_indirect_dma source(%arg7 : memref<128x8xf32, #tpu.memory_space<vmem>>) target(%dma_start3A_30 : memref<10112x8xf32, #tpu.memory_space<vmem_shared>>) offsets(%dma_start3A_27 : memref<128xi32, #tpu.memory_space<vmem>>) semaphore(%run_scoped3A_25 : memref<!tpu.dma_semaphore, #tpu.memory_space<semaphore_mem>>) {add = true}
        %dma_wait3A = arith.constant 0 : i32
        %dma_wait3A_31 = tpu.memref_slice %arg6[%scan3A_24, %run_scoped3A, %dma_wait3A] : memref<79x2x128xi32, #tpu.memory_space<vmem>> -> memref<1x1x128xi32, #tpu.memory_space<vmem>>
        %dma_wait3A_32 = tpu.memref_squeeze %dma_wait3A_31 : memref<1x1x128xi32, #tpu.memory_space<vmem>> -> memref<128xi32, #tpu.memory_space<vmem>>
        %dma_wait3A_33 = arith.constant 0 : i32
        %dma_wait3A_34 = arith.constant 0 : i32
        %dma_wait3A_35 = tpu.memref_slice %arg8[%dma_wait3A_33, %dma_wait3A_34] : memref<10112x8xf32, #tpu.memory_space<vmem_shared>> -> memref<10112x8xf32, #tpu.memory_space<vmem_shared>>
        tpu.wait_indirect_dma semaphore(%run_scoped3A_25 : memref<!tpu.dma_semaphore, #tpu.memory_space<semaphore_mem>>) src(%arg7 : memref<128x8xf32, #tpu.memory_space<vmem>>) dst(%dma_wait3A_35 : memref<10112x8xf32, #tpu.memory_space<vmem_shared>>)
        tpu.yield
      }) : () -> ()
    }
    %scan3A_11 = arith.constant 78 : i32
    %lt3A_12 = arith.constant 4 : i32
    %lt3A_13 = arith.cmpi slt, %add3A, %lt3A_12 : i32
    %convert_element_type3A_14 = arith.extui %lt3A_13 : i1 to i32
    %cond3A_15 = arith.constant 0 : i32
    %cond3A_16 = arith.cmpi ne, %convert_element_type3A_14, %cond3A_15 : i32
    scf.if %cond3A_16 {
      %run_scoped3A = arith.constant 78 : i32
      %run_scoped3A_24 = arith.constant 1 : i32
      "tpu.region"() ({
        %run_scoped3A_25 = tpu.sem_alloc : memref<!tpu.dma_semaphore, #tpu.memory_space<semaphore_mem>>
        %dma_start3A = arith.constant 0 : i32
        %dma_start3A_26 = tpu.memref_slice %arg6[%run_scoped3A, %run_scoped3A_24, %dma_start3A] : memref<79x2x128xi32, #tpu.memory_space<vmem>> -> memref<1x1x128xi32, #tpu.memory_space<vmem>>
        %dma_start3A_27 = tpu.memref_squeeze %dma_start3A_26 : memref<1x1x128xi32, #tpu.memory_space<vmem>> -> memref<128xi32, #tpu.memory_space<vmem>>
        %dma_start3A_28 = arith.constant 0 : i32
        %dma_start3A_29 = arith.constant 0 : i32
        %dma_start3A_30 = tpu.memref_slice %arg8[%dma_start3A_28, %dma_start3A_29] : memref<10112x8xf32, #tpu.memory_space<vmem_shared>> -> memref<10112x8xf32, #tpu.memory_space<vmem_shared>>
        tpu.enqueue_indirect_dma source(%arg7 : memref<128x8xf32, #tpu.memory_space<vmem>>) target(%dma_start3A_30 : memref<10112x8xf32, #tpu.memory_space<vmem_shared>>) offsets(%dma_start3A_27 : memref<128xi32, #tpu.memory_space<vmem>>) semaphore(%run_scoped3A_25 : memref<!tpu.dma_semaphore, #tpu.memory_space<semaphore_mem>>) {add = true}
        %dma_wait3A = arith.constant 0 : i32
        %dma_wait3A_31 = tpu.memref_slice %arg6[%run_scoped3A, %run_scoped3A_24, %dma_wait3A] : memref<79x2x128xi32, #tpu.memory_space<vmem>> -> memref<1x1x128xi32, #tpu.memory_space<vmem>>
        %dma_wait3A_32 = tpu.memref_squeeze %dma_wait3A_31 : memref<1x1x128xi32, #tpu.memory_space<vmem>> -> memref<128xi32, #tpu.memory_space<vmem>>
        %dma_wait3A_33 = arith.constant 0 : i32
        %dma_wait3A_34 = arith.constant 0 : i32
        %dma_wait3A_35 = tpu.memref_slice %arg8[%dma_wait3A_33, %dma_wait3A_34] : memref<10112x8xf32, #tpu.memory_space<vmem_shared>> -> memref<10112x8xf32, #tpu.memory_space<vmem_shared>>
        tpu.wait_indirect_dma semaphore(%run_scoped3A_25 : memref<!tpu.dma_semaphore, #tpu.memory_space<semaphore_mem>>) src(%arg7 : memref<128x8xf32, #tpu.memory_space<vmem>>) dst(%dma_wait3A_35 : memref<10112x8xf32, #tpu.memory_space<vmem_shared>>)
        tpu.yield
      }) : () -> ()
    } else {
    }
    %barrier3A_17 = arith.constant 0 : index
    tpu.barrier barrier_id(%barrier3A_17)
    %mul3A_18 = arith.constant 632 : i32
    %mul3A_19 = arith.muli %arg1, %mul3A_18 : i32
    %mul3A_20 = arith.constant 632 : i32
    %mul3A_21 = arith.muli %arg1, %mul3A_20 : i32
    %mul3A_22 = arith.constant 8 : i32
    %mul3A_23 = arith.muli %mul3A_22, %arg0 : i32
    "tpu.region"() ({
      %run_scoped3A = tpu.sem_alloc : memref<!tpu.dma_semaphore, #tpu.memory_space<semaphore_mem>>
      %dma_start3A = tpu.memref_slice %arg5[%mul3A_21, %mul3A_23] : memref<10112x128xf32, #tpu.memory_space<hbm>> -> memref<632x8xf32, #tpu.memory_space<hbm>>
      %dma_start3A_24 = arith.constant 0 : i32
      %dma_start3A_25 = tpu.memref_slice %arg8[%mul3A_19, %dma_start3A_24] : memref<10112x8xf32, #tpu.memory_space<vmem_shared>> -> memref<632x8xf32, #tpu.memory_space<vmem_shared>>
      tpu.enqueue_dma source(%dma_start3A_25 : memref<632x8xf32, #tpu.memory_space<vmem_shared>>) target(%dma_start3A : memref<632x8xf32, #tpu.memory_space<hbm>>) target_semaphore(%run_scoped3A : memref<!tpu.dma_semaphore, #tpu.memory_space<semaphore_mem>>)
      %dma_wait3A = tpu.memref_slice %arg5[%mul3A_21, %mul3A_23] : memref<10112x128xf32, #tpu.memory_space<hbm>> -> memref<632x8xf32, #tpu.memory_space<hbm>>
      %dma_wait3A_26 = arith.constant 0 : i32
      %dma_wait3A_27 = tpu.memref_slice %arg8[%mul3A_19, %dma_wait3A_26] : memref<10112x8xf32, #tpu.memory_space<vmem_shared>> -> memref<632x8xf32, #tpu.memory_space<vmem_shared>>
      tpu.wait_dma2 semaphore(%run_scoped3A : memref<!tpu.dma_semaphore, #tpu.memory_space<semaphore_mem>>) src(%dma_wait3A_27 : memref<632x8xf32, #tpu.memory_space<vmem_shared>>) dst(%dma_wait3A : memref<632x8xf32, #tpu.memory_space<hbm>>)
      tpu.yield
    }) : () -> ()
    return
  }
}

#map = affine_map<(d0, d1) -> (0, 0)>
module attributes {stable_mosaic.version = 14 : i64} {
  func.func @k(%arg0: i32, %arg1: i32, %arg2: memref<10000x64xf32, #tpu.memory_space<hbm>>, %arg3: memref<1280x250xi32, #tpu.memory_space<hbm>>, %arg4: memref<1280x250xi32, #tpu.memory_space<hbm>>, %arg5: memref<632x64xf32, #tpu.memory_space<hbm>>, %arg6: memref<10112x128xf32, #tpu.memory_space<hbm>>, %arg7: memref<40x250xi32, #tpu.memory_space<vmem>>, %arg8: memref<40x250xi32, #tpu.memory_space<vmem>>, %arg9: memref<250x64xf32, #tpu.memory_space<vmem>>, %arg10: memref<250x64xf32, #tpu.memory_space<vmem>>, %arg11: memref<10112x64xf32, #tpu.memory_space<vmem_shared>>, %arg12: memref<!tpu.dma_semaphore, #tpu.memory_space<semaphore_mem>>, %arg13: memref<!tpu.dma_semaphore, #tpu.memory_space<semaphore_mem>>) attributes {dimension_semantics = [#tpu.dimension_semantics<core_parallel>, #tpu.dimension_semantics<subcore_parallel>], iteration_bounds = array<i64: 2, 16>, scalar_prefetch = 0 : i64, scratch_operands = 7 : i64, tpu.core_type = #tpu.core_type<sc_vector_subcore>, window_params = [{transform_indices = #map}, {transform_indices = #map}, {transform_indices = #map}, {transform_indices = #map}, {transform_indices = #map}]} {
    %mul3A = arith.constant 2 : i32
    %mul3A_0 = arith.muli %arg1, %mul3A : i32
    %add3A = arith.addi %mul3A_0, %arg0 : i32
    %mul3A_1 = arith.constant 632 : i32
    %mul3A_2 = arith.muli %arg1, %mul3A_1 : i32
    "tpu.region"() ({
      %run_scoped3A = tpu.sem_alloc : memref<!tpu.dma_semaphore, #tpu.memory_space<semaphore_mem>>
      %dma_start3A_25 = arith.constant 0 : i32
      %dma_start3A_26 = tpu.memref_slice %arg11[%mul3A_2, %dma_start3A_25] : memref<10112x64xf32, #tpu.memory_space<vmem_shared>> -> memref<632x64xf32, #tpu.memory_space<vmem_shared>>
      tpu.enqueue_dma source(%arg5 : memref<632x64xf32, #tpu.memory_space<hbm>>) target(%dma_start3A_26 : memref<632x64xf32, #tpu.memory_space<vmem_shared>>) target_semaphore(%run_scoped3A : memref<!tpu.dma_semaphore, #tpu.memory_space<semaphore_mem>>)
      %dma_wait3A = arith.constant 0 : i32
      %dma_wait3A_27 = tpu.memref_slice %arg11[%mul3A_2, %dma_wait3A] : memref<10112x64xf32, #tpu.memory_space<vmem_shared>> -> memref<632x64xf32, #tpu.memory_space<vmem_shared>>
      tpu.wait_dma2 semaphore(%run_scoped3A : memref<!tpu.dma_semaphore, #tpu.memory_space<semaphore_mem>>) src(%arg5 : memref<632x64xf32, #tpu.memory_space<hbm>>) dst(%dma_wait3A_27 : memref<632x64xf32, #tpu.memory_space<vmem_shared>>)
      tpu.yield
    }) : () -> ()
    %mul3A_3 = arith.constant 40 : i32
    %mul3A_4 = arith.muli %add3A, %mul3A_3 : i32
    "tpu.region"() ({
      %run_scoped3A = tpu.sem_alloc : memref<!tpu.dma_semaphore, #tpu.memory_space<semaphore_mem>>
      %dma_start3A_25 = arith.constant 0 : i32
      %dma_start3A_26 = tpu.memref_slice %arg3[%mul3A_4, %dma_start3A_25] : memref<1280x250xi32, #tpu.memory_space<hbm>> -> memref<40x250xi32, #tpu.memory_space<hbm>>
      %dma_start3A_27 = arith.constant 0 : i32
      %dma_start3A_28 = tpu.memref_slice %arg3[%mul3A_4, %dma_start3A_27] : memref<1280x250xi32, #tpu.memory_space<hbm>> -> memref<40x250xi32, #tpu.memory_space<hbm>>
      tpu.enqueue_dma source(%dma_start3A_28 : memref<40x250xi32, #tpu.memory_space<hbm>>) target(%arg7 : memref<40x250xi32, #tpu.memory_space<vmem>>) target_semaphore(%run_scoped3A : memref<!tpu.dma_semaphore, #tpu.memory_space<semaphore_mem>>)
      %dma_wait3A = arith.constant 0 : i32
      %dma_wait3A_29 = tpu.memref_slice %arg3[%mul3A_4, %dma_wait3A] : memref<1280x250xi32, #tpu.memory_space<hbm>> -> memref<40x250xi32, #tpu.memory_space<hbm>>
      %dma_wait3A_30 = arith.constant 0 : i32
      %dma_wait3A_31 = tpu.memref_slice %arg3[%mul3A_4, %dma_wait3A_30] : memref<1280x250xi32, #tpu.memory_space<hbm>> -> memref<40x250xi32, #tpu.memory_space<hbm>>
      tpu.wait_dma2 semaphore(%run_scoped3A : memref<!tpu.dma_semaphore, #tpu.memory_space<semaphore_mem>>) src(%dma_wait3A_31 : memref<40x250xi32, #tpu.memory_space<hbm>>) dst(%arg7 : memref<40x250xi32, #tpu.memory_space<vmem>>)
      tpu.yield
    }) : () -> ()
    %mul3A_5 = arith.constant 40 : i32
    %mul3A_6 = arith.muli %add3A, %mul3A_5 : i32
    "tpu.region"() ({
      %run_scoped3A = tpu.sem_alloc : memref<!tpu.dma_semaphore, #tpu.memory_space<semaphore_mem>>
      %dma_start3A_25 = arith.constant 0 : i32
      %dma_start3A_26 = tpu.memref_slice %arg4[%mul3A_6, %dma_start3A_25] : memref<1280x250xi32, #tpu.memory_space<hbm>> -> memref<40x250xi32, #tpu.memory_space<hbm>>
      %dma_start3A_27 = arith.constant 0 : i32
      %dma_start3A_28 = tpu.memref_slice %arg4[%mul3A_6, %dma_start3A_27] : memref<1280x250xi32, #tpu.memory_space<hbm>> -> memref<40x250xi32, #tpu.memory_space<hbm>>
      tpu.enqueue_dma source(%dma_start3A_28 : memref<40x250xi32, #tpu.memory_space<hbm>>) target(%arg8 : memref<40x250xi32, #tpu.memory_space<vmem>>) target_semaphore(%run_scoped3A : memref<!tpu.dma_semaphore, #tpu.memory_space<semaphore_mem>>)
      %dma_wait3A = arith.constant 0 : i32
      %dma_wait3A_29 = tpu.memref_slice %arg4[%mul3A_6, %dma_wait3A] : memref<1280x250xi32, #tpu.memory_space<hbm>> -> memref<40x250xi32, #tpu.memory_space<hbm>>
      %dma_wait3A_30 = arith.constant 0 : i32
      %dma_wait3A_31 = tpu.memref_slice %arg4[%mul3A_6, %dma_wait3A_30] : memref<1280x250xi32, #tpu.memory_space<hbm>> -> memref<40x250xi32, #tpu.memory_space<hbm>>
      tpu.wait_dma2 semaphore(%run_scoped3A : memref<!tpu.dma_semaphore, #tpu.memory_space<semaphore_mem>>) src(%dma_wait3A_31 : memref<40x250xi32, #tpu.memory_space<hbm>>) dst(%arg8 : memref<40x250xi32, #tpu.memory_space<vmem>>)
      tpu.yield
    }) : () -> ()
    %barrier3A = arith.constant 0 : index
    tpu.barrier barrier_id(%barrier3A)
    %dma_start3A = arith.constant 0 : i32
    %dma_start3A_7 = arith.constant 0 : i32
    %dma_start3A_8 = tpu.memref_slice %arg7[%dma_start3A, %dma_start3A_7] : memref<40x250xi32, #tpu.memory_space<vmem>> -> memref<1x250xi32, #tpu.memory_space<vmem>>
    %dma_start3A_9 = tpu.memref_squeeze %dma_start3A_8 : memref<1x250xi32, #tpu.memory_space<vmem>> -> memref<250xi32, #tpu.memory_space<vmem>>
    %dma_start3A_10 = arith.constant 0 : i32
    %dma_start3A_11 = arith.constant 0 : i32
    %dma_start3A_12 = tpu.memref_slice %arg2[%dma_start3A_10, %dma_start3A_11] : memref<10000x64xf32, #tpu.memory_space<hbm>> -> memref<10000x64xf32, #tpu.memory_space<hbm>>
    tpu.enqueue_indirect_dma source(%dma_start3A_12 : memref<10000x64xf32, #tpu.memory_space<hbm>>) target(%arg9 : memref<250x64xf32, #tpu.memory_space<vmem>>) offsets(%dma_start3A_9 : memref<250xi32, #tpu.memory_space<vmem>>) semaphore(%arg12 : memref<!tpu.dma_semaphore, #tpu.memory_space<semaphore_mem>>)
    %scan3A = arith.constant 0 : i32
    %scan3A_13 = arith.constant 0 : i32
    %scan3A_14 = arith.constant 20 : i32
    %scan3A_15 = arith.addi %scan3A_13, %scan3A_14 : i32
    %scan3A_16 = arith.constant 1 : i32
    scf.for %scan3A_25 = %scan3A_13 to %scan3A_15 step %scan3A_16  : i32 {
      %mul3A_26 = arith.constant 2 : i32
      %mul3A_27 = arith.muli %mul3A_26, %scan3A_25 : i32
      %mul3A_28 = arith.constant 2 : i32
      %mul3A_29 = arith.muli %mul3A_28, %scan3A_25 : i32
      %add3A_30 = arith.constant 1 : i32
      %add3A_31 = arith.addi %mul3A_29, %add3A_30 : i32
      %dma_start3A_32 = arith.constant 0 : i32
      %dma_start3A_33 = tpu.memref_slice %arg7[%add3A_31, %dma_start3A_32] : memref<40x250xi32, #tpu.memory_space<vmem>> -> memref<1x250xi32, #tpu.memory_space<vmem>>
      %dma_start3A_34 = tpu.memref_squeeze %dma_start3A_33 : memref<1x250xi32, #tpu.memory_space<vmem>> -> memref<250xi32, #tpu.memory_space<vmem>>
      %dma_start3A_35 = arith.constant 0 : i32
      %dma_start3A_36 = arith.constant 0 : i32
      %dma_start3A_37 = tpu.memref_slice %arg2[%dma_start3A_35, %dma_start3A_36] : memref<10000x64xf32, #tpu.memory_space<hbm>> -> memref<10000x64xf32, #tpu.memory_space<hbm>>
      tpu.enqueue_indirect_dma source(%dma_start3A_37 : memref<10000x64xf32, #tpu.memory_space<hbm>>) target(%arg10 : memref<250x64xf32, #tpu.memory_space<vmem>>) offsets(%dma_start3A_34 : memref<250xi32, #tpu.memory_space<vmem>>) semaphore(%arg13 : memref<!tpu.dma_semaphore, #tpu.memory_space<semaphore_mem>>)
      %dma_wait3A = arith.constant 0 : i32
      %dma_wait3A_38 = tpu.memref_slice %arg7[%mul3A_27, %dma_wait3A] : memref<40x250xi32, #tpu.memory_space<vmem>> -> memref<1x250xi32, #tpu.memory_space<vmem>>
      %dma_wait3A_39 = tpu.memref_squeeze %dma_wait3A_38 : memref<1x250xi32, #tpu.memory_space<vmem>> -> memref<250xi32, #tpu.memory_space<vmem>>
      %dma_wait3A_40 = arith.constant 0 : i32
      %dma_wait3A_41 = arith.constant 0 : i32
      %dma_wait3A_42 = tpu.memref_slice %arg2[%dma_wait3A_40, %dma_wait3A_41] : memref<10000x64xf32, #tpu.memory_space<hbm>> -> memref<10000x64xf32, #tpu.memory_space<hbm>>
      tpu.wait_indirect_dma semaphore(%arg12 : memref<!tpu.dma_semaphore, #tpu.memory_space<semaphore_mem>>) src(%dma_wait3A_42 : memref<10000x64xf32, #tpu.memory_space<hbm>>) dst(%arg9 : memref<250x64xf32, #tpu.memory_space<vmem>>)
      "tpu.region"() ({
        %run_scoped3A = tpu.sem_alloc : memref<!tpu.dma_semaphore, #tpu.memory_space<semaphore_mem>>
        %dma_start3A_51 = arith.constant 0 : i32
        %dma_start3A_52 = tpu.memref_slice %arg8[%mul3A_27, %dma_start3A_51] : memref<40x250xi32, #tpu.memory_space<vmem>> -> memref<1x250xi32, #tpu.memory_space<vmem>>
        %dma_start3A_53 = tpu.memref_squeeze %dma_start3A_52 : memref<1x250xi32, #tpu.memory_space<vmem>> -> memref<250xi32, #tpu.memory_space<vmem>>
        %dma_start3A_54 = arith.constant 0 : i32
        %dma_start3A_55 = arith.constant 0 : i32
        %dma_start3A_56 = tpu.memref_slice %arg11[%dma_start3A_54, %dma_start3A_55] : memref<10112x64xf32, #tpu.memory_space<vmem_shared>> -> memref<10112x64xf32, #tpu.memory_space<vmem_shared>>
        tpu.enqueue_indirect_dma source(%arg9 : memref<250x64xf32, #tpu.memory_space<vmem>>) target(%dma_start3A_56 : memref<10112x64xf32, #tpu.memory_space<vmem_shared>>) offsets(%dma_start3A_53 : memref<250xi32, #tpu.memory_space<vmem>>) semaphore(%run_scoped3A : memref<!tpu.dma_semaphore, #tpu.memory_space<semaphore_mem>>) {add = true}
        %dma_wait3A_57 = arith.constant 0 : i32
        %dma_wait3A_58 = tpu.memref_slice %arg8[%mul3A_27, %dma_wait3A_57] : memref<40x250xi32, #tpu.memory_space<vmem>> -> memref<1x250xi32, #tpu.memory_space<vmem>>
        %dma_wait3A_59 = tpu.memref_squeeze %dma_wait3A_58 : memref<1x250xi32, #tpu.memory_space<vmem>> -> memref<250xi32, #tpu.memory_space<vmem>>
        %dma_wait3A_60 = arith.constant 0 : i32
        %dma_wait3A_61 = arith.constant 0 : i32
        %dma_wait3A_62 = tpu.memref_slice %arg11[%dma_wait3A_60, %dma_wait3A_61] : memref<10112x64xf32, #tpu.memory_space<vmem_shared>> -> memref<10112x64xf32, #tpu.memory_space<vmem_shared>>
        tpu.wait_indirect_dma semaphore(%run_scoped3A : memref<!tpu.dma_semaphore, #tpu.memory_space<semaphore_mem>>) src(%arg9 : memref<250x64xf32, #tpu.memory_space<vmem>>) dst(%dma_wait3A_62 : memref<10112x64xf32, #tpu.memory_space<vmem_shared>>)
        tpu.yield
      }) : () -> ()
      %lt3A = arith.constant 19 : i32
      %lt3A_43 = arith.cmpi slt, %scan3A_25, %lt3A : i32
      %convert_element_type3A = arith.extui %lt3A_43 : i1 to i32
      %cond3A = arith.constant 0 : i32
      %cond3A_44 = arith.cmpi ne, %convert_element_type3A, %cond3A : i32
      scf.if %cond3A_44 {
        %add3A_51 = arith.constant 2 : i32
        %add3A_52 = arith.addi %mul3A_27, %add3A_51 : i32
        %dma_start3A_53 = arith.constant 0 : i32
        %dma_start3A_54 = tpu.memref_slice %arg7[%add3A_52, %dma_start3A_53] : memref<40x250xi32, #tpu.memory_space<vmem>> -> memref<1x250xi32, #tpu.memory_space<vmem>>
        %dma_start3A_55 = tpu.memref_squeeze %dma_start3A_54 : memref<1x250xi32, #tpu.memory_space<vmem>> -> memref<250xi32, #tpu.memory_space<vmem>>
        %dma_start3A_56 = arith.constant 0 : i32
        %dma_start3A_57 = arith.constant 0 : i32
        %dma_start3A_58 = tpu.memref_slice %arg2[%dma_start3A_56, %dma_start3A_57] : memref<10000x64xf32, #tpu.memory_space<hbm>> -> memref<10000x64xf32, #tpu.memory_space<hbm>>
        tpu.enqueue_indirect_dma source(%dma_start3A_58 : memref<10000x64xf32, #tpu.memory_space<hbm>>) target(%arg9 : memref<250x64xf32, #tpu.memory_space<vmem>>) offsets(%dma_start3A_55 : memref<250xi32, #tpu.memory_space<vmem>>) semaphore(%arg12 : memref<!tpu.dma_semaphore, #tpu.memory_space<semaphore_mem>>)
      } else {
      }
      %dma_wait3A_45 = arith.constant 0 : i32
      %dma_wait3A_46 = tpu.memref_slice %arg7[%add3A_31, %dma_wait3A_45] : memref<40x250xi32, #tpu.memory_space<vmem>> -> memref<1x250xi32, #tpu.memory_space<vmem>>
      %dma_wait3A_47 = tpu.memref_squeeze %dma_wait3A_46 : memref<1x250xi32, #tpu.memory_space<vmem>> -> memref<250xi32, #tpu.memory_space<vmem>>
      %dma_wait3A_48 = arith.constant 0 : i32
      %dma_wait3A_49 = arith.constant 0 : i32
      %dma_wait3A_50 = tpu.memref_slice %arg2[%dma_wait3A_48, %dma_wait3A_49] : memref<10000x64xf32, #tpu.memory_space<hbm>> -> memref<10000x64xf32, #tpu.memory_space<hbm>>
      tpu.wait_indirect_dma semaphore(%arg13 : memref<!tpu.dma_semaphore, #tpu.memory_space<semaphore_mem>>) src(%dma_wait3A_50 : memref<10000x64xf32, #tpu.memory_space<hbm>>) dst(%arg10 : memref<250x64xf32, #tpu.memory_space<vmem>>)
      "tpu.region"() ({
        %run_scoped3A = tpu.sem_alloc : memref<!tpu.dma_semaphore, #tpu.memory_space<semaphore_mem>>
        %dma_start3A_51 = arith.constant 0 : i32
        %dma_start3A_52 = tpu.memref_slice %arg8[%add3A_31, %dma_start3A_51] : memref<40x250xi32, #tpu.memory_space<vmem>> -> memref<1x250xi32, #tpu.memory_space<vmem>>
        %dma_start3A_53 = tpu.memref_squeeze %dma_start3A_52 : memref<1x250xi32, #tpu.memory_space<vmem>> -> memref<250xi32, #tpu.memory_space<vmem>>
        %dma_start3A_54 = arith.constant 0 : i32
        %dma_start3A_55 = arith.constant 0 : i32
        %dma_start3A_56 = tpu.memref_slice %arg11[%dma_start3A_54, %dma_start3A_55] : memref<10112x64xf32, #tpu.memory_space<vmem_shared>> -> memref<10112x64xf32, #tpu.memory_space<vmem_shared>>
        tpu.enqueue_indirect_dma source(%arg10 : memref<250x64xf32, #tpu.memory_space<vmem>>) target(%dma_start3A_56 : memref<10112x64xf32, #tpu.memory_space<vmem_shared>>) offsets(%dma_start3A_53 : memref<250xi32, #tpu.memory_space<vmem>>) semaphore(%run_scoped3A : memref<!tpu.dma_semaphore, #tpu.memory_space<semaphore_mem>>) {add = true}
        %dma_wait3A_57 = arith.constant 0 : i32
        %dma_wait3A_58 = tpu.memref_slice %arg8[%add3A_31, %dma_wait3A_57] : memref<40x250xi32, #tpu.memory_space<vmem>> -> memref<1x250xi32, #tpu.memory_space<vmem>>
        %dma_wait3A_59 = tpu.memref_squeeze %dma_wait3A_58 : memref<1x250xi32, #tpu.memory_space<vmem>> -> memref<250xi32, #tpu.memory_space<vmem>>
        %dma_wait3A_60 = arith.constant 0 : i32
        %dma_wait3A_61 = arith.constant 0 : i32
        %dma_wait3A_62 = tpu.memref_slice %arg11[%dma_wait3A_60, %dma_wait3A_61] : memref<10112x64xf32, #tpu.memory_space<vmem_shared>> -> memref<10112x64xf32, #tpu.memory_space<vmem_shared>>
        tpu.wait_indirect_dma semaphore(%run_scoped3A : memref<!tpu.dma_semaphore, #tpu.memory_space<semaphore_mem>>) src(%arg10 : memref<250x64xf32, #tpu.memory_space<vmem>>) dst(%dma_wait3A_62 : memref<10112x64xf32, #tpu.memory_space<vmem_shared>>)
        tpu.yield
      }) : () -> ()
    }
    %scan3A_17 = arith.constant 20 : i32
    %barrier3A_18 = arith.constant 0 : index
    tpu.barrier barrier_id(%barrier3A_18)
    %mul3A_19 = arith.constant 632 : i32
    %mul3A_20 = arith.muli %arg1, %mul3A_19 : i32
    %mul3A_21 = arith.constant 632 : i32
    %mul3A_22 = arith.muli %arg1, %mul3A_21 : i32
    %mul3A_23 = arith.constant 64 : i32
    %mul3A_24 = arith.muli %mul3A_23, %arg0 : i32
    "tpu.region"() ({
      %run_scoped3A = tpu.sem_alloc : memref<!tpu.dma_semaphore, #tpu.memory_space<semaphore_mem>>
      %dma_start3A_25 = tpu.memref_slice %arg6[%mul3A_22, %mul3A_24] : memref<10112x128xf32, #tpu.memory_space<hbm>> -> memref<632x64xf32, #tpu.memory_space<hbm>>
      %dma_start3A_26 = arith.constant 0 : i32
      %dma_start3A_27 = tpu.memref_slice %arg11[%mul3A_20, %dma_start3A_26] : memref<10112x64xf32, #tpu.memory_space<vmem_shared>> -> memref<632x64xf32, #tpu.memory_space<vmem_shared>>
      tpu.enqueue_dma source(%dma_start3A_27 : memref<632x64xf32, #tpu.memory_space<vmem_shared>>) target(%dma_start3A_25 : memref<632x64xf32, #tpu.memory_space<hbm>>) target_semaphore(%run_scoped3A : memref<!tpu.dma_semaphore, #tpu.memory_space<semaphore_mem>>)
      %dma_wait3A = tpu.memref_slice %arg6[%mul3A_22, %mul3A_24] : memref<10112x128xf32, #tpu.memory_space<hbm>> -> memref<632x64xf32, #tpu.memory_space<hbm>>
      %dma_wait3A_28 = arith.constant 0 : i32
      %dma_wait3A_29 = tpu.memref_slice %arg11[%mul3A_20, %dma_wait3A_28] : memref<10112x64xf32, #tpu.memory_space<vmem_shared>> -> memref<632x64xf32, #tpu.memory_space<vmem_shared>>
      tpu.wait_dma2 semaphore(%run_scoped3A : memref<!tpu.dma_semaphore, #tpu.memory_space<semaphore_mem>>) src(%dma_wait3A_29 : memref<632x64xf32, #tpu.memory_space<vmem_shared>>) dst(%dma_wait3A : memref<632x64xf32, #tpu.memory_space<hbm>>)
      tpu.yield
    }) : () -> ()
    return
  }
}

#map = affine_map<(d0, d1) -> (0, 0)>
module attributes {stable_mosaic.version = 14 : i64} {
  func.func @k(%arg0: i32, %arg1: i32, %arg2: memref<10000x64xf32, #tpu.memory_space<hbm>>, %arg3: memref<1280x250xi32, #tpu.memory_space<hbm>>, %arg4: memref<1280x250xi32, #tpu.memory_space<hbm>>, %arg5: memref<632x64xf32, #tpu.memory_space<hbm>>, %arg6: memref<10112x128xf32, #tpu.memory_space<hbm>>, %arg7: memref<40x250xi32, #tpu.memory_space<vmem>>, %arg8: memref<40x250xi32, #tpu.memory_space<vmem>>, %arg9: memref<250x64xf32, #tpu.memory_space<vmem>>, %arg10: memref<250x64xf32, #tpu.memory_space<vmem>>, %arg11: memref<10112x64xf32, #tpu.memory_space<vmem_shared>>, %arg12: memref<!tpu.dma_semaphore, #tpu.memory_space<semaphore_mem>>, %arg13: memref<!tpu.dma_semaphore, #tpu.memory_space<semaphore_mem>>) attributes {dimension_semantics = [#tpu.dimension_semantics<core_parallel>, #tpu.dimension_semantics<subcore_parallel>], iteration_bounds = array<i64: 2, 16>, scalar_prefetch = 0 : i64, scratch_operands = 7 : i64, tpu.core_type = #tpu.core_type<sc_vector_subcore>, window_params = [{transform_indices = #map}, {transform_indices = #map}, {transform_indices = #map}, {transform_indices = #map}, {transform_indices = #map}]} {
    %mul3A = arith.constant 2 : i32
    %mul3A_0 = arith.muli %arg1, %mul3A : i32
    %add3A = arith.addi %mul3A_0, %arg0 : i32
    %mul3A_1 = arith.constant 632 : i32
    %mul3A_2 = arith.muli %arg1, %mul3A_1 : i32
    "tpu.region"() ({
      %run_scoped3A = tpu.sem_alloc : memref<!tpu.dma_semaphore, #tpu.memory_space<semaphore_mem>>
      %dma_start3A_25 = arith.constant 0 : i32
      %dma_start3A_26 = tpu.memref_slice %arg11[%mul3A_2, %dma_start3A_25] : memref<10112x64xf32, #tpu.memory_space<vmem_shared>> -> memref<632x64xf32, #tpu.memory_space<vmem_shared>>
      tpu.enqueue_dma source(%arg5 : memref<632x64xf32, #tpu.memory_space<hbm>>) target(%dma_start3A_26 : memref<632x64xf32, #tpu.memory_space<vmem_shared>>) target_semaphore(%run_scoped3A : memref<!tpu.dma_semaphore, #tpu.memory_space<semaphore_mem>>)
      %dma_wait3A = arith.constant 0 : i32
      %dma_wait3A_27 = tpu.memref_slice %arg11[%mul3A_2, %dma_wait3A] : memref<10112x64xf32, #tpu.memory_space<vmem_shared>> -> memref<632x64xf32, #tpu.memory_space<vmem_shared>>
      tpu.wait_dma2 semaphore(%run_scoped3A : memref<!tpu.dma_semaphore, #tpu.memory_space<semaphore_mem>>) src(%arg5 : memref<632x64xf32, #tpu.memory_space<hbm>>) dst(%dma_wait3A_27 : memref<632x64xf32, #tpu.memory_space<vmem_shared>>)
      tpu.yield
    }) : () -> ()
    %mul3A_3 = arith.constant 40 : i32
    %mul3A_4 = arith.muli %add3A, %mul3A_3 : i32
    "tpu.region"() ({
      %run_scoped3A = tpu.sem_alloc : memref<!tpu.dma_semaphore, #tpu.memory_space<semaphore_mem>>
      %dma_start3A_25 = arith.constant 0 : i32
      %dma_start3A_26 = tpu.memref_slice %arg3[%mul3A_4, %dma_start3A_25] : memref<1280x250xi32, #tpu.memory_space<hbm>> -> memref<40x250xi32, #tpu.memory_space<hbm>>
      %dma_start3A_27 = arith.constant 0 : i32
      %dma_start3A_28 = tpu.memref_slice %arg3[%mul3A_4, %dma_start3A_27] : memref<1280x250xi32, #tpu.memory_space<hbm>> -> memref<40x250xi32, #tpu.memory_space<hbm>>
      tpu.enqueue_dma source(%dma_start3A_28 : memref<40x250xi32, #tpu.memory_space<hbm>>) target(%arg7 : memref<40x250xi32, #tpu.memory_space<vmem>>) target_semaphore(%run_scoped3A : memref<!tpu.dma_semaphore, #tpu.memory_space<semaphore_mem>>)
      %dma_wait3A = arith.constant 0 : i32
      %dma_wait3A_29 = tpu.memref_slice %arg3[%mul3A_4, %dma_wait3A] : memref<1280x250xi32, #tpu.memory_space<hbm>> -> memref<40x250xi32, #tpu.memory_space<hbm>>
      %dma_wait3A_30 = arith.constant 0 : i32
      %dma_wait3A_31 = tpu.memref_slice %arg3[%mul3A_4, %dma_wait3A_30] : memref<1280x250xi32, #tpu.memory_space<hbm>> -> memref<40x250xi32, #tpu.memory_space<hbm>>
      tpu.wait_dma2 semaphore(%run_scoped3A : memref<!tpu.dma_semaphore, #tpu.memory_space<semaphore_mem>>) src(%dma_wait3A_31 : memref<40x250xi32, #tpu.memory_space<hbm>>) dst(%arg7 : memref<40x250xi32, #tpu.memory_space<vmem>>)
      tpu.yield
    }) : () -> ()
    %mul3A_5 = arith.constant 40 : i32
    %mul3A_6 = arith.muli %add3A, %mul3A_5 : i32
    "tpu.region"() ({
      %run_scoped3A = tpu.sem_alloc : memref<!tpu.dma_semaphore, #tpu.memory_space<semaphore_mem>>
      %dma_start3A_25 = arith.constant 0 : i32
      %dma_start3A_26 = tpu.memref_slice %arg4[%mul3A_6, %dma_start3A_25] : memref<1280x250xi32, #tpu.memory_space<hbm>> -> memref<40x250xi32, #tpu.memory_space<hbm>>
      %dma_start3A_27 = arith.constant 0 : i32
      %dma_start3A_28 = tpu.memref_slice %arg4[%mul3A_6, %dma_start3A_27] : memref<1280x250xi32, #tpu.memory_space<hbm>> -> memref<40x250xi32, #tpu.memory_space<hbm>>
      tpu.enqueue_dma source(%dma_start3A_28 : memref<40x250xi32, #tpu.memory_space<hbm>>) target(%arg8 : memref<40x250xi32, #tpu.memory_space<vmem>>) target_semaphore(%run_scoped3A : memref<!tpu.dma_semaphore, #tpu.memory_space<semaphore_mem>>)
      %dma_wait3A = arith.constant 0 : i32
      %dma_wait3A_29 = tpu.memref_slice %arg4[%mul3A_6, %dma_wait3A] : memref<1280x250xi32, #tpu.memory_space<hbm>> -> memref<40x250xi32, #tpu.memory_space<hbm>>
      %dma_wait3A_30 = arith.constant 0 : i32
      %dma_wait3A_31 = tpu.memref_slice %arg4[%mul3A_6, %dma_wait3A_30] : memref<1280x250xi32, #tpu.memory_space<hbm>> -> memref<40x250xi32, #tpu.memory_space<hbm>>
      tpu.wait_dma2 semaphore(%run_scoped3A : memref<!tpu.dma_semaphore, #tpu.memory_space<semaphore_mem>>) src(%dma_wait3A_31 : memref<40x250xi32, #tpu.memory_space<hbm>>) dst(%arg8 : memref<40x250xi32, #tpu.memory_space<vmem>>)
      tpu.yield
    }) : () -> ()
    %barrier3A = arith.constant 0 : index
    tpu.barrier barrier_id(%barrier3A)
    %dma_start3A = arith.constant 0 : i32
    %dma_start3A_7 = arith.constant 0 : i32
    %dma_start3A_8 = tpu.memref_slice %arg7[%dma_start3A, %dma_start3A_7] : memref<40x250xi32, #tpu.memory_space<vmem>> -> memref<1x250xi32, #tpu.memory_space<vmem>>
    %dma_start3A_9 = tpu.memref_squeeze %dma_start3A_8 : memref<1x250xi32, #tpu.memory_space<vmem>> -> memref<250xi32, #tpu.memory_space<vmem>>
    %dma_start3A_10 = arith.constant 0 : i32
    %dma_start3A_11 = arith.constant 0 : i32
    %dma_start3A_12 = tpu.memref_slice %arg2[%dma_start3A_10, %dma_start3A_11] : memref<10000x64xf32, #tpu.memory_space<hbm>> -> memref<10000x64xf32, #tpu.memory_space<hbm>>
    tpu.enqueue_indirect_dma source(%dma_start3A_12 : memref<10000x64xf32, #tpu.memory_space<hbm>>) target(%arg9 : memref<250x64xf32, #tpu.memory_space<vmem>>) offsets(%dma_start3A_9 : memref<250xi32, #tpu.memory_space<vmem>>) semaphore(%arg12 : memref<!tpu.dma_semaphore, #tpu.memory_space<semaphore_mem>>)
    %scan3A = arith.constant 0 : i32
    %scan3A_13 = arith.constant 0 : i32
    %scan3A_14 = arith.constant 20 : i32
    %scan3A_15 = arith.addi %scan3A_13, %scan3A_14 : i32
    %scan3A_16 = arith.constant 1 : i32
    scf.for %scan3A_25 = %scan3A_13 to %scan3A_15 step %scan3A_16  : i32 {
      %mul3A_26 = arith.constant 2 : i32
      %mul3A_27 = arith.muli %mul3A_26, %scan3A_25 : i32
      %mul3A_28 = arith.constant 2 : i32
      %mul3A_29 = arith.muli %mul3A_28, %scan3A_25 : i32
      %add3A_30 = arith.constant 1 : i32
      %add3A_31 = arith.addi %mul3A_29, %add3A_30 : i32
      %dma_start3A_32 = arith.constant 0 : i32
      %dma_start3A_33 = tpu.memref_slice %arg7[%add3A_31, %dma_start3A_32] : memref<40x250xi32, #tpu.memory_space<vmem>> -> memref<1x250xi32, #tpu.memory_space<vmem>>
      %dma_start3A_34 = tpu.memref_squeeze %dma_start3A_33 : memref<1x250xi32, #tpu.memory_space<vmem>> -> memref<250xi32, #tpu.memory_space<vmem>>
      %dma_start3A_35 = arith.constant 0 : i32
      %dma_start3A_36 = arith.constant 0 : i32
      %dma_start3A_37 = tpu.memref_slice %arg2[%dma_start3A_35, %dma_start3A_36] : memref<10000x64xf32, #tpu.memory_space<hbm>> -> memref<10000x64xf32, #tpu.memory_space<hbm>>
      tpu.enqueue_indirect_dma source(%dma_start3A_37 : memref<10000x64xf32, #tpu.memory_space<hbm>>) target(%arg10 : memref<250x64xf32, #tpu.memory_space<vmem>>) offsets(%dma_start3A_34 : memref<250xi32, #tpu.memory_space<vmem>>) semaphore(%arg13 : memref<!tpu.dma_semaphore, #tpu.memory_space<semaphore_mem>>)
      %dma_wait3A = arith.constant 0 : i32
      %dma_wait3A_38 = tpu.memref_slice %arg7[%mul3A_27, %dma_wait3A] : memref<40x250xi32, #tpu.memory_space<vmem>> -> memref<1x250xi32, #tpu.memory_space<vmem>>
      %dma_wait3A_39 = tpu.memref_squeeze %dma_wait3A_38 : memref<1x250xi32, #tpu.memory_space<vmem>> -> memref<250xi32, #tpu.memory_space<vmem>>
      %dma_wait3A_40 = arith.constant 0 : i32
      %dma_wait3A_41 = arith.constant 0 : i32
      %dma_wait3A_42 = tpu.memref_slice %arg2[%dma_wait3A_40, %dma_wait3A_41] : memref<10000x64xf32, #tpu.memory_space<hbm>> -> memref<10000x64xf32, #tpu.memory_space<hbm>>
      tpu.wait_indirect_dma semaphore(%arg12 : memref<!tpu.dma_semaphore, #tpu.memory_space<semaphore_mem>>) src(%dma_wait3A_42 : memref<10000x64xf32, #tpu.memory_space<hbm>>) dst(%arg9 : memref<250x64xf32, #tpu.memory_space<vmem>>)
      "tpu.region"() ({
        %run_scoped3A = tpu.sem_alloc : memref<!tpu.dma_semaphore, #tpu.memory_space<semaphore_mem>>
        %dma_start3A_51 = arith.constant 0 : i32
        %dma_start3A_52 = tpu.memref_slice %arg8[%mul3A_27, %dma_start3A_51] : memref<40x250xi32, #tpu.memory_space<vmem>> -> memref<1x250xi32, #tpu.memory_space<vmem>>
        %dma_start3A_53 = tpu.memref_squeeze %dma_start3A_52 : memref<1x250xi32, #tpu.memory_space<vmem>> -> memref<250xi32, #tpu.memory_space<vmem>>
        %dma_start3A_54 = arith.constant 0 : i32
        %dma_start3A_55 = arith.constant 0 : i32
        %dma_start3A_56 = tpu.memref_slice %arg11[%dma_start3A_54, %dma_start3A_55] : memref<10112x64xf32, #tpu.memory_space<vmem_shared>> -> memref<10112x64xf32, #tpu.memory_space<vmem_shared>>
        tpu.enqueue_indirect_dma source(%arg9 : memref<250x64xf32, #tpu.memory_space<vmem>>) target(%dma_start3A_56 : memref<10112x64xf32, #tpu.memory_space<vmem_shared>>) offsets(%dma_start3A_53 : memref<250xi32, #tpu.memory_space<vmem>>) semaphore(%run_scoped3A : memref<!tpu.dma_semaphore, #tpu.memory_space<semaphore_mem>>) {add = true}
        %dma_wait3A_57 = arith.constant 0 : i32
        %dma_wait3A_58 = tpu.memref_slice %arg8[%mul3A_27, %dma_wait3A_57] : memref<40x250xi32, #tpu.memory_space<vmem>> -> memref<1x250xi32, #tpu.memory_space<vmem>>
        %dma_wait3A_59 = tpu.memref_squeeze %dma_wait3A_58 : memref<1x250xi32, #tpu.memory_space<vmem>> -> memref<250xi32, #tpu.memory_space<vmem>>
        %dma_wait3A_60 = arith.constant 0 : i32
        %dma_wait3A_61 = arith.constant 0 : i32
        %dma_wait3A_62 = tpu.memref_slice %arg11[%dma_wait3A_60, %dma_wait3A_61] : memref<10112x64xf32, #tpu.memory_space<vmem_shared>> -> memref<10112x64xf32, #tpu.memory_space<vmem_shared>>
        tpu.wait_indirect_dma semaphore(%run_scoped3A : memref<!tpu.dma_semaphore, #tpu.memory_space<semaphore_mem>>) src(%arg9 : memref<250x64xf32, #tpu.memory_space<vmem>>) dst(%dma_wait3A_62 : memref<10112x64xf32, #tpu.memory_space<vmem_shared>>)
        tpu.yield
      }) : () -> ()
      %lt3A = arith.constant 19 : i32
      %lt3A_43 = arith.cmpi slt, %scan3A_25, %lt3A : i32
      %convert_element_type3A = arith.extui %lt3A_43 : i1 to i32
      %cond3A = arith.constant 0 : i32
      %cond3A_44 = arith.cmpi ne, %convert_element_type3A, %cond3A : i32
      scf.if %cond3A_44 {
        %add3A_51 = arith.constant 2 : i32
        %add3A_52 = arith.addi %mul3A_27, %add3A_51 : i32
        %dma_start3A_53 = arith.constant 0 : i32
        %dma_start3A_54 = tpu.memref_slice %arg7[%add3A_52, %dma_start3A_53] : memref<40x250xi32, #tpu.memory_space<vmem>> -> memref<1x250xi32, #tpu.memory_space<vmem>>
        %dma_start3A_55 = tpu.memref_squeeze %dma_start3A_54 : memref<1x250xi32, #tpu.memory_space<vmem>> -> memref<250xi32, #tpu.memory_space<vmem>>
        %dma_start3A_56 = arith.constant 0 : i32
        %dma_start3A_57 = arith.constant 0 : i32
        %dma_start3A_58 = tpu.memref_slice %arg2[%dma_start3A_56, %dma_start3A_57] : memref<10000x64xf32, #tpu.memory_space<hbm>> -> memref<10000x64xf32, #tpu.memory_space<hbm>>
        tpu.enqueue_indirect_dma source(%dma_start3A_58 : memref<10000x64xf32, #tpu.memory_space<hbm>>) target(%arg9 : memref<250x64xf32, #tpu.memory_space<vmem>>) offsets(%dma_start3A_55 : memref<250xi32, #tpu.memory_space<vmem>>) semaphore(%arg12 : memref<!tpu.dma_semaphore, #tpu.memory_space<semaphore_mem>>)
      } else {
      }
      %dma_wait3A_45 = arith.constant 0 : i32
      %dma_wait3A_46 = tpu.memref_slice %arg7[%add3A_31, %dma_wait3A_45] : memref<40x250xi32, #tpu.memory_space<vmem>> -> memref<1x250xi32, #tpu.memory_space<vmem>>
      %dma_wait3A_47 = tpu.memref_squeeze %dma_wait3A_46 : memref<1x250xi32, #tpu.memory_space<vmem>> -> memref<250xi32, #tpu.memory_space<vmem>>
      %dma_wait3A_48 = arith.constant 0 : i32
      %dma_wait3A_49 = arith.constant 0 : i32
      %dma_wait3A_50 = tpu.memref_slice %arg2[%dma_wait3A_48, %dma_wait3A_49] : memref<10000x64xf32, #tpu.memory_space<hbm>> -> memref<10000x64xf32, #tpu.memory_space<hbm>>
      tpu.wait_indirect_dma semaphore(%arg13 : memref<!tpu.dma_semaphore, #tpu.memory_space<semaphore_mem>>) src(%dma_wait3A_50 : memref<10000x64xf32, #tpu.memory_space<hbm>>) dst(%arg10 : memref<250x64xf32, #tpu.memory_space<vmem>>)
      "tpu.region"() ({
        %run_scoped3A = tpu.sem_alloc : memref<!tpu.dma_semaphore, #tpu.memory_space<semaphore_mem>>
        %dma_start3A_51 = arith.constant 0 : i32
        %dma_start3A_52 = tpu.memref_slice %arg8[%add3A_31, %dma_start3A_51] : memref<40x250xi32, #tpu.memory_space<vmem>> -> memref<1x250xi32, #tpu.memory_space<vmem>>
        %dma_start3A_53 = tpu.memref_squeeze %dma_start3A_52 : memref<1x250xi32, #tpu.memory_space<vmem>> -> memref<250xi32, #tpu.memory_space<vmem>>
        %dma_start3A_54 = arith.constant 0 : i32
        %dma_start3A_55 = arith.constant 0 : i32
        %dma_start3A_56 = tpu.memref_slice %arg11[%dma_start3A_54, %dma_start3A_55] : memref<10112x64xf32, #tpu.memory_space<vmem_shared>> -> memref<10112x64xf32, #tpu.memory_space<vmem_shared>>
        tpu.enqueue_indirect_dma source(%arg10 : memref<250x64xf32, #tpu.memory_space<vmem>>) target(%dma_start3A_56 : memref<10112x64xf32, #tpu.memory_space<vmem_shared>>) offsets(%dma_start3A_53 : memref<250xi32, #tpu.memory_space<vmem>>) semaphore(%run_scoped3A : memref<!tpu.dma_semaphore, #tpu.memory_space<semaphore_mem>>) {add = true}
        %dma_wait3A_57 = arith.constant 0 : i32
        %dma_wait3A_58 = tpu.memref_slice %arg8[%add3A_31, %dma_wait3A_57] : memref<40x250xi32, #tpu.memory_space<vmem>> -> memref<1x250xi32, #tpu.memory_space<vmem>>
        %dma_wait3A_59 = tpu.memref_squeeze %dma_wait3A_58 : memref<1x250xi32, #tpu.memory_space<vmem>> -> memref<250xi32, #tpu.memory_space<vmem>>
        %dma_wait3A_60 = arith.constant 0 : i32
        %dma_wait3A_61 = arith.constant 0 : i32
        %dma_wait3A_62 = tpu.memref_slice %arg11[%dma_wait3A_60, %dma_wait3A_61] : memref<10112x64xf32, #tpu.memory_space<vmem_shared>> -> memref<10112x64xf32, #tpu.memory_space<vmem_shared>>
        tpu.wait_indirect_dma semaphore(%run_scoped3A : memref<!tpu.dma_semaphore, #tpu.memory_space<semaphore_mem>>) src(%arg10 : memref<250x64xf32, #tpu.memory_space<vmem>>) dst(%dma_wait3A_62 : memref<10112x64xf32, #tpu.memory_space<vmem_shared>>)
        tpu.yield
      }) : () -> ()
    }
    %scan3A_17 = arith.constant 20 : i32
    %barrier3A_18 = arith.constant 0 : index
    tpu.barrier barrier_id(%barrier3A_18)
    %mul3A_19 = arith.constant 632 : i32
    %mul3A_20 = arith.muli %arg1, %mul3A_19 : i32
    %mul3A_21 = arith.constant 632 : i32
    %mul3A_22 = arith.muli %arg1, %mul3A_21 : i32
    %mul3A_23 = arith.constant 64 : i32
    %mul3A_24 = arith.muli %mul3A_23, %arg0 : i32
    "tpu.region"() ({
      %run_scoped3A = tpu.sem_alloc : memref<!tpu.dma_semaphore, #tpu.memory_space<semaphore_mem>>
      %dma_start3A_25 = tpu.memref_slice %arg6[%mul3A_22, %mul3A_24] : memref<10112x128xf32, #tpu.memory_space<hbm>> -> memref<632x64xf32, #tpu.memory_space<hbm>>
      %dma_start3A_26 = arith.constant 0 : i32
      %dma_start3A_27 = tpu.memref_slice %arg11[%mul3A_20, %dma_start3A_26] : memref<10112x64xf32, #tpu.memory_space<vmem_shared>> -> memref<632x64xf32, #tpu.memory_space<vmem_shared>>
      tpu.enqueue_dma source(%dma_start3A_27 : memref<632x64xf32, #tpu.memory_space<vmem_shared>>) target(%dma_start3A_25 : memref<632x64xf32, #tpu.memory_space<hbm>>) target_semaphore(%run_scoped3A : memref<!tpu.dma_semaphore, #tpu.memory_space<semaphore_mem>>)
      %dma_wait3A = tpu.memref_slice %arg6[%mul3A_22, %mul3A_24] : memref<10112x128xf32, #tpu.memory_space<hbm>> -> memref<632x64xf32, #tpu.memory_space<hbm>>
      %dma_wait3A_28 = arith.constant 0 : i32
      %dma_wait3A_29 = tpu.memref_slice %arg11[%mul3A_20, %dma_wait3A_28] : memref<10112x64xf32, #tpu.memory_space<vmem_shared>> -> memref<632x64xf32, #tpu.memory_space<vmem_shared>>
      tpu.wait_dma2 semaphore(%run_scoped3A : memref<!tpu.dma_semaphore, #tpu.memory_space<semaphore_mem>>) src(%dma_wait3A_29 : memref<632x64xf32, #tpu.memory_space<vmem_shared>>) dst(%dma_wait3A : memref<632x64xf32, #tpu.memory_space<hbm>>)
      tpu.yield
    }) : () -> ()
    return
  }
}

#map = affine_map<(d0, d1) -> (0)>
#map1 = affine_map<(d0, d1) -> (0, 0, 0)>
module attributes {stable_mosaic.version = 14 : i64} {
  func.func @k(%arg0: i32, %arg1: i32, %arg2: memref<40000xf32, #tpu.memory_space<hbm>>, %arg3: memref<2500x2x128xi32, #tpu.memory_space<hbm>>, %arg4: memref<2500x2x128xf32, #tpu.memory_space<hbm>>, %arg5: memref<40000xf32, #tpu.memory_space<vmem>>, %arg6: memref<79x2x128xi32, #tpu.memory_space<vmem>>, %arg7: memref<79x2x128xf32, #tpu.memory_space<vmem>>) attributes {dimension_semantics = [#tpu.dimension_semantics<core_parallel>, #tpu.dimension_semantics<subcore_parallel>], iteration_bounds = array<i64: 2, 16>, scalar_prefetch = 0 : i64, scratch_operands = 3 : i64, tpu.core_type = #tpu.core_type<sc_vector_subcore>, window_params = [{transform_indices = #map}, {transform_indices = #map1}, {transform_indices = #map1}]} {
    %mul3A = arith.constant 2 : i32
    %mul3A_0 = arith.muli %arg1, %mul3A : i32
    %add3A = arith.addi %mul3A_0, %arg0 : i32
    "tpu.region"() ({
      %run_scoped3A = tpu.sem_alloc : memref<!tpu.dma_semaphore, #tpu.memory_space<semaphore_mem>>
      tpu.enqueue_dma source(%arg2 : memref<40000xf32, #tpu.memory_space<hbm>>) target(%arg5 : memref<40000xf32, #tpu.memory_space<vmem>>) target_semaphore(%run_scoped3A : memref<!tpu.dma_semaphore, #tpu.memory_space<semaphore_mem>>)
      tpu.wait_dma2 semaphore(%run_scoped3A : memref<!tpu.dma_semaphore, #tpu.memory_space<semaphore_mem>>) src(%arg2 : memref<40000xf32, #tpu.memory_space<hbm>>) dst(%arg5 : memref<40000xf32, #tpu.memory_space<vmem>>)
      tpu.yield
    }) : () -> ()
    %mul3A_1 = arith.constant 78 : i32
    %mul3A_2 = arith.muli %add3A, %mul3A_1 : i32
    "tpu.region"() ({
      %run_scoped3A = tpu.sem_alloc : memref<!tpu.dma_semaphore, #tpu.memory_space<semaphore_mem>>
      %dma_start3A = arith.constant 0 : i32
      %dma_start3A_22 = arith.constant 0 : i32
      %dma_start3A_23 = arith.constant 0 : i32
      %dma_start3A_24 = tpu.memref_slice %arg6[%dma_start3A, %dma_start3A_22, %dma_start3A_23] : memref<79x2x128xi32, #tpu.memory_space<vmem>> -> memref<78x2x128xi32, #tpu.memory_space<vmem>>
      %dma_start3A_25 = arith.constant 0 : i32
      %dma_start3A_26 = arith.constant 0 : i32
      %dma_start3A_27 = tpu.memref_slice %arg3[%mul3A_2, %dma_start3A_25, %dma_start3A_26] : memref<2500x2x128xi32, #tpu.memory_space<hbm>> -> memref<78x2x128xi32, #tpu.memory_space<hbm>>
      %dma_start3A_28 = arith.constant 0 : i32
      %dma_start3A_29 = arith.constant 0 : i32
      %dma_start3A_30 = arith.constant 0 : i32
      %dma_start3A_31 = tpu.memref_slice %arg6[%dma_start3A_28, %dma_start3A_29, %dma_start3A_30] : memref<79x2x128xi32, #tpu.memory_space<vmem>> -> memref<78x2x128xi32, #tpu.memory_space<vmem>>
      %dma_start3A_32 = arith.constant 0 : i32
      %dma_start3A_33 = arith.constant 0 : i32
      %dma_start3A_34 = tpu.memref_slice %arg3[%mul3A_2, %dma_start3A_32, %dma_start3A_33] : memref<2500x2x128xi32, #tpu.memory_space<hbm>> -> memref<78x2x128xi32, #tpu.memory_space<hbm>>
      tpu.enqueue_dma source(%dma_start3A_34 : memref<78x2x128xi32, #tpu.memory_space<hbm>>) target(%dma_start3A_31 : memref<78x2x128xi32, #tpu.memory_space<vmem>>) target_semaphore(%run_scoped3A : memref<!tpu.dma_semaphore, #tpu.memory_space<semaphore_mem>>)
      %dma_wait3A = arith.constant 0 : i32
      %dma_wait3A_35 = arith.constant 0 : i32
      %dma_wait3A_36 = arith.constant 0 : i32
      %dma_wait3A_37 = tpu.memref_slice %arg6[%dma_wait3A, %dma_wait3A_35, %dma_wait3A_36] : memref<79x2x128xi32, #tpu.memory_space<vmem>> -> memref<78x2x128xi32, #tpu.memory_space<vmem>>
      %dma_wait3A_38 = arith.constant 0 : i32
      %dma_wait3A_39 = arith.constant 0 : i32
      %dma_wait3A_40 = tpu.memref_slice %arg3[%mul3A_2, %dma_wait3A_38, %dma_wait3A_39] : memref<2500x2x128xi32, #tpu.memory_space<hbm>> -> memref<78x2x128xi32, #tpu.memory_space<hbm>>
      %dma_wait3A_41 = arith.constant 0 : i32
      %dma_wait3A_42 = arith.constant 0 : i32
      %dma_wait3A_43 = arith.constant 0 : i32
      %dma_wait3A_44 = tpu.memref_slice %arg6[%dma_wait3A_41, %dma_wait3A_42, %dma_wait3A_43] : memref<79x2x128xi32, #tpu.memory_space<vmem>> -> memref<78x2x128xi32, #tpu.memory_space<vmem>>
      %dma_wait3A_45 = arith.constant 0 : i32
      %dma_wait3A_46 = arith.constant 0 : i32
      %dma_wait3A_47 = tpu.memref_slice %arg3[%mul3A_2, %dma_wait3A_45, %dma_wait3A_46] : memref<2500x2x128xi32, #tpu.memory_space<hbm>> -> memref<78x2x128xi32, #tpu.memory_space<hbm>>
      tpu.wait_dma2 semaphore(%run_scoped3A : memref<!tpu.dma_semaphore, #tpu.memory_space<semaphore_mem>>) src(%dma_wait3A_47 : memref<78x2x128xi32, #tpu.memory_space<hbm>>) dst(%dma_wait3A_44 : memref<78x2x128xi32, #tpu.memory_space<vmem>>)
      tpu.yield
    }) : () -> ()
    %lt3A = arith.constant 4 : i32
    %lt3A_3 = arith.cmpi slt, %add3A, %lt3A : i32
    %convert_element_type3A = arith.extui %lt3A_3 : i1 to i32
    %cond3A = arith.constant 0 : i32
    %cond3A_4 = arith.cmpi ne, %convert_element_type3A, %cond3A : i32
    scf.if %cond3A_4 {
      %add3A_22 = arith.constant 2496 : i32
      %add3A_23 = arith.addi %add3A_22, %add3A : i32
      "tpu.region"() ({
        %run_scoped3A = tpu.sem_alloc : memref<!tpu.dma_semaphore, #tpu.memory_space<semaphore_mem>>
        %dma_start3A = arith.constant 78 : i32
        %dma_start3A_24 = arith.constant 0 : i32
        %dma_start3A_25 = arith.constant 0 : i32
        %dma_start3A_26 = tpu.memref_slice %arg6[%dma_start3A, %dma_start3A_24, %dma_start3A_25] : memref<79x2x128xi32, #tpu.memory_space<vmem>> -> memref<1x2x128xi32, #tpu.memory_space<vmem>>
        %dma_start3A_27 = arith.constant 0 : i32
        %dma_start3A_28 = arith.constant 0 : i32
        %dma_start3A_29 = tpu.memref_slice %arg3[%add3A_23, %dma_start3A_27, %dma_start3A_28] : memref<2500x2x128xi32, #tpu.memory_space<hbm>> -> memref<1x2x128xi32, #tpu.memory_space<hbm>>
        %dma_start3A_30 = arith.constant 78 : i32
        %dma_start3A_31 = arith.constant 0 : i32
        %dma_start3A_32 = arith.constant 0 : i32
        %dma_start3A_33 = tpu.memref_slice %arg6[%dma_start3A_30, %dma_start3A_31, %dma_start3A_32] : memref<79x2x128xi32, #tpu.memory_space<vmem>> -> memref<1x2x128xi32, #tpu.memory_space<vmem>>
        %dma_start3A_34 = arith.constant 0 : i32
        %dma_start3A_35 = arith.constant 0 : i32
        %dma_start3A_36 = tpu.memref_slice %arg3[%add3A_23, %dma_start3A_34, %dma_start3A_35] : memref<2500x2x128xi32, #tpu.memory_space<hbm>> -> memref<1x2x128xi32, #tpu.memory_space<hbm>>
        tpu.enqueue_dma source(%dma_start3A_36 : memref<1x2x128xi32, #tpu.memory_space<hbm>>) target(%dma_start3A_33 : memref<1x2x128xi32, #tpu.memory_space<vmem>>) target_semaphore(%run_scoped3A : memref<!tpu.dma_semaphore, #tpu.memory_space<semaphore_mem>>)
        %dma_wait3A = arith.constant 78 : i32
        %dma_wait3A_37 = arith.constant 0 : i32
        %dma_wait3A_38 = arith.constant 0 : i32
        %dma_wait3A_39 = tpu.memref_slice %arg6[%dma_wait3A, %dma_wait3A_37, %dma_wait3A_38] : memref<79x2x128xi32, #tpu.memory_space<vmem>> -> memref<1x2x128xi32, #tpu.memory_space<vmem>>
        %dma_wait3A_40 = arith.constant 0 : i32
        %dma_wait3A_41 = arith.constant 0 : i32
        %dma_wait3A_42 = tpu.memref_slice %arg3[%add3A_23, %dma_wait3A_40, %dma_wait3A_41] : memref<2500x2x128xi32, #tpu.memory_space<hbm>> -> memref<1x2x128xi32, #tpu.memory_space<hbm>>
        %dma_wait3A_43 = arith.constant 78 : i32
        %dma_wait3A_44 = arith.constant 0 : i32
        %dma_wait3A_45 = arith.constant 0 : i32
        %dma_wait3A_46 = tpu.memref_slice %arg6[%dma_wait3A_43, %dma_wait3A_44, %dma_wait3A_45] : memref<79x2x128xi32, #tpu.memory_space<vmem>> -> memref<1x2x128xi32, #tpu.memory_space<vmem>>
        %dma_wait3A_47 = arith.constant 0 : i32
        %dma_wait3A_48 = arith.constant 0 : i32
        %dma_wait3A_49 = tpu.memref_slice %arg3[%add3A_23, %dma_wait3A_47, %dma_wait3A_48] : memref<2500x2x128xi32, #tpu.memory_space<hbm>> -> memref<1x2x128xi32, #tpu.memory_space<hbm>>
        tpu.wait_dma2 semaphore(%run_scoped3A : memref<!tpu.dma_semaphore, #tpu.memory_space<semaphore_mem>>) src(%dma_wait3A_49 : memref<1x2x128xi32, #tpu.memory_space<hbm>>) dst(%dma_wait3A_46 : memref<1x2x128xi32, #tpu.memory_space<vmem>>)
        tpu.yield
      }) : () -> ()
    } else {
    }
    %scan3A = arith.constant 0 : i32
    %scan3A_5 = arith.constant 0 : i32
    %scan3A_6 = arith.constant 78 : i32
    %scan3A_7 = arith.addi %scan3A_5, %scan3A_6 : i32
    %scan3A_8 = arith.constant 1 : i32
    scf.for %scan3A_22 = %scan3A_5 to %scan3A_7 step %scan3A_8  : i32 {
      %get3A = arith.constant 0 : i32
      %get3A_23 = arith.index_cast %scan3A_22 : i32 to index
      %get3A_24 = arith.index_cast %get3A : i32 to index
      %get3A_25 = arith.constant 0 : index
      %get3A_26 = tpu.vector_load %arg6[%get3A_23, %get3A_24, %get3A_25] {strides = array<i32>} : memref<79x2x128xi32, #tpu.memory_space<vmem>>, vector<16xi32>,
      %mul3A_27 = arith.constant 4 : i32
      %mul3A_28 = vector.broadcast %mul3A_27 : i32 to vector<16xi32>
      %mul3A_29 = arith.muli %get3A_26, %mul3A_28 : vector<16xi32>
      %get3A_30 = arith.constant 1 : i32
      %get3A_31 = arith.index_cast %scan3A_22 : i32 to index
      %get3A_32 = arith.index_cast %get3A_30 : i32 to index
      %get3A_33 = arith.constant 0 : index
      %get3A_34 = tpu.vector_load %arg6[%get3A_31, %get3A_32, %get3A_33] {strides = array<i32>} : memref<79x2x128xi32, #tpu.memory_space<vmem>>, vector<16xi32>,
      %mul3A_35 = arith.constant 4 : i32
      %mul3A_36 = vector.broadcast %mul3A_35 : i32 to vector<16xi32>
      %mul3A_37 = arith.muli %get3A_34, %mul3A_36 : vector<16xi32>
      %gather3A = tpu.vector_load_idx %arg5[%mul3A_29] : memref<40000xf32, #tpu.memory_space<vmem>>[vector<16xi32>], vector<16xf32>,
      %add3A_38 = arith.constant 1 : i32
      %add3A_39 = vector.broadcast %add3A_38 : i32 to vector<16xi32>
      %add3A_40 = arith.addi %mul3A_29, %add3A_39 : vector<16xi32>
      %gather3A_41 = tpu.vector_load_idx %arg5[%add3A_40] : memref<40000xf32, #tpu.memory_space<vmem>>[vector<16xi32>], vector<16xf32>,
      %add3A_42 = arith.constant 2 : i32
      %add3A_43 = vector.broadcast %add3A_42 : i32 to vector<16xi32>
      %add3A_44 = arith.addi %mul3A_37, %add3A_43 : vector<16xi32>
      %gather3A_45 = tpu.vector_load_idx %arg5[%add3A_44] : memref<40000xf32, #tpu.memory_space<vmem>>[vector<16xi32>], vector<16xf32>,
      %add3A_46 = arith.constant 3 : i32
      %add3A_47 = vector.broadcast %add3A_46 : i32 to vector<16xi32>
      %add3A_48 = arith.addi %mul3A_37, %add3A_47 : vector<16xi32>
      %gather3A_49 = tpu.vector_load_idx %arg5[%add3A_48] : memref<40000xf32, #tpu.memory_space<vmem>>[vector<16xi32>], vector<16xf32>,
      %add3A_50 = arith.addf %gather3A, %gather3A_45 : vector<16xf32>
      %swap3A = arith.constant 0 : i32
      %swap3A_51 = arith.index_cast %scan3A_22 : i32 to index
      %swap3A_52 = arith.index_cast %swap3A : i32 to index
      %swap3A_53 = arith.constant 0 : index
      %swap3A_54 = tpu.vector_load %arg7[%swap3A_51, %swap3A_52, %swap3A_53] {strides = array<i32>} : memref<79x2x128xf32, #tpu.memory_space<vmem>>, vector<16xf32>,
      tpu.vector_store %arg7[%swap3A_51, %swap3A_52, %swap3A_53], %add3A_50 {strides = array<i32>} : memref<79x2x128xf32, #tpu.memory_space<vmem>>, vector<16xf32>,
      %add3A_55 = arith.addf %gather3A_41, %gather3A_49 : vector<16xf32>
      %swap3A_56 = arith.constant 1 : i32
      %swap3A_57 = arith.index_cast %scan3A_22 : i32 to index
      %swap3A_58 = arith.index_cast %swap3A_56 : i32 to index
      %swap3A_59 = arith.constant 0 : index
      %swap3A_60 = tpu.vector_load %arg7[%swap3A_57, %swap3A_58, %swap3A_59] {strides = array<i32>} : memref<79x2x128xf32, #tpu.memory_space<vmem>>, vector<16xf32>,
      tpu.vector_store %arg7[%swap3A_57, %swap3A_58, %swap3A_59], %add3A_55 {strides = array<i32>} : memref<79x2x128xf32, #tpu.memory_space<vmem>>, vector<16xf32>,
      %get3A_61 = arith.constant 0 : i32
      %get3A_62 = arith.index_cast %scan3A_22 : i32 to index
      %get3A_63 = arith.index_cast %get3A_61 : i32 to index
      %get3A_64 = arith.constant 16 : index
      %get3A_65 = tpu.vector_load %arg6[%get3A_62, %get3A_63, %get3A_64] {strides = array<i32>} : memref<79x2x128xi32, #tpu.memory_space<vmem>>, vector<16xi32>,
      %mul3A_66 = arith.constant 4 : i32
      %mul3A_67 = vector.broadcast %mul3A_66 : i32 to vector<16xi32>
      %mul3A_68 = arith.muli %get3A_65, %mul3A_67 : vector<16xi32>
      %get3A_69 = arith.constant 1 : i32
      %get3A_70 = arith.index_cast %scan3A_22 : i32 to index
      %get3A_71 = arith.index_cast %get3A_69 : i32 to index
      %get3A_72 = arith.constant 16 : index
      %get3A_73 = tpu.vector_load %arg6[%get3A_70, %get3A_71, %get3A_72] {strides = array<i32>} : memref<79x2x128xi32, #tpu.memory_space<vmem>>, vector<16xi32>,
      %mul3A_74 = arith.constant 4 : i32
      %mul3A_75 = vector.broadcast %mul3A_74 : i32 to vector<16xi32>
      %mul3A_76 = arith.muli %get3A_73, %mul3A_75 : vector<16xi32>
      %gather3A_77 = tpu.vector_load_idx %arg5[%mul3A_68] : memref<40000xf32, #tpu.memory_space<vmem>>[vector<16xi32>], vector<16xf32>,
      %add3A_78 = arith.constant 1 : i32
      %add3A_79 = vector.broadcast %add3A_78 : i32 to vector<16xi32>
      %add3A_80 = arith.addi %mul3A_68, %add3A_79 : vector<16xi32>
      %gather3A_81 = tpu.vector_load_idx %arg5[%add3A_80] : memref<40000xf32, #tpu.memory_space<vmem>>[vector<16xi32>], vector<16xf32>,
      %add3A_82 = arith.constant 2 : i32
      %add3A_83 = vector.broadcast %add3A_82 : i32 to vector<16xi32>
      %add3A_84 = arith.addi %mul3A_76, %add3A_83 : vector<16xi32>
      %gather3A_85 = tpu.vector_load_idx %arg5[%add3A_84] : memref<40000xf32, #tpu.memory_space<vmem>>[vector<16xi32>], vector<16xf32>,
      %add3A_86 = arith.constant 3 : i32
      %add3A_87 = vector.broadcast %add3A_86 : i32 to vector<16xi32>
      %add3A_88 = arith.addi %mul3A_76, %add3A_87 : vector<16xi32>
      %gather3A_89 = tpu.vector_load_idx %arg5[%add3A_88] : memref<40000xf32, #tpu.memory_space<vmem>>[vector<16xi32>], vector<16xf32>,
      %add3A_90 = arith.addf %gather3A_77, %gather3A_85 : vector<16xf32>
      %swap3A_91 = arith.constant 0 : i32
      %swap3A_92 = arith.index_cast %scan3A_22 : i32 to index
      %swap3A_93 = arith.index_cast %swap3A_91 : i32 to index
      %swap3A_94 = arith.constant 16 : index
      %swap3A_95 = tpu.vector_load %arg7[%swap3A_92, %swap3A_93, %swap3A_94] {strides = array<i32>} : memref<79x2x128xf32, #tpu.memory_space<vmem>>, vector<16xf32>,
      tpu.vector_store %arg7[%swap3A_92, %swap3A_93, %swap3A_94], %add3A_90 {strides = array<i32>} : memref<79x2x128xf32, #tpu.memory_space<vmem>>, vector<16xf32>,
      %add3A_96 = arith.addf %gather3A_81, %gather3A_89 : vector<16xf32>
      %swap3A_97 = arith.constant 1 : i32
      %swap3A_98 = arith.index_cast %scan3A_22 : i32 to index
      %swap3A_99 = arith.index_cast %swap3A_97 : i32 to index
      %swap3A_100 = arith.constant 16 : index
      %swap3A_101 = tpu.vector_load %arg7[%swap3A_98, %swap3A_99, %swap3A_100] {strides = array<i32>} : memref<79x2x128xf32, #tpu.memory_space<vmem>>, vector<16xf32>,
      tpu.vector_store %arg7[%swap3A_98, %swap3A_99, %swap3A_100], %add3A_96 {strides = array<i32>} : memref<79x2x128xf32, #tpu.memory_space<vmem>>, vector<16xf32>,
      %get3A_102 = arith.constant 0 : i32
      %get3A_103 = arith.index_cast %scan3A_22 : i32 to index
      %get3A_104 = arith.index_cast %get3A_102 : i32 to index
      %get3A_105 = arith.constant 32 : index
      %get3A_106 = tpu.vector_load %arg6[%get3A_103, %get3A_104, %get3A_105] {strides = array<i32>} : memref<79x2x128xi32, #tpu.memory_space<vmem>>, vector<16xi32>,
      %mul3A_107 = arith.constant 4 : i32
      %mul3A_108 = vector.broadcast %mul3A_107 : i32 to vector<16xi32>
      %mul3A_109 = arith.muli %get3A_106, %mul3A_108 : vector<16xi32>
      %get3A_110 = arith.constant 1 : i32
      %get3A_111 = arith.index_cast %scan3A_22 : i32 to index
      %get3A_112 = arith.index_cast %get3A_110 : i32 to index
      %get3A_113 = arith.constant 32 : index
      %get3A_114 = tpu.vector_load %arg6[%get3A_111, %get3A_112, %get3A_113] {strides = array<i32>} : memref<79x2x128xi32, #tpu.memory_space<vmem>>, vector<16xi32>,
      %mul3A_115 = arith.constant 4 : i32
      %mul3A_116 = vector.broadcast %mul3A_115 : i32 to vector<16xi32>
      %mul3A_117 = arith.muli %get3A_114, %mul3A_116 : vector<16xi32>
      %gather3A_118 = tpu.vector_load_idx %arg5[%mul3A_109] : memref<40000xf32, #tpu.memory_space<vmem>>[vector<16xi32>], vector<16xf32>,
      %add3A_119 = arith.constant 1 : i32
      %add3A_120 = vector.broadcast %add3A_119 : i32 to vector<16xi32>
      %add3A_121 = arith.addi %mul3A_109, %add3A_120 : vector<16xi32>
      %gather3A_122 = tpu.vector_load_idx %arg5[%add3A_121] : memref<40000xf32, #tpu.memory_space<vmem>>[vector<16xi32>], vector<16xf32>,
      %add3A_123 = arith.constant 2 : i32
      %add3A_124 = vector.broadcast %add3A_123 : i32 to vector<16xi32>
      %add3A_125 = arith.addi %mul3A_117, %add3A_124 : vector<16xi32>
      %gather3A_126 = tpu.vector_load_idx %arg5[%add3A_125] : memref<40000xf32, #tpu.memory_space<vmem>>[vector<16xi32>], vector<16xf32>,
      %add3A_127 = arith.constant 3 : i32
      %add3A_128 = vector.broadcast %add3A_127 : i32 to vector<16xi32>
      %add3A_129 = arith.addi %mul3A_117, %add3A_128 : vector<16xi32>
      %gather3A_130 = tpu.vector_load_idx %arg5[%add3A_129] : memref<40000xf32, #tpu.memory_space<vmem>>[vector<16xi32>], vector<16xf32>,
      %add3A_131 = arith.addf %gather3A_118, %gather3A_126 : vector<16xf32>
      %swap3A_132 = arith.constant 0 : i32
      %swap3A_133 = arith.index_cast %scan3A_22 : i32 to index
      %swap3A_134 = arith.index_cast %swap3A_132 : i32 to index
      %swap3A_135 = arith.constant 32 : index
      %swap3A_136 = tpu.vector_load %arg7[%swap3A_133, %swap3A_134, %swap3A_135] {strides = array<i32>} : memref<79x2x128xf32, #tpu.memory_space<vmem>>, vector<16xf32>,
      tpu.vector_store %arg7[%swap3A_133, %swap3A_134, %swap3A_135], %add3A_131 {strides = array<i32>} : memref<79x2x128xf32, #tpu.memory_space<vmem>>, vector<16xf32>,
      %add3A_137 = arith.addf %gather3A_122, %gather3A_130 : vector<16xf32>
      %swap3A_138 = arith.constant 1 : i32
      %swap3A_139 = arith.index_cast %scan3A_22 : i32 to index
      %swap3A_140 = arith.index_cast %swap3A_138 : i32 to index
      %swap3A_141 = arith.constant 32 : index
      %swap3A_142 = tpu.vector_load %arg7[%swap3A_139, %swap3A_140, %swap3A_141] {strides = array<i32>} : memref<79x2x128xf32, #tpu.memory_space<vmem>>, vector<16xf32>,
      tpu.vector_store %arg7[%swap3A_139, %swap3A_140, %swap3A_141], %add3A_137 {strides = array<i32>} : memref<79x2x128xf32, #tpu.memory_space<vmem>>, vector<16xf32>,
      %get3A_143 = arith.constant 0 : i32
      %get3A_144 = arith.index_cast %scan3A_22 : i32 to index
      %get3A_145 = arith.index_cast %get3A_143 : i32 to index
      %get3A_146 = arith.constant 48 : index
      %get3A_147 = tpu.vector_load %arg6[%get3A_144, %get3A_145, %get3A_146] {strides = array<i32>} : memref<79x2x128xi32, #tpu.memory_space<vmem>>, vector<16xi32>,
      %mul3A_148 = arith.constant 4 : i32
      %mul3A_149 = vector.broadcast %mul3A_148 : i32 to vector<16xi32>
      %mul3A_150 = arith.muli %get3A_147, %mul3A_149 : vector<16xi32>
      %get3A_151 = arith.constant 1 : i32
      %get3A_152 = arith.index_cast %scan3A_22 : i32 to index
      %get3A_153 = arith.index_cast %get3A_151 : i32 to index
      %get3A_154 = arith.constant 48 : index
      %get3A_155 = tpu.vector_load %arg6[%get3A_152, %get3A_153, %get3A_154] {strides = array<i32>} : memref<79x2x128xi32, #tpu.memory_space<vmem>>, vector<16xi32>,
      %mul3A_156 = arith.constant 4 : i32
      %mul3A_157 = vector.broadcast %mul3A_156 : i32 to vector<16xi32>
      %mul3A_158 = arith.muli %get3A_155, %mul3A_157 : vector<16xi32>
      %gather3A_159 = tpu.vector_load_idx %arg5[%mul3A_150] : memref<40000xf32, #tpu.memory_space<vmem>>[vector<16xi32>], vector<16xf32>,
      %add3A_160 = arith.constant 1 : i32
      %add3A_161 = vector.broadcast %add3A_160 : i32 to vector<16xi32>
      %add3A_162 = arith.addi %mul3A_150, %add3A_161 : vector<16xi32>
      %gather3A_163 = tpu.vector_load_idx %arg5[%add3A_162] : memref<40000xf32, #tpu.memory_space<vmem>>[vector<16xi32>], vector<16xf32>,
      %add3A_164 = arith.constant 2 : i32
      %add3A_165 = vector.broadcast %add3A_164 : i32 to vector<16xi32>
      %add3A_166 = arith.addi %mul3A_158, %add3A_165 : vector<16xi32>
      %gather3A_167 = tpu.vector_load_idx %arg5[%add3A_166] : memref<40000xf32, #tpu.memory_space<vmem>>[vector<16xi32>], vector<16xf32>,
      %add3A_168 = arith.constant 3 : i32
      %add3A_169 = vector.broadcast %add3A_168 : i32 to vector<16xi32>
      %add3A_170 = arith.addi %mul3A_158, %add3A_169 : vector<16xi32>
      %gather3A_171 = tpu.vector_load_idx %arg5[%add3A_170] : memref<40000xf32, #tpu.memory_space<vmem>>[vector<16xi32>], vector<16xf32>,
      %add3A_172 = arith.addf %gather3A_159, %gather3A_167 : vector<16xf32>
      %swap3A_173 = arith.constant 0 : i32
      %swap3A_174 = arith.index_cast %scan3A_22 : i32 to index
      %swap3A_175 = arith.index_cast %swap3A_173 : i32 to index
      %swap3A_176 = arith.constant 48 : index
      %swap3A_177 = tpu.vector_load %arg7[%swap3A_174, %swap3A_175, %swap3A_176] {strides = array<i32>} : memref<79x2x128xf32, #tpu.memory_space<vmem>>, vector<16xf32>,
      tpu.vector_store %arg7[%swap3A_174, %swap3A_175, %swap3A_176], %add3A_172 {strides = array<i32>} : memref<79x2x128xf32, #tpu.memory_space<vmem>>, vector<16xf32>,
      %add3A_178 = arith.addf %gather3A_163, %gather3A_171 : vector<16xf32>
      %swap3A_179 = arith.constant 1 : i32
      %swap3A_180 = arith.index_cast %scan3A_22 : i32 to index
      %swap3A_181 = arith.index_cast %swap3A_179 : i32 to index
      %swap3A_182 = arith.constant 48 : index
      %swap3A_183 = tpu.vector_load %arg7[%swap3A_180, %swap3A_181, %swap3A_182] {strides = array<i32>} : memref<79x2x128xf32, #tpu.memory_space<vmem>>, vector<16xf32>,
      tpu.vector_store %arg7[%swap3A_180, %swap3A_181, %swap3A_182], %add3A_178 {strides = array<i32>} : memref<79x2x128xf32, #tpu.memory_space<vmem>>, vector<16xf32>,
      %get3A_184 = arith.constant 0 : i32
      %get3A_185 = arith.index_cast %scan3A_22 : i32 to index
      %get3A_186 = arith.index_cast %get3A_184 : i32 to index
      %get3A_187 = arith.constant 64 : index
      %get3A_188 = tpu.vector_load %arg6[%get3A_185, %get3A_186, %get3A_187] {strides = array<i32>} : memref<79x2x128xi32, #tpu.memory_space<vmem>>, vector<16xi32>,
      %mul3A_189 = arith.constant 4 : i32
      %mul3A_190 = vector.broadcast %mul3A_189 : i32 to vector<16xi32>
      %mul3A_191 = arith.muli %get3A_188, %mul3A_190 : vector<16xi32>
      %get3A_192 = arith.constant 1 : i32
      %get3A_193 = arith.index_cast %scan3A_22 : i32 to index
      %get3A_194 = arith.index_cast %get3A_192 : i32 to index
      %get3A_195 = arith.constant 64 : index
      %get3A_196 = tpu.vector_load %arg6[%get3A_193, %get3A_194, %get3A_195] {strides = array<i32>} : memref<79x2x128xi32, #tpu.memory_space<vmem>>, vector<16xi32>,
      %mul3A_197 = arith.constant 4 : i32
      %mul3A_198 = vector.broadcast %mul3A_197 : i32 to vector<16xi32>
      %mul3A_199 = arith.muli %get3A_196, %mul3A_198 : vector<16xi32>
      %gather3A_200 = tpu.vector_load_idx %arg5[%mul3A_191] : memref<40000xf32, #tpu.memory_space<vmem>>[vector<16xi32>], vector<16xf32>,
      %add3A_201 = arith.constant 1 : i32
      %add3A_202 = vector.broadcast %add3A_201 : i32 to vector<16xi32>
      %add3A_203 = arith.addi %mul3A_191, %add3A_202 : vector<16xi32>
      %gather3A_204 = tpu.vector_load_idx %arg5[%add3A_203] : memref<40000xf32, #tpu.memory_space<vmem>>[vector<16xi32>], vector<16xf32>,
      %add3A_205 = arith.constant 2 : i32
      %add3A_206 = vector.broadcast %add3A_205 : i32 to vector<16xi32>
      %add3A_207 = arith.addi %mul3A_199, %add3A_206 : vector<16xi32>
      %gather3A_208 = tpu.vector_load_idx %arg5[%add3A_207] : memref<40000xf32, #tpu.memory_space<vmem>>[vector<16xi32>], vector<16xf32>,
      %add3A_209 = arith.constant 3 : i32
      %add3A_210 = vector.broadcast %add3A_209 : i32 to vector<16xi32>
      %add3A_211 = arith.addi %mul3A_199, %add3A_210 : vector<16xi32>
      %gather3A_212 = tpu.vector_load_idx %arg5[%add3A_211] : memref<40000xf32, #tpu.memory_space<vmem>>[vector<16xi32>], vector<16xf32>,
      %add3A_213 = arith.addf %gather3A_200, %gather3A_208 : vector<16xf32>
      %swap3A_214 = arith.constant 0 : i32
      %swap3A_215 = arith.index_cast %scan3A_22 : i32 to index
      %swap3A_216 = arith.index_cast %swap3A_214 : i32 to index
      %swap3A_217 = arith.constant 64 : index
      %swap3A_218 = tpu.vector_load %arg7[%swap3A_215, %swap3A_216, %swap3A_217] {strides = array<i32>} : memref<79x2x128xf32, #tpu.memory_space<vmem>>, vector<16xf32>,
      tpu.vector_store %arg7[%swap3A_215, %swap3A_216, %swap3A_217], %add3A_213 {strides = array<i32>} : memref<79x2x128xf32, #tpu.memory_space<vmem>>, vector<16xf32>,
      %add3A_219 = arith.addf %gather3A_204, %gather3A_212 : vector<16xf32>
      %swap3A_220 = arith.constant 1 : i32
      %swap3A_221 = arith.index_cast %scan3A_22 : i32 to index
      %swap3A_222 = arith.index_cast %swap3A_220 : i32 to index
      %swap3A_223 = arith.constant 64 : index
      %swap3A_224 = tpu.vector_load %arg7[%swap3A_221, %swap3A_222, %swap3A_223] {strides = array<i32>} : memref<79x2x128xf32, #tpu.memory_space<vmem>>, vector<16xf32>,
      tpu.vector_store %arg7[%swap3A_221, %swap3A_222, %swap3A_223], %add3A_219 {strides = array<i32>} : memref<79x2x128xf32, #tpu.memory_space<vmem>>, vector<16xf32>,
      %get3A_225 = arith.constant 0 : i32
      %get3A_226 = arith.index_cast %scan3A_22 : i32 to index
      %get3A_227 = arith.index_cast %get3A_225 : i32 to index
      %get3A_228 = arith.constant 80 : index
      %get3A_229 = tpu.vector_load %arg6[%get3A_226, %get3A_227, %get3A_228] {strides = array<i32>} : memref<79x2x128xi32, #tpu.memory_space<vmem>>, vector<16xi32>,
      %mul3A_230 = arith.constant 4 : i32
      %mul3A_231 = vector.broadcast %mul3A_230 : i32 to vector<16xi32>
      %mul3A_232 = arith.muli %get3A_229, %mul3A_231 : vector<16xi32>
      %get3A_233 = arith.constant 1 : i32
      %get3A_234 = arith.index_cast %scan3A_22 : i32 to index
      %get3A_235 = arith.index_cast %get3A_233 : i32 to index
      %get3A_236 = arith.constant 80 : index
      %get3A_237 = tpu.vector_load %arg6[%get3A_234, %get3A_235, %get3A_236] {strides = array<i32>} : memref<79x2x128xi32, #tpu.memory_space<vmem>>, vector<16xi32>,
      %mul3A_238 = arith.constant 4 : i32
      %mul3A_239 = vector.broadcast %mul3A_238 : i32 to vector<16xi32>
      %mul3A_240 = arith.muli %get3A_237, %mul3A_239 : vector<16xi32>
      %gather3A_241 = tpu.vector_load_idx %arg5[%mul3A_232] : memref<40000xf32, #tpu.memory_space<vmem>>[vector<16xi32>], vector<16xf32>,
      %add3A_242 = arith.constant 1 : i32
      %add3A_243 = vector.broadcast %add3A_242 : i32 to vector<16xi32>
      %add3A_244 = arith.addi %mul3A_232, %add3A_243 : vector<16xi32>
      %gather3A_245 = tpu.vector_load_idx %arg5[%add3A_244] : memref<40000xf32, #tpu.memory_space<vmem>>[vector<16xi32>], vector<16xf32>,
      %add3A_246 = arith.constant 2 : i32
      %add3A_247 = vector.broadcast %add3A_246 : i32 to vector<16xi32>
      %add3A_248 = arith.addi %mul3A_240, %add3A_247 : vector<16xi32>
      %gather3A_249 = tpu.vector_load_idx %arg5[%add3A_248] : memref<40000xf32, #tpu.memory_space<vmem>>[vector<16xi32>], vector<16xf32>,
      %add3A_250 = arith.constant 3 : i32
      %add3A_251 = vector.broadcast %add3A_250 : i32 to vector<16xi32>
      %add3A_252 = arith.addi %mul3A_240, %add3A_251 : vector<16xi32>
      %gather3A_253 = tpu.vector_load_idx %arg5[%add3A_252] : memref<40000xf32, #tpu.memory_space<vmem>>[vector<16xi32>], vector<16xf32>,
      %add3A_254 = arith.addf %gather3A_241, %gather3A_249 : vector<16xf32>
      %swap3A_255 = arith.constant 0 : i32
      %swap3A_256 = arith.index_cast %scan3A_22 : i32 to index
      %swap3A_257 = arith.index_cast %swap3A_255 : i32 to index
      %swap3A_258 = arith.constant 80 : index
      %swap3A_259 = tpu.vector_load %arg7[%swap3A_256, %swap3A_257, %swap3A_258] {strides = array<i32>} : memref<79x2x128xf32, #tpu.memory_space<vmem>>, vector<16xf32>,
      tpu.vector_store %arg7[%swap3A_256, %swap3A_257, %swap3A_258], %add3A_254 {strides = array<i32>} : memref<79x2x128xf32, #tpu.memory_space<vmem>>, vector<16xf32>,
      %add3A_260 = arith.addf %gather3A_245, %gather3A_253 : vector<16xf32>
      %swap3A_261 = arith.constant 1 : i32
      %swap3A_262 = arith.index_cast %scan3A_22 : i32 to index
      %swap3A_263 = arith.index_cast %swap3A_261 : i32 to index
      %swap3A_264 = arith.constant 80 : index
      %swap3A_265 = tpu.vector_load %arg7[%swap3A_262, %swap3A_263, %swap3A_264] {strides = array<i32>} : memref<79x2x128xf32, #tpu.memory_space<vmem>>, vector<16xf32>,
      tpu.vector_store %arg7[%swap3A_262, %swap3A_263, %swap3A_264], %add3A_260 {strides = array<i32>} : memref<79x2x128xf32, #tpu.memory_space<vmem>>, vector<16xf32>,
      %get3A_266 = arith.constant 0 : i32
      %get3A_267 = arith.index_cast %scan3A_22 : i32 to index
      %get3A_268 = arith.index_cast %get3A_266 : i32 to index
      %get3A_269 = arith.constant 96 : index
      %get3A_270 = tpu.vector_load %arg6[%get3A_267, %get3A_268, %get3A_269] {strides = array<i32>} : memref<79x2x128xi32, #tpu.memory_space<vmem>>, vector<16xi32>,
      %mul3A_271 = arith.constant 4 : i32
      %mul3A_272 = vector.broadcast %mul3A_271 : i32 to vector<16xi32>
      %mul3A_273 = arith.muli %get3A_270, %mul3A_272 : vector<16xi32>
      %get3A_274 = arith.constant 1 : i32
      %get3A_275 = arith.index_cast %scan3A_22 : i32 to index
      %get3A_276 = arith.index_cast %get3A_274 : i32 to index
      %get3A_277 = arith.constant 96 : index
      %get3A_278 = tpu.vector_load %arg6[%get3A_275, %get3A_276, %get3A_277] {strides = array<i32>} : memref<79x2x128xi32, #tpu.memory_space<vmem>>, vector<16xi32>,
      %mul3A_279 = arith.constant 4 : i32
      %mul3A_280 = vector.broadcast %mul3A_279 : i32 to vector<16xi32>
      %mul3A_281 = arith.muli %get3A_278, %mul3A_280 : vector<16xi32>
      %gather3A_282 = tpu.vector_load_idx %arg5[%mul3A_273] : memref<40000xf32, #tpu.memory_space<vmem>>[vector<16xi32>], vector<16xf32>,
      %add3A_283 = arith.constant 1 : i32
      %add3A_284 = vector.broadcast %add3A_283 : i32 to vector<16xi32>
      %add3A_285 = arith.addi %mul3A_273, %add3A_284 : vector<16xi32>
      %gather3A_286 = tpu.vector_load_idx %arg5[%add3A_285] : memref<40000xf32, #tpu.memory_space<vmem>>[vector<16xi32>], vector<16xf32>,
      %add3A_287 = arith.constant 2 : i32
      %add3A_288 = vector.broadcast %add3A_287 : i32 to vector<16xi32>
      %add3A_289 = arith.addi %mul3A_281, %add3A_288 : vector<16xi32>
      %gather3A_290 = tpu.vector_load_idx %arg5[%add3A_289] : memref<40000xf32, #tpu.memory_space<vmem>>[vector<16xi32>], vector<16xf32>,
      %add3A_291 = arith.constant 3 : i32
      %add3A_292 = vector.broadcast %add3A_291 : i32 to vector<16xi32>
      %add3A_293 = arith.addi %mul3A_281, %add3A_292 : vector<16xi32>
      %gather3A_294 = tpu.vector_load_idx %arg5[%add3A_293] : memref<40000xf32, #tpu.memory_space<vmem>>[vector<16xi32>], vector<16xf32>,
      %add3A_295 = arith.addf %gather3A_282, %gather3A_290 : vector<16xf32>
      %swap3A_296 = arith.constant 0 : i32
      %swap3A_297 = arith.index_cast %scan3A_22 : i32 to index
      %swap3A_298 = arith.index_cast %swap3A_296 : i32 to index
      %swap3A_299 = arith.constant 96 : index
      %swap3A_300 = tpu.vector_load %arg7[%swap3A_297, %swap3A_298, %swap3A_299] {strides = array<i32>} : memref<79x2x128xf32, #tpu.memory_space<vmem>>, vector<16xf32>,
      tpu.vector_store %arg7[%swap3A_297, %swap3A_298, %swap3A_299], %add3A_295 {strides = array<i32>} : memref<79x2x128xf32, #tpu.memory_space<vmem>>, vector<16xf32>,
      %add3A_301 = arith.addf %gather3A_286, %gather3A_294 : vector<16xf32>
      %swap3A_302 = arith.constant 1 : i32
      %swap3A_303 = arith.index_cast %scan3A_22 : i32 to index
      %swap3A_304 = arith.index_cast %swap3A_302 : i32 to index
      %swap3A_305 = arith.constant 96 : index
      %swap3A_306 = tpu.vector_load %arg7[%swap3A_303, %swap3A_304, %swap3A_305] {strides = array<i32>} : memref<79x2x128xf32, #tpu.memory_space<vmem>>, vector<16xf32>,
      tpu.vector_store %arg7[%swap3A_303, %swap3A_304, %swap3A_305], %add3A_301 {strides = array<i32>} : memref<79x2x128xf32, #tpu.memory_space<vmem>>, vector<16xf32>,
      %get3A_307 = arith.constant 0 : i32
      %get3A_308 = arith.index_cast %scan3A_22 : i32 to index
      %get3A_309 = arith.index_cast %get3A_307 : i32 to index
      %get3A_310 = arith.constant 112 : index
      %get3A_311 = tpu.vector_load %arg6[%get3A_308, %get3A_309, %get3A_310] {strides = array<i32>} : memref<79x2x128xi32, #tpu.memory_space<vmem>>, vector<16xi32>,
      %mul3A_312 = arith.constant 4 : i32
      %mul3A_313 = vector.broadcast %mul3A_312 : i32 to vector<16xi32>
      %mul3A_314 = arith.muli %get3A_311, %mul3A_313 : vector<16xi32>
      %get3A_315 = arith.constant 1 : i32
      %get3A_316 = arith.index_cast %scan3A_22 : i32 to index
      %get3A_317 = arith.index_cast %get3A_315 : i32 to index
      %get3A_318 = arith.constant 112 : index
      %get3A_319 = tpu.vector_load %arg6[%get3A_316, %get3A_317, %get3A_318] {strides = array<i32>} : memref<79x2x128xi32, #tpu.memory_space<vmem>>, vector<16xi32>,
      %mul3A_320 = arith.constant 4 : i32
      %mul3A_321 = vector.broadcast %mul3A_320 : i32 to vector<16xi32>
      %mul3A_322 = arith.muli %get3A_319, %mul3A_321 : vector<16xi32>
      %gather3A_323 = tpu.vector_load_idx %arg5[%mul3A_314] : memref<40000xf32, #tpu.memory_space<vmem>>[vector<16xi32>], vector<16xf32>,
      %add3A_324 = arith.constant 1 : i32
      %add3A_325 = vector.broadcast %add3A_324 : i32 to vector<16xi32>
      %add3A_326 = arith.addi %mul3A_314, %add3A_325 : vector<16xi32>
      %gather3A_327 = tpu.vector_load_idx %arg5[%add3A_326] : memref<40000xf32, #tpu.memory_space<vmem>>[vector<16xi32>], vector<16xf32>,
      %add3A_328 = arith.constant 2 : i32
      %add3A_329 = vector.broadcast %add3A_328 : i32 to vector<16xi32>
      %add3A_330 = arith.addi %mul3A_322, %add3A_329 : vector<16xi32>
      %gather3A_331 = tpu.vector_load_idx %arg5[%add3A_330] : memref<40000xf32, #tpu.memory_space<vmem>>[vector<16xi32>], vector<16xf32>,
      %add3A_332 = arith.constant 3 : i32
      %add3A_333 = vector.broadcast %add3A_332 : i32 to vector<16xi32>
      %add3A_334 = arith.addi %mul3A_322, %add3A_333 : vector<16xi32>
      %gather3A_335 = tpu.vector_load_idx %arg5[%add3A_334] : memref<40000xf32, #tpu.memory_space<vmem>>[vector<16xi32>], vector<16xf32>,
      %add3A_336 = arith.addf %gather3A_323, %gather3A_331 : vector<16xf32>
      %swap3A_337 = arith.constant 0 : i32
      %swap3A_338 = arith.index_cast %scan3A_22 : i32 to index
      %swap3A_339 = arith.index_cast %swap3A_337 : i32 to index
      %swap3A_340 = arith.constant 112 : index
      %swap3A_341 = tpu.vector_load %arg7[%swap3A_338, %swap3A_339, %swap3A_340] {strides = array<i32>} : memref<79x2x128xf32, #tpu.memory_space<vmem>>, vector<16xf32>,
      tpu.vector_store %arg7[%swap3A_338, %swap3A_339, %swap3A_340], %add3A_336 {strides = array<i32>} : memref<79x2x128xf32, #tpu.memory_space<vmem>>, vector<16xf32>,
      %add3A_342 = arith.addf %gather3A_327, %gather3A_335 : vector<16xf32>
      %swap3A_343 = arith.constant 1 : i32
      %swap3A_344 = arith.index_cast %scan3A_22 : i32 to index
      %swap3A_345 = arith.index_cast %swap3A_343 : i32 to index
      %swap3A_346 = arith.constant 112 : index
      %swap3A_347 = tpu.vector_load %arg7[%swap3A_344, %swap3A_345, %swap3A_346] {strides = array<i32>} : memref<79x2x128xf32, #tpu.memory_space<vmem>>, vector<16xf32>,
      tpu.vector_store %arg7[%swap3A_344, %swap3A_345, %swap3A_346], %add3A_342 {strides = array<i32>} : memref<79x2x128xf32, #tpu.memory_space<vmem>>, vector<16xf32>,
    }
    %scan3A_9 = arith.constant 78 : i32
    %lt3A_10 = arith.constant 4 : i32
    %lt3A_11 = arith.cmpi slt, %add3A, %lt3A_10 : i32
    %convert_element_type3A_12 = arith.extui %lt3A_11 : i1 to i32
    %cond3A_13 = arith.constant 0 : i32
    %cond3A_14 = arith.cmpi ne, %convert_element_type3A_12, %cond3A_13 : i32
    scf.if %cond3A_14 {
      %get3A = arith.constant 78 : i32
      %get3A_22 = arith.constant 0 : i32
      %get3A_23 = arith.index_cast %get3A : i32 to index
      %get3A_24 = arith.index_cast %get3A_22 : i32 to index
      %get3A_25 = arith.constant 0 : index
      %get3A_26 = tpu.vector_load %arg6[%get3A_23, %get3A_24, %get3A_25] {strides = array<i32>} : memref<79x2x128xi32, #tpu.memory_space<vmem>>, vector<16xi32>,
      %mul3A_27 = arith.constant 4 : i32
      %mul3A_28 = vector.broadcast %mul3A_27 : i32 to vector<16xi32>
      %mul3A_29 = arith.muli %get3A_26, %mul3A_28 : vector<16xi32>
      %get3A_30 = arith.constant 78 : i32
      %get3A_31 = arith.constant 1 : i32
      %get3A_32 = arith.index_cast %get3A_30 : i32 to index
      %get3A_33 = arith.index_cast %get3A_31 : i32 to index
      %get3A_34 = arith.constant 0 : index
      %get3A_35 = tpu.vector_load %arg6[%get3A_32, %get3A_33, %get3A_34] {strides = array<i32>} : memref<79x2x128xi32, #tpu.memory_space<vmem>>, vector<16xi32>,
      %mul3A_36 = arith.constant 4 : i32
      %mul3A_37 = vector.broadcast %mul3A_36 : i32 to vector<16xi32>
      %mul3A_38 = arith.muli %get3A_35, %mul3A_37 : vector<16xi32>
      %gather3A = tpu.vector_load_idx %arg5[%mul3A_29] : memref<40000xf32, #tpu.memory_space<vmem>>[vector<16xi32>], vector<16xf32>,
      %add3A_39 = arith.constant 1 : i32
      %add3A_40 = vector.broadcast %add3A_39 : i32 to vector<16xi32>
      %add3A_41 = arith.addi %mul3A_29, %add3A_40 : vector<16xi32>
      %gather3A_42 = tpu.vector_load_idx %arg5[%add3A_41] : memref<40000xf32, #tpu.memory_space<vmem>>[vector<16xi32>], vector<16xf32>,
      %add3A_43 = arith.constant 2 : i32
      %add3A_44 = vector.broadcast %add3A_43 : i32 to vector<16xi32>
      %add3A_45 = arith.addi %mul3A_38, %add3A_44 : vector<16xi32>
      %gather3A_46 = tpu.vector_load_idx %arg5[%add3A_45] : memref<40000xf32, #tpu.memory_space<vmem>>[vector<16xi32>], vector<16xf32>,
      %add3A_47 = arith.constant 3 : i32
      %add3A_48 = vector.broadcast %add3A_47 : i32 to vector<16xi32>
      %add3A_49 = arith.addi %mul3A_38, %add3A_48 : vector<16xi32>
      %gather3A_50 = tpu.vector_load_idx %arg5[%add3A_49] : memref<40000xf32, #tpu.memory_space<vmem>>[vector<16xi32>], vector<16xf32>,
      %add3A_51 = arith.addf %gather3A, %gather3A_46 : vector<16xf32>
      %swap3A = arith.constant 78 : i32
      %swap3A_52 = arith.constant 0 : i32
      %swap3A_53 = arith.index_cast %swap3A : i32 to index
      %swap3A_54 = arith.index_cast %swap3A_52 : i32 to index
      %swap3A_55 = arith.constant 0 : index
      %swap3A_56 = tpu.vector_load %arg7[%swap3A_53, %swap3A_54, %swap3A_55] {strides = array<i32>} : memref<79x2x128xf32, #tpu.memory_space<vmem>>, vector<16xf32>,
      tpu.vector_store %arg7[%swap3A_53, %swap3A_54, %swap3A_55], %add3A_51 {strides = array<i32>} : memref<79x2x128xf32, #tpu.memory_space<vmem>>, vector<16xf32>,
      %add3A_57 = arith.addf %gather3A_42, %gather3A_50 : vector<16xf32>
      %swap3A_58 = arith.constant 78 : i32
      %swap3A_59 = arith.constant 1 : i32
      %swap3A_60 = arith.index_cast %swap3A_58 : i32 to index
      %swap3A_61 = arith.index_cast %swap3A_59 : i32 to index
      %swap3A_62 = arith.constant 0 : index
      %swap3A_63 = tpu.vector_load %arg7[%swap3A_60, %swap3A_61, %swap3A_62] {strides = array<i32>} : memref<79x2x128xf32, #tpu.memory_space<vmem>>, vector<16xf32>,
      tpu.vector_store %arg7[%swap3A_60, %swap3A_61, %swap3A_62], %add3A_57 {strides = array<i32>} : memref<79x2x128xf32, #tpu.memory_space<vmem>>, vector<16xf32>,
      %get3A_64 = arith.constant 78 : i32
      %get3A_65 = arith.constant 0 : i32
      %get3A_66 = arith.index_cast %get3A_64 : i32 to index
      %get3A_67 = arith.index_cast %get3A_65 : i32 to index
      %get3A_68 = arith.constant 16 : index
      %get3A_69 = tpu.vector_load %arg6[%get3A_66, %get3A_67, %get3A_68] {strides = array<i32>} : memref<79x2x128xi32, #tpu.memory_space<vmem>>, vector<16xi32>,
      %mul3A_70 = arith.constant 4 : i32
      %mul3A_71 = vector.broadcast %mul3A_70 : i32 to vector<16xi32>
      %mul3A_72 = arith.muli %get3A_69, %mul3A_71 : vector<16xi32>
      %get3A_73 = arith.constant 78 : i32
      %get3A_74 = arith.constant 1 : i32
      %get3A_75 = arith.index_cast %get3A_73 : i32 to index
      %get3A_76 = arith.index_cast %get3A_74 : i32 to index
      %get3A_77 = arith.constant 16 : index
      %get3A_78 = tpu.vector_load %arg6[%get3A_75, %get3A_76, %get3A_77] {strides = array<i32>} : memref<79x2x128xi32, #tpu.memory_space<vmem>>, vector<16xi32>,
      %mul3A_79 = arith.constant 4 : i32
      %mul3A_80 = vector.broadcast %mul3A_79 : i32 to vector<16xi32>
      %mul3A_81 = arith.muli %get3A_78, %mul3A_80 : vector<16xi32>
      %gather3A_82 = tpu.vector_load_idx %arg5[%mul3A_72] : memref<40000xf32, #tpu.memory_space<vmem>>[vector<16xi32>], vector<16xf32>,
      %add3A_83 = arith.constant 1 : i32
      %add3A_84 = vector.broadcast %add3A_83 : i32 to vector<16xi32>
      %add3A_85 = arith.addi %mul3A_72, %add3A_84 : vector<16xi32>
      %gather3A_86 = tpu.vector_load_idx %arg5[%add3A_85] : memref<40000xf32, #tpu.memory_space<vmem>>[vector<16xi32>], vector<16xf32>,
      %add3A_87 = arith.constant 2 : i32
      %add3A_88 = vector.broadcast %add3A_87 : i32 to vector<16xi32>
      %add3A_89 = arith.addi %mul3A_81, %add3A_88 : vector<16xi32>
      %gather3A_90 = tpu.vector_load_idx %arg5[%add3A_89] : memref<40000xf32, #tpu.memory_space<vmem>>[vector<16xi32>], vector<16xf32>,
      %add3A_91 = arith.constant 3 : i32
      %add3A_92 = vector.broadcast %add3A_91 : i32 to vector<16xi32>
      %add3A_93 = arith.addi %mul3A_81, %add3A_92 : vector<16xi32>
      %gather3A_94 = tpu.vector_load_idx %arg5[%add3A_93] : memref<40000xf32, #tpu.memory_space<vmem>>[vector<16xi32>], vector<16xf32>,
      %add3A_95 = arith.addf %gather3A_82, %gather3A_90 : vector<16xf32>
      %swap3A_96 = arith.constant 78 : i32
      %swap3A_97 = arith.constant 0 : i32
      %swap3A_98 = arith.index_cast %swap3A_96 : i32 to index
      %swap3A_99 = arith.index_cast %swap3A_97 : i32 to index
      %swap3A_100 = arith.constant 16 : index
      %swap3A_101 = tpu.vector_load %arg7[%swap3A_98, %swap3A_99, %swap3A_100] {strides = array<i32>} : memref<79x2x128xf32, #tpu.memory_space<vmem>>, vector<16xf32>,
      tpu.vector_store %arg7[%swap3A_98, %swap3A_99, %swap3A_100], %add3A_95 {strides = array<i32>} : memref<79x2x128xf32, #tpu.memory_space<vmem>>, vector<16xf32>,
      %add3A_102 = arith.addf %gather3A_86, %gather3A_94 : vector<16xf32>
      %swap3A_103 = arith.constant 78 : i32
      %swap3A_104 = arith.constant 1 : i32
      %swap3A_105 = arith.index_cast %swap3A_103 : i32 to index
      %swap3A_106 = arith.index_cast %swap3A_104 : i32 to index
      %swap3A_107 = arith.constant 16 : index
      %swap3A_108 = tpu.vector_load %arg7[%swap3A_105, %swap3A_106, %swap3A_107] {strides = array<i32>} : memref<79x2x128xf32, #tpu.memory_space<vmem>>, vector<16xf32>,
      tpu.vector_store %arg7[%swap3A_105, %swap3A_106, %swap3A_107], %add3A_102 {strides = array<i32>} : memref<79x2x128xf32, #tpu.memory_space<vmem>>, vector<16xf32>,
      %get3A_109 = arith.constant 78 : i32
      %get3A_110 = arith.constant 0 : i32
      %get3A_111 = arith.index_cast %get3A_109 : i32 to index
      %get3A_112 = arith.index_cast %get3A_110 : i32 to index
      %get3A_113 = arith.constant 32 : index
      %get3A_114 = tpu.vector_load %arg6[%get3A_111, %get3A_112, %get3A_113] {strides = array<i32>} : memref<79x2x128xi32, #tpu.memory_space<vmem>>, vector<16xi32>,
      %mul3A_115 = arith.constant 4 : i32
      %mul3A_116 = vector.broadcast %mul3A_115 : i32 to vector<16xi32>
      %mul3A_117 = arith.muli %get3A_114, %mul3A_116 : vector<16xi32>
      %get3A_118 = arith.constant 78 : i32
      %get3A_119 = arith.constant 1 : i32
      %get3A_120 = arith.index_cast %get3A_118 : i32 to index
      %get3A_121 = arith.index_cast %get3A_119 : i32 to index
      %get3A_122 = arith.constant 32 : index
      %get3A_123 = tpu.vector_load %arg6[%get3A_120, %get3A_121, %get3A_122] {strides = array<i32>} : memref<79x2x128xi32, #tpu.memory_space<vmem>>, vector<16xi32>,
      %mul3A_124 = arith.constant 4 : i32
      %mul3A_125 = vector.broadcast %mul3A_124 : i32 to vector<16xi32>
      %mul3A_126 = arith.muli %get3A_123, %mul3A_125 : vector<16xi32>
      %gather3A_127 = tpu.vector_load_idx %arg5[%mul3A_117] : memref<40000xf32, #tpu.memory_space<vmem>>[vector<16xi32>], vector<16xf32>,
      %add3A_128 = arith.constant 1 : i32
      %add3A_129 = vector.broadcast %add3A_128 : i32 to vector<16xi32>
      %add3A_130 = arith.addi %mul3A_117, %add3A_129 : vector<16xi32>
      %gather3A_131 = tpu.vector_load_idx %arg5[%add3A_130] : memref<40000xf32, #tpu.memory_space<vmem>>[vector<16xi32>], vector<16xf32>,
      %add3A_132 = arith.constant 2 : i32
      %add3A_133 = vector.broadcast %add3A_132 : i32 to vector<16xi32>
      %add3A_134 = arith.addi %mul3A_126, %add3A_133 : vector<16xi32>
      %gather3A_135 = tpu.vector_load_idx %arg5[%add3A_134] : memref<40000xf32, #tpu.memory_space<vmem>>[vector<16xi32>], vector<16xf32>,
      %add3A_136 = arith.constant 3 : i32
      %add3A_137 = vector.broadcast %add3A_136 : i32 to vector<16xi32>
      %add3A_138 = arith.addi %mul3A_126, %add3A_137 : vector<16xi32>
      %gather3A_139 = tpu.vector_load_idx %arg5[%add3A_138] : memref<40000xf32, #tpu.memory_space<vmem>>[vector<16xi32>], vector<16xf32>,
      %add3A_140 = arith.addf %gather3A_127, %gather3A_135 : vector<16xf32>
      %swap3A_141 = arith.constant 78 : i32
      %swap3A_142 = arith.constant 0 : i32
      %swap3A_143 = arith.index_cast %swap3A_141 : i32 to index
      %swap3A_144 = arith.index_cast %swap3A_142 : i32 to index
      %swap3A_145 = arith.constant 32 : index
      %swap3A_146 = tpu.vector_load %arg7[%swap3A_143, %swap3A_144, %swap3A_145] {strides = array<i32>} : memref<79x2x128xf32, #tpu.memory_space<vmem>>, vector<16xf32>,
      tpu.vector_store %arg7[%swap3A_143, %swap3A_144, %swap3A_145], %add3A_140 {strides = array<i32>} : memref<79x2x128xf32, #tpu.memory_space<vmem>>, vector<16xf32>,
      %add3A_147 = arith.addf %gather3A_131, %gather3A_139 : vector<16xf32>
      %swap3A_148 = arith.constant 78 : i32
      %swap3A_149 = arith.constant 1 : i32
      %swap3A_150 = arith.index_cast %swap3A_148 : i32 to index
      %swap3A_151 = arith.index_cast %swap3A_149 : i32 to index
      %swap3A_152 = arith.constant 32 : index
      %swap3A_153 = tpu.vector_load %arg7[%swap3A_150, %swap3A_151, %swap3A_152] {strides = array<i32>} : memref<79x2x128xf32, #tpu.memory_space<vmem>>, vector<16xf32>,
      tpu.vector_store %arg7[%swap3A_150, %swap3A_151, %swap3A_152], %add3A_147 {strides = array<i32>} : memref<79x2x128xf32, #tpu.memory_space<vmem>>, vector<16xf32>,
      %get3A_154 = arith.constant 78 : i32
      %get3A_155 = arith.constant 0 : i32
      %get3A_156 = arith.index_cast %get3A_154 : i32 to index
      %get3A_157 = arith.index_cast %get3A_155 : i32 to index
      %get3A_158 = arith.constant 48 : index
      %get3A_159 = tpu.vector_load %arg6[%get3A_156, %get3A_157, %get3A_158] {strides = array<i32>} : memref<79x2x128xi32, #tpu.memory_space<vmem>>, vector<16xi32>,
      %mul3A_160 = arith.constant 4 : i32
      %mul3A_161 = vector.broadcast %mul3A_160 : i32 to vector<16xi32>
      %mul3A_162 = arith.muli %get3A_159, %mul3A_161 : vector<16xi32>
      %get3A_163 = arith.constant 78 : i32
      %get3A_164 = arith.constant 1 : i32
      %get3A_165 = arith.index_cast %get3A_163 : i32 to index
      %get3A_166 = arith.index_cast %get3A_164 : i32 to index
      %get3A_167 = arith.constant 48 : index
      %get3A_168 = tpu.vector_load %arg6[%get3A_165, %get3A_166, %get3A_167] {strides = array<i32>} : memref<79x2x128xi32, #tpu.memory_space<vmem>>, vector<16xi32>,
      %mul3A_169 = arith.constant 4 : i32
      %mul3A_170 = vector.broadcast %mul3A_169 : i32 to vector<16xi32>
      %mul3A_171 = arith.muli %get3A_168, %mul3A_170 : vector<16xi32>
      %gather3A_172 = tpu.vector_load_idx %arg5[%mul3A_162] : memref<40000xf32, #tpu.memory_space<vmem>>[vector<16xi32>], vector<16xf32>,
      %add3A_173 = arith.constant 1 : i32
      %add3A_174 = vector.broadcast %add3A_173 : i32 to vector<16xi32>
      %add3A_175 = arith.addi %mul3A_162, %add3A_174 : vector<16xi32>
      %gather3A_176 = tpu.vector_load_idx %arg5[%add3A_175] : memref<40000xf32, #tpu.memory_space<vmem>>[vector<16xi32>], vector<16xf32>,
      %add3A_177 = arith.constant 2 : i32
      %add3A_178 = vector.broadcast %add3A_177 : i32 to vector<16xi32>
      %add3A_179 = arith.addi %mul3A_171, %add3A_178 : vector<16xi32>
      %gather3A_180 = tpu.vector_load_idx %arg5[%add3A_179] : memref<40000xf32, #tpu.memory_space<vmem>>[vector<16xi32>], vector<16xf32>,
      %add3A_181 = arith.constant 3 : i32
      %add3A_182 = vector.broadcast %add3A_181 : i32 to vector<16xi32>
      %add3A_183 = arith.addi %mul3A_171, %add3A_182 : vector<16xi32>
      %gather3A_184 = tpu.vector_load_idx %arg5[%add3A_183] : memref<40000xf32, #tpu.memory_space<vmem>>[vector<16xi32>], vector<16xf32>,
      %add3A_185 = arith.addf %gather3A_172, %gather3A_180 : vector<16xf32>
      %swap3A_186 = arith.constant 78 : i32
      %swap3A_187 = arith.constant 0 : i32
      %swap3A_188 = arith.index_cast %swap3A_186 : i32 to index
      %swap3A_189 = arith.index_cast %swap3A_187 : i32 to index
      %swap3A_190 = arith.constant 48 : index
      %swap3A_191 = tpu.vector_load %arg7[%swap3A_188, %swap3A_189, %swap3A_190] {strides = array<i32>} : memref<79x2x128xf32, #tpu.memory_space<vmem>>, vector<16xf32>,
      tpu.vector_store %arg7[%swap3A_188, %swap3A_189, %swap3A_190], %add3A_185 {strides = array<i32>} : memref<79x2x128xf32, #tpu.memory_space<vmem>>, vector<16xf32>,
      %add3A_192 = arith.addf %gather3A_176, %gather3A_184 : vector<16xf32>
      %swap3A_193 = arith.constant 78 : i32
      %swap3A_194 = arith.constant 1 : i32
      %swap3A_195 = arith.index_cast %swap3A_193 : i32 to index
      %swap3A_196 = arith.index_cast %swap3A_194 : i32 to index
      %swap3A_197 = arith.constant 48 : index
      %swap3A_198 = tpu.vector_load %arg7[%swap3A_195, %swap3A_196, %swap3A_197] {strides = array<i32>} : memref<79x2x128xf32, #tpu.memory_space<vmem>>, vector<16xf32>,
      tpu.vector_store %arg7[%swap3A_195, %swap3A_196, %swap3A_197], %add3A_192 {strides = array<i32>} : memref<79x2x128xf32, #tpu.memory_space<vmem>>, vector<16xf32>,
      %get3A_199 = arith.constant 78 : i32
      %get3A_200 = arith.constant 0 : i32
      %get3A_201 = arith.index_cast %get3A_199 : i32 to index
      %get3A_202 = arith.index_cast %get3A_200 : i32 to index
      %get3A_203 = arith.constant 64 : index
      %get3A_204 = tpu.vector_load %arg6[%get3A_201, %get3A_202, %get3A_203] {strides = array<i32>} : memref<79x2x128xi32, #tpu.memory_space<vmem>>, vector<16xi32>,
      %mul3A_205 = arith.constant 4 : i32
      %mul3A_206 = vector.broadcast %mul3A_205 : i32 to vector<16xi32>
      %mul3A_207 = arith.muli %get3A_204, %mul3A_206 : vector<16xi32>
      %get3A_208 = arith.constant 78 : i32
      %get3A_209 = arith.constant 1 : i32
      %get3A_210 = arith.index_cast %get3A_208 : i32 to index
      %get3A_211 = arith.index_cast %get3A_209 : i32 to index
      %get3A_212 = arith.constant 64 : index
      %get3A_213 = tpu.vector_load %arg6[%get3A_210, %get3A_211, %get3A_212] {strides = array<i32>} : memref<79x2x128xi32, #tpu.memory_space<vmem>>, vector<16xi32>,
      %mul3A_214 = arith.constant 4 : i32
      %mul3A_215 = vector.broadcast %mul3A_214 : i32 to vector<16xi32>
      %mul3A_216 = arith.muli %get3A_213, %mul3A_215 : vector<16xi32>
      %gather3A_217 = tpu.vector_load_idx %arg5[%mul3A_207] : memref<40000xf32, #tpu.memory_space<vmem>>[vector<16xi32>], vector<16xf32>,
      %add3A_218 = arith.constant 1 : i32
      %add3A_219 = vector.broadcast %add3A_218 : i32 to vector<16xi32>
      %add3A_220 = arith.addi %mul3A_207, %add3A_219 : vector<16xi32>
      %gather3A_221 = tpu.vector_load_idx %arg5[%add3A_220] : memref<40000xf32, #tpu.memory_space<vmem>>[vector<16xi32>], vector<16xf32>,
      %add3A_222 = arith.constant 2 : i32
      %add3A_223 = vector.broadcast %add3A_222 : i32 to vector<16xi32>
      %add3A_224 = arith.addi %mul3A_216, %add3A_223 : vector<16xi32>
      %gather3A_225 = tpu.vector_load_idx %arg5[%add3A_224] : memref<40000xf32, #tpu.memory_space<vmem>>[vector<16xi32>], vector<16xf32>,
      %add3A_226 = arith.constant 3 : i32
      %add3A_227 = vector.broadcast %add3A_226 : i32 to vector<16xi32>
      %add3A_228 = arith.addi %mul3A_216, %add3A_227 : vector<16xi32>
      %gather3A_229 = tpu.vector_load_idx %arg5[%add3A_228] : memref<40000xf32, #tpu.memory_space<vmem>>[vector<16xi32>], vector<16xf32>,
      %add3A_230 = arith.addf %gather3A_217, %gather3A_225 : vector<16xf32>
      %swap3A_231 = arith.constant 78 : i32
      %swap3A_232 = arith.constant 0 : i32
      %swap3A_233 = arith.index_cast %swap3A_231 : i32 to index
      %swap3A_234 = arith.index_cast %swap3A_232 : i32 to index
      %swap3A_235 = arith.constant 64 : index
      %swap3A_236 = tpu.vector_load %arg7[%swap3A_233, %swap3A_234, %swap3A_235] {strides = array<i32>} : memref<79x2x128xf32, #tpu.memory_space<vmem>>, vector<16xf32>,
      tpu.vector_store %arg7[%swap3A_233, %swap3A_234, %swap3A_235], %add3A_230 {strides = array<i32>} : memref<79x2x128xf32, #tpu.memory_space<vmem>>, vector<16xf32>,
      %add3A_237 = arith.addf %gather3A_221, %gather3A_229 : vector<16xf32>
      %swap3A_238 = arith.constant 78 : i32
      %swap3A_239 = arith.constant 1 : i32
      %swap3A_240 = arith.index_cast %swap3A_238 : i32 to index
      %swap3A_241 = arith.index_cast %swap3A_239 : i32 to index
      %swap3A_242 = arith.constant 64 : index
      %swap3A_243 = tpu.vector_load %arg7[%swap3A_240, %swap3A_241, %swap3A_242] {strides = array<i32>} : memref<79x2x128xf32, #tpu.memory_space<vmem>>, vector<16xf32>,
      tpu.vector_store %arg7[%swap3A_240, %swap3A_241, %swap3A_242], %add3A_237 {strides = array<i32>} : memref<79x2x128xf32, #tpu.memory_space<vmem>>, vector<16xf32>,
      %get3A_244 = arith.constant 78 : i32
      %get3A_245 = arith.constant 0 : i32
      %get3A_246 = arith.index_cast %get3A_244 : i32 to index
      %get3A_247 = arith.index_cast %get3A_245 : i32 to index
      %get3A_248 = arith.constant 80 : index
      %get3A_249 = tpu.vector_load %arg6[%get3A_246, %get3A_247, %get3A_248] {strides = array<i32>} : memref<79x2x128xi32, #tpu.memory_space<vmem>>, vector<16xi32>,
      %mul3A_250 = arith.constant 4 : i32
      %mul3A_251 = vector.broadcast %mul3A_250 : i32 to vector<16xi32>
      %mul3A_252 = arith.muli %get3A_249, %mul3A_251 : vector<16xi32>
      %get3A_253 = arith.constant 78 : i32
      %get3A_254 = arith.constant 1 : i32
      %get3A_255 = arith.index_cast %get3A_253 : i32 to index
      %get3A_256 = arith.index_cast %get3A_254 : i32 to index
      %get3A_257 = arith.constant 80 : index
      %get3A_258 = tpu.vector_load %arg6[%get3A_255, %get3A_256, %get3A_257] {strides = array<i32>} : memref<79x2x128xi32, #tpu.memory_space<vmem>>, vector<16xi32>,
      %mul3A_259 = arith.constant 4 : i32
      %mul3A_260 = vector.broadcast %mul3A_259 : i32 to vector<16xi32>
      %mul3A_261 = arith.muli %get3A_258, %mul3A_260 : vector<16xi32>
      %gather3A_262 = tpu.vector_load_idx %arg5[%mul3A_252] : memref<40000xf32, #tpu.memory_space<vmem>>[vector<16xi32>], vector<16xf32>,
      %add3A_263 = arith.constant 1 : i32
      %add3A_264 = vector.broadcast %add3A_263 : i32 to vector<16xi32>
      %add3A_265 = arith.addi %mul3A_252, %add3A_264 : vector<16xi32>
      %gather3A_266 = tpu.vector_load_idx %arg5[%add3A_265] : memref<40000xf32, #tpu.memory_space<vmem>>[vector<16xi32>], vector<16xf32>,
      %add3A_267 = arith.constant 2 : i32
      %add3A_268 = vector.broadcast %add3A_267 : i32 to vector<16xi32>
      %add3A_269 = arith.addi %mul3A_261, %add3A_268 : vector<16xi32>
      %gather3A_270 = tpu.vector_load_idx %arg5[%add3A_269] : memref<40000xf32, #tpu.memory_space<vmem>>[vector<16xi32>], vector<16xf32>,
      %add3A_271 = arith.constant 3 : i32
      %add3A_272 = vector.broadcast %add3A_271 : i32 to vector<16xi32>
      %add3A_273 = arith.addi %mul3A_261, %add3A_272 : vector<16xi32>
      %gather3A_274 = tpu.vector_load_idx %arg5[%add3A_273] : memref<40000xf32, #tpu.memory_space<vmem>>[vector<16xi32>], vector<16xf32>,
      %add3A_275 = arith.addf %gather3A_262, %gather3A_270 : vector<16xf32>
      %swap3A_276 = arith.constant 78 : i32
      %swap3A_277 = arith.constant 0 : i32
      %swap3A_278 = arith.index_cast %swap3A_276 : i32 to index
      %swap3A_279 = arith.index_cast %swap3A_277 : i32 to index
      %swap3A_280 = arith.constant 80 : index
      %swap3A_281 = tpu.vector_load %arg7[%swap3A_278, %swap3A_279, %swap3A_280] {strides = array<i32>} : memref<79x2x128xf32, #tpu.memory_space<vmem>>, vector<16xf32>,
      tpu.vector_store %arg7[%swap3A_278, %swap3A_279, %swap3A_280], %add3A_275 {strides = array<i32>} : memref<79x2x128xf32, #tpu.memory_space<vmem>>, vector<16xf32>,
      %add3A_282 = arith.addf %gather3A_266, %gather3A_274 : vector<16xf32>
      %swap3A_283 = arith.constant 78 : i32
      %swap3A_284 = arith.constant 1 : i32
      %swap3A_285 = arith.index_cast %swap3A_283 : i32 to index
      %swap3A_286 = arith.index_cast %swap3A_284 : i32 to index
      %swap3A_287 = arith.constant 80 : index
      %swap3A_288 = tpu.vector_load %arg7[%swap3A_285, %swap3A_286, %swap3A_287] {strides = array<i32>} : memref<79x2x128xf32, #tpu.memory_space<vmem>>, vector<16xf32>,
      tpu.vector_store %arg7[%swap3A_285, %swap3A_286, %swap3A_287], %add3A_282 {strides = array<i32>} : memref<79x2x128xf32, #tpu.memory_space<vmem>>, vector<16xf32>,
      %get3A_289 = arith.constant 78 : i32
      %get3A_290 = arith.constant 0 : i32
      %get3A_291 = arith.index_cast %get3A_289 : i32 to index
      %get3A_292 = arith.index_cast %get3A_290 : i32 to index
      %get3A_293 = arith.constant 96 : index
      %get3A_294 = tpu.vector_load %arg6[%get3A_291, %get3A_292, %get3A_293] {strides = array<i32>} : memref<79x2x128xi32, #tpu.memory_space<vmem>>, vector<16xi32>,
      %mul3A_295 = arith.constant 4 : i32
      %mul3A_296 = vector.broadcast %mul3A_295 : i32 to vector<16xi32>
      %mul3A_297 = arith.muli %get3A_294, %mul3A_296 : vector<16xi32>
      %get3A_298 = arith.constant 78 : i32
      %get3A_299 = arith.constant 1 : i32
      %get3A_300 = arith.index_cast %get3A_298 : i32 to index
      %get3A_301 = arith.index_cast %get3A_299 : i32 to index
      %get3A_302 = arith.constant 96 : index
      %get3A_303 = tpu.vector_load %arg6[%get3A_300, %get3A_301, %get3A_302] {strides = array<i32>} : memref<79x2x128xi32, #tpu.memory_space<vmem>>, vector<16xi32>,
      %mul3A_304 = arith.constant 4 : i32
      %mul3A_305 = vector.broadcast %mul3A_304 : i32 to vector<16xi32>
      %mul3A_306 = arith.muli %get3A_303, %mul3A_305 : vector<16xi32>
      %gather3A_307 = tpu.vector_load_idx %arg5[%mul3A_297] : memref<40000xf32, #tpu.memory_space<vmem>>[vector<16xi32>], vector<16xf32>,
      %add3A_308 = arith.constant 1 : i32
      %add3A_309 = vector.broadcast %add3A_308 : i32 to vector<16xi32>
      %add3A_310 = arith.addi %mul3A_297, %add3A_309 : vector<16xi32>
      %gather3A_311 = tpu.vector_load_idx %arg5[%add3A_310] : memref<40000xf32, #tpu.memory_space<vmem>>[vector<16xi32>], vector<16xf32>,
      %add3A_312 = arith.constant 2 : i32
      %add3A_313 = vector.broadcast %add3A_312 : i32 to vector<16xi32>
      %add3A_314 = arith.addi %mul3A_306, %add3A_313 : vector<16xi32>
      %gather3A_315 = tpu.vector_load_idx %arg5[%add3A_314] : memref<40000xf32, #tpu.memory_space<vmem>>[vector<16xi32>], vector<16xf32>,
      %add3A_316 = arith.constant 3 : i32
      %add3A_317 = vector.broadcast %add3A_316 : i32 to vector<16xi32>
      %add3A_318 = arith.addi %mul3A_306, %add3A_317 : vector<16xi32>
      %gather3A_319 = tpu.vector_load_idx %arg5[%add3A_318] : memref<40000xf32, #tpu.memory_space<vmem>>[vector<16xi32>], vector<16xf32>,
      %add3A_320 = arith.addf %gather3A_307, %gather3A_315 : vector<16xf32>
      %swap3A_321 = arith.constant 78 : i32
      %swap3A_322 = arith.constant 0 : i32
      %swap3A_323 = arith.index_cast %swap3A_321 : i32 to index
      %swap3A_324 = arith.index_cast %swap3A_322 : i32 to index
      %swap3A_325 = arith.constant 96 : index
      %swap3A_326 = tpu.vector_load %arg7[%swap3A_323, %swap3A_324, %swap3A_325] {strides = array<i32>} : memref<79x2x128xf32, #tpu.memory_space<vmem>>, vector<16xf32>,
      tpu.vector_store %arg7[%swap3A_323, %swap3A_324, %swap3A_325], %add3A_320 {strides = array<i32>} : memref<79x2x128xf32, #tpu.memory_space<vmem>>, vector<16xf32>,
      %add3A_327 = arith.addf %gather3A_311, %gather3A_319 : vector<16xf32>
      %swap3A_328 = arith.constant 78 : i32
      %swap3A_329 = arith.constant 1 : i32
      %swap3A_330 = arith.index_cast %swap3A_328 : i32 to index
      %swap3A_331 = arith.index_cast %swap3A_329 : i32 to index
      %swap3A_332 = arith.constant 96 : index
      %swap3A_333 = tpu.vector_load %arg7[%swap3A_330, %swap3A_331, %swap3A_332] {strides = array<i32>} : memref<79x2x128xf32, #tpu.memory_space<vmem>>, vector<16xf32>,
      tpu.vector_store %arg7[%swap3A_330, %swap3A_331, %swap3A_332], %add3A_327 {strides = array<i32>} : memref<79x2x128xf32, #tpu.memory_space<vmem>>, vector<16xf32>,
      %get3A_334 = arith.constant 78 : i32
      %get3A_335 = arith.constant 0 : i32
      %get3A_336 = arith.index_cast %get3A_334 : i32 to index
      %get3A_337 = arith.index_cast %get3A_335 : i32 to index
      %get3A_338 = arith.constant 112 : index
      %get3A_339 = tpu.vector_load %arg6[%get3A_336, %get3A_337, %get3A_338] {strides = array<i32>} : memref<79x2x128xi32, #tpu.memory_space<vmem>>, vector<16xi32>,
      %mul3A_340 = arith.constant 4 : i32
      %mul3A_341 = vector.broadcast %mul3A_340 : i32 to vector<16xi32>
      %mul3A_342 = arith.muli %get3A_339, %mul3A_341 : vector<16xi32>
      %get3A_343 = arith.constant 78 : i32
      %get3A_344 = arith.constant 1 : i32
      %get3A_345 = arith.index_cast %get3A_343 : i32 to index
      %get3A_346 = arith.index_cast %get3A_344 : i32 to index
      %get3A_347 = arith.constant 112 : index
      %get3A_348 = tpu.vector_load %arg6[%get3A_345, %get3A_346, %get3A_347] {strides = array<i32>} : memref<79x2x128xi32, #tpu.memory_space<vmem>>, vector<16xi32>,
      %mul3A_349 = arith.constant 4 : i32
      %mul3A_350 = vector.broadcast %mul3A_349 : i32 to vector<16xi32>
      %mul3A_351 = arith.muli %get3A_348, %mul3A_350 : vector<16xi32>
      %gather3A_352 = tpu.vector_load_idx %arg5[%mul3A_342] : memref<40000xf32, #tpu.memory_space<vmem>>[vector<16xi32>], vector<16xf32>,
      %add3A_353 = arith.constant 1 : i32
      %add3A_354 = vector.broadcast %add3A_353 : i32 to vector<16xi32>
      %add3A_355 = arith.addi %mul3A_342, %add3A_354 : vector<16xi32>
      %gather3A_356 = tpu.vector_load_idx %arg5[%add3A_355] : memref<40000xf32, #tpu.memory_space<vmem>>[vector<16xi32>], vector<16xf32>,
      %add3A_357 = arith.constant 2 : i32
      %add3A_358 = vector.broadcast %add3A_357 : i32 to vector<16xi32>
      %add3A_359 = arith.addi %mul3A_351, %add3A_358 : vector<16xi32>
      %gather3A_360 = tpu.vector_load_idx %arg5[%add3A_359] : memref<40000xf32, #tpu.memory_space<vmem>>[vector<16xi32>], vector<16xf32>,
      %add3A_361 = arith.constant 3 : i32
      %add3A_362 = vector.broadcast %add3A_361 : i32 to vector<16xi32>
      %add3A_363 = arith.addi %mul3A_351, %add3A_362 : vector<16xi32>
      %gather3A_364 = tpu.vector_load_idx %arg5[%add3A_363] : memref<40000xf32, #tpu.memory_space<vmem>>[vector<16xi32>], vector<16xf32>,
      %add3A_365 = arith.addf %gather3A_352, %gather3A_360 : vector<16xf32>
      %swap3A_366 = arith.constant 78 : i32
      %swap3A_367 = arith.constant 0 : i32
      %swap3A_368 = arith.index_cast %swap3A_366 : i32 to index
      %swap3A_369 = arith.index_cast %swap3A_367 : i32 to index
      %swap3A_370 = arith.constant 112 : index
      %swap3A_371 = tpu.vector_load %arg7[%swap3A_368, %swap3A_369, %swap3A_370] {strides = array<i32>} : memref<79x2x128xf32, #tpu.memory_space<vmem>>, vector<16xf32>,
      tpu.vector_store %arg7[%swap3A_368, %swap3A_369, %swap3A_370], %add3A_365 {strides = array<i32>} : memref<79x2x128xf32, #tpu.memory_space<vmem>>, vector<16xf32>,
      %add3A_372 = arith.addf %gather3A_356, %gather3A_364 : vector<16xf32>
      %swap3A_373 = arith.constant 78 : i32
      %swap3A_374 = arith.constant 1 : i32
      %swap3A_375 = arith.index_cast %swap3A_373 : i32 to index
      %swap3A_376 = arith.index_cast %swap3A_374 : i32 to index
      %swap3A_377 = arith.constant 112 : index
      %swap3A_378 = tpu.vector_load %arg7[%swap3A_375, %swap3A_376, %swap3A_377] {strides = array<i32>} : memref<79x2x128xf32, #tpu.memory_space<vmem>>, vector<16xf32>,
      tpu.vector_store %arg7[%swap3A_375, %swap3A_376, %swap3A_377], %add3A_372 {strides = array<i32>} : memref<79x2x128xf32, #tpu.memory_space<vmem>>, vector<16xf32>,
    } else {
    }
    %mul3A_15 = arith.constant 78 : i32
    %mul3A_16 = arith.muli %add3A, %mul3A_15 : i32
    "tpu.region"() ({
      %run_scoped3A = tpu.sem_alloc : memref<!tpu.dma_semaphore, #tpu.memory_space<semaphore_mem>>
      %dma_start3A = arith.constant 0 : i32
      %dma_start3A_22 = arith.constant 0 : i32
      %dma_start3A_23 = arith.constant 0 : i32
      %dma_start3A_24 = tpu.memref_slice %arg7[%dma_start3A, %dma_start3A_22, %dma_start3A_23] : memref<79x2x128xf32, #tpu.memory_space<vmem>> -> memref<78x2x128xf32, #tpu.memory_space<vmem>>
      %dma_start3A_25 = arith.constant 0 : i32
      %dma_start3A_26 = arith.constant 0 : i32
      %dma_start3A_27 = tpu.memref_slice %arg4[%mul3A_16, %dma_start3A_25, %dma_start3A_26] : memref<2500x2x128xf32, #tpu.memory_space<hbm>> -> memref<78x2x128xf32, #tpu.memory_space<hbm>>
      %dma_start3A_28 = arith.constant 0 : i32
      %dma_start3A_29 = arith.constant 0 : i32
      %dma_start3A_30 = tpu.memref_slice %arg4[%mul3A_16, %dma_start3A_28, %dma_start3A_29] : memref<2500x2x128xf32, #tpu.memory_space<hbm>> -> memref<78x2x128xf32, #tpu.memory_space<hbm>>
      %dma_start3A_31 = arith.constant 0 : i32
      %dma_start3A_32 = arith.constant 0 : i32
      %dma_start3A_33 = arith.constant 0 : i32
      %dma_start3A_34 = tpu.memref_slice %arg7[%dma_start3A_31, %dma_start3A_32, %dma_start3A_33] : memref<79x2x128xf32, #tpu.memory_space<vmem>> -> memref<78x2x128xf32, #tpu.memory_space<vmem>>
      tpu.enqueue_dma source(%dma_start3A_34 : memref<78x2x128xf32, #tpu.memory_space<vmem>>) target(%dma_start3A_30 : memref<78x2x128xf32, #tpu.memory_space<hbm>>) target_semaphore(%run_scoped3A : memref<!tpu.dma_semaphore, #tpu.memory_space<semaphore_mem>>)
      %dma_wait3A = arith.constant 0 : i32
      %dma_wait3A_35 = arith.constant 0 : i32
      %dma_wait3A_36 = arith.constant 0 : i32
      %dma_wait3A_37 = tpu.memref_slice %arg7[%dma_wait3A, %dma_wait3A_35, %dma_wait3A_36] : memref<79x2x128xf32, #tpu.memory_space<vmem>> -> memref<78x2x128xf32, #tpu.memory_space<vmem>>
      %dma_wait3A_38 = arith.constant 0 : i32
      %dma_wait3A_39 = arith.constant 0 : i32
      %dma_wait3A_40 = tpu.memref_slice %arg4[%mul3A_16, %dma_wait3A_38, %dma_wait3A_39] : memref<2500x2x128xf32, #tpu.memory_space<hbm>> -> memref<78x2x128xf32, #tpu.memory_space<hbm>>
      %dma_wait3A_41 = arith.constant 0 : i32
      %dma_wait3A_42 = arith.constant 0 : i32
      %dma_wait3A_43 = tpu.memref_slice %arg4[%mul3A_16, %dma_wait3A_41, %dma_wait3A_42] : memref<2500x2x128xf32, #tpu.memory_space<hbm>> -> memref<78x2x128xf32, #tpu.memory_space<hbm>>
      %dma_wait3A_44 = arith.constant 0 : i32
      %dma_wait3A_45 = arith.constant 0 : i32
      %dma_wait3A_46 = arith.constant 0 : i32
      %dma_wait3A_47 = tpu.memref_slice %arg7[%dma_wait3A_44, %dma_wait3A_45, %dma_wait3A_46] : memref<79x2x128xf32, #tpu.memory_space<vmem>> -> memref<78x2x128xf32, #tpu.memory_space<vmem>>
      tpu.wait_dma2 semaphore(%run_scoped3A : memref<!tpu.dma_semaphore, #tpu.memory_space<semaphore_mem>>) src(%dma_wait3A_47 : memref<78x2x128xf32, #tpu.memory_space<vmem>>) dst(%dma_wait3A_43 : memref<78x2x128xf32, #tpu.memory_space<hbm>>)
      tpu.yield
    }) : () -> ()
    %lt3A_17 = arith.constant 4 : i32
    %lt3A_18 = arith.cmpi slt, %add3A, %lt3A_17 : i32
    %convert_element_type3A_19 = arith.extui %lt3A_18 : i1 to i32
    %cond3A_20 = arith.constant 0 : i32
    %cond3A_21 = arith.cmpi ne, %convert_element_type3A_19, %cond3A_20 : i32
    scf.if %cond3A_21 {
      %add3A_22 = arith.constant 2496 : i32
      %add3A_23 = arith.addi %add3A_22, %add3A : i32
      "tpu.region"() ({
        %run_scoped3A = tpu.sem_alloc : memref<!tpu.dma_semaphore, #tpu.memory_space<semaphore_mem>>
        %dma_start3A = arith.constant 78 : i32
        %dma_start3A_24 = arith.constant 0 : i32
        %dma_start3A_25 = arith.constant 0 : i32
        %dma_start3A_26 = tpu.memref_slice %arg7[%dma_start3A, %dma_start3A_24, %dma_start3A_25] : memref<79x2x128xf32, #tpu.memory_space<vmem>> -> memref<1x2x128xf32, #tpu.memory_space<vmem>>
        %dma_start3A_27 = arith.constant 0 : i32
        %dma_start3A_28 = arith.constant 0 : i32
        %dma_start3A_29 = tpu.memref_slice %arg4[%add3A_23, %dma_start3A_27, %dma_start3A_28] : memref<2500x2x128xf32, #tpu.memory_space<hbm>> -> memref<1x2x128xf32, #tpu.memory_space<hbm>>
        %dma_start3A_30 = arith.constant 0 : i32
        %dma_start3A_31 = arith.constant 0 : i32
        %dma_start3A_32 = tpu.memref_slice %arg4[%add3A_23, %dma_start3A_30, %dma_start3A_31] : memref<2500x2x128xf32, #tpu.memory_space<hbm>> -> memref<1x2x128xf32, #tpu.memory_space<hbm>>
        %dma_start3A_33 = arith.constant 78 : i32
        %dma_start3A_34 = arith.constant 0 : i32
        %dma_start3A_35 = arith.constant 0 : i32
        %dma_start3A_36 = tpu.memref_slice %arg7[%dma_start3A_33, %dma_start3A_34, %dma_start3A_35] : memref<79x2x128xf32, #tpu.memory_space<vmem>> -> memref<1x2x128xf32, #tpu.memory_space<vmem>>
        tpu.enqueue_dma source(%dma_start3A_36 : memref<1x2x128xf32, #tpu.memory_space<vmem>>) target(%dma_start3A_32 : memref<1x2x128xf32, #tpu.memory_space<hbm>>) target_semaphore(%run_scoped3A : memref<!tpu.dma_semaphore, #tpu.memory_space<semaphore_mem>>)
        %dma_wait3A = arith.constant 78 : i32
        %dma_wait3A_37 = arith.constant 0 : i32
        %dma_wait3A_38 = arith.constant 0 : i32
        %dma_wait3A_39 = tpu.memref_slice %arg7[%dma_wait3A, %dma_wait3A_37, %dma_wait3A_38] : memref<79x2x128xf32, #tpu.memory_space<vmem>> -> memref<1x2x128xf32, #tpu.memory_space<vmem>>
        %dma_wait3A_40 = arith.constant 0 : i32
        %dma_wait3A_41 = arith.constant 0 : i32
        %dma_wait3A_42 = tpu.memref_slice %arg4[%add3A_23, %dma_wait3A_40, %dma_wait3A_41] : memref<2500x2x128xf32, #tpu.memory_space<hbm>> -> memref<1x2x128xf32, #tpu.memory_space<hbm>>
        %dma_wait3A_43 = arith.constant 0 : i32
        %dma_wait3A_44 = arith.constant 0 : i32
        %dma_wait3A_45 = tpu.memref_slice %arg4[%add3A_23, %dma_wait3A_43, %dma_wait3A_44] : memref<2500x2x128xf32, #tpu.memory_space<hbm>> -> memref<1x2x128xf32, #tpu.memory_space<hbm>>
        %dma_wait3A_46 = arith.constant 78 : i32
        %dma_wait3A_47 = arith.constant 0 : i32
        %dma_wait3A_48 = arith.constant 0 : i32
        %dma_wait3A_49 = tpu.memref_slice %arg7[%dma_wait3A_46, %dma_wait3A_47, %dma_wait3A_48] : memref<79x2x128xf32, #tpu.memory_space<vmem>> -> memref<1x2x128xf32, #tpu.memory_space<vmem>>
        tpu.wait_dma2 semaphore(%run_scoped3A : memref<!tpu.dma_semaphore, #tpu.memory_space<semaphore_mem>>) src(%dma_wait3A_49 : memref<1x2x128xf32, #tpu.memory_space<vmem>>) dst(%dma_wait3A_45 : memref<1x2x128xf32, #tpu.memory_space<hbm>>)
        tpu.yield
      }) : () -> ()
    } else {
    }
    return
  }
}

module attributes {stable_mosaic.version = 14 : i64} {
  func.func @body(%arg0: i32, %arg1: memref<2000x128xf32, #tpu.memory_space<vmem>>, %arg2: memref<2000x128xf32, #tpu.memory_space<vmem>>, %arg3: memref<128x64xf32, #tpu.memory_space<vmem>>, %arg4: memref<128x32xf32, #tpu.memory_space<vmem>>, %arg5: memref<1x32xf32, #tpu.memory_space<vmem>>, %arg6: memref<2000x64xf32, #tpu.memory_space<vmem>>, %arg7: memref<2000x32xf32, #tpu.memory_space<vmem>>, %arg8: memref<2000x8xf32, #tpu.memory_space<vmem>>) attributes {dimension_semantics = [#tpu.dimension_semantics<arbitrary>], iteration_bounds = array<i64: 5>, scalar_prefetch = 0 : i64, scratch_operands = 0 : i64, tpu.core_type = #tpu.core_type<tc>, window_params = [{transform_indices = @transform_0, window_bounds = array<i64: 2000, 128>}, {transform_indices = @transform_1, window_bounds = array<i64: 2000, 128>}, {pipeline_mode = #tpu.pipeline_mode<synchronous>, transform_indices = @transform_2, window_bounds = array<i64: 128, 64>}, {pipeline_mode = #tpu.pipeline_mode<synchronous>, transform_indices = @transform_3, window_bounds = array<i64: 128, 32>}, {pipeline_mode = #tpu.pipeline_mode<synchronous>, transform_indices = @transform_4, window_bounds = array<i64: 1, 32>}, {transform_indices = @transform_5, window_bounds = array<i64: 2000, 64>}, {transform_indices = @transform_6, window_bounds = array<i64: 2000, 32>}, {transform_indices = @transform_7, window_bounds = array<i64: 2000, 8>}]} {
    %get3A = arith.constant 0 : index
    %get3A_0 = arith.constant 0 : index
    %get3A_1 = vector.load %arg1[%get3A, %get3A_0] : memref<2000x128xf32, #tpu.memory_space<vmem>>, vector<2000x128xf32>
    %slice3A = vector.extract_strided_slice %get3A_1 {offsets = [0, 0], sizes = [2000, 1], strides = [1, 1]} : vector<2000x128xf32> to vector<2000x1xf32>
    %slice3A_2 = vector.extract_strided_slice %get3A_1 {offsets = [0, 8], sizes = [2000, 1], strides = [1, 1]} : vector<2000x128xf32> to vector<2000x1xf32>
    %add3A = arith.addf %slice3A, %slice3A_2 : vector<2000x1xf32>
    %add3A_3 = arith.constant 1.000000e+00 : f32
    %add3A_4 = vector.broadcast %add3A_3 : f32 to vector<2000x1xf32>
    %add3A_5 = arith.addf %add3A, %add3A_4 : vector<2000x1xf32>
    %sqrt3A = math.sqrt %add3A_5 : vector<2000x1xf32>
    %div3A = arith.constant 1.000000e+00 : f32
    %div3A_6 = vector.broadcast %div3A : f32 to vector<2000x1xf32>
    %div3A_7 = arith.divf %div3A_6, %sqrt3A : vector<2000x1xf32>
    %broadcast_in_dim3A = vector.shape_cast %div3A_7 : vector<2000x1xf32> to vector<2000x1xf32>
    %broadcast_in_dim3A_8 = vector.broadcast %broadcast_in_dim3A : vector<2000x1xf32> to vector<2000x8xf32>
    %swap3A = arith.constant 0 : index
    %swap3A_9 = arith.constant 0 : index
    %swap3A_10 = vector.load %arg8[%swap3A, %swap3A_9] : memref<2000x8xf32, #tpu.memory_space<vmem>>, vector<2000x8xf32>
    tpu.vector_store %arg8[%swap3A, %swap3A_9], %broadcast_in_dim3A_8 {strides = array<i32>} : memref<2000x8xf32, #tpu.memory_space<vmem>>, vector<2000x8xf32>,
    %get3A_11 = arith.constant 0 : index
    %get3A_12 = arith.constant 0 : index
    %get3A_13 = vector.load %arg2[%get3A_11, %get3A_12] : memref<2000x128xf32, #tpu.memory_space<vmem>>, vector<2000x128xf32>
    %get3A_14 = arith.constant 0 : index
    %get3A_15 = arith.constant 0 : index
    %get3A_16 = vector.load %arg3[%get3A_14, %get3A_15] : memref<128x64xf32, #tpu.memory_space<vmem>>, vector<128x64xf32>
    %dot_general3A = arith.constant dense<0.000000e+00> : vector<2000x64xf32>
    %dot_general3A_17 = tpu.matmul %get3A_13, %get3A_16, %dot_general3A {dimension_numbers = #tpu.dot_dimension_numbers<[1], [0], [0], [1], [0, 0, 1, 1], [], []>, transpose_lhs_hint = false} : vector<2000x128xf32>, vector<128x64xf32>, vector<2000x64xf32> -> vector<2000x64xf32>
    %mul3A = vector.broadcast %div3A_7 : vector<2000x1xf32> to vector<2000x64xf32>
    %mul3A_18 = arith.mulf %dot_general3A_17, %mul3A : vector<2000x64xf32>
    %swap3A_19 = arith.constant 0 : index
    %swap3A_20 = arith.constant 0 : index
    %swap3A_21 = vector.load %arg6[%swap3A_19, %swap3A_20] : memref<2000x64xf32, #tpu.memory_space<vmem>>, vector<2000x64xf32>
    tpu.vector_store %arg6[%swap3A_19, %swap3A_20], %mul3A_18 {strides = array<i32>} : memref<2000x64xf32, #tpu.memory_space<vmem>>, vector<2000x64xf32>,
    %get3A_22 = arith.constant 0 : index
    %get3A_23 = arith.constant 0 : index
    %get3A_24 = vector.load %arg4[%get3A_22, %get3A_23] : memref<128x32xf32, #tpu.memory_space<vmem>>, vector<128x32xf32>
    %dot_general3A_25 = arith.constant dense<0.000000e+00> : vector<2000x32xf32>
    %dot_general3A_26 = tpu.matmul %get3A_13, %get3A_24, %dot_general3A_25 {dimension_numbers = #tpu.dot_dimension_numbers<[1], [0], [0], [1], [0, 0, 1, 1], [], []>, transpose_lhs_hint = false} : vector<2000x128xf32>, vector<128x32xf32>, vector<2000x32xf32> -> vector<2000x32xf32>
    %get3A_27 = arith.constant 0 : index
    %get3A_28 = arith.constant 0 : index
    %get3A_29 = vector.load %arg5[%get3A_27, %get3A_28] : memref<1x32xf32, #tpu.memory_space<vmem>>, vector<1x32xf32>
    %add3A_30 = vector.broadcast %get3A_29 : vector<1x32xf32> to vector<2000x32xf32>
    %add3A_31 = arith.addf %dot_general3A_26, %add3A_30 : vector<2000x32xf32>
    %swap3A_32 = arith.constant 0 : index
    %swap3A_33 = arith.constant 0 : index
    %swap3A_34 = vector.load %arg7[%swap3A_32, %swap3A_33] : memref<2000x32xf32, #tpu.memory_space<vmem>>, vector<2000x32xf32>
    tpu.vector_store %arg7[%swap3A_32, %swap3A_33], %add3A_31 {strides = array<i32>} : memref<2000x32xf32, #tpu.memory_space<vmem>>, vector<2000x32xf32>,
    return
  }
  func.func @transform_0(%arg0: i32) -> (i32, i32) {
    %c0_i32 = arith.constant 0 : i32
    %c0_i32_0 = arith.constant 0 : i32
    return %arg0, %c0_i32 : i32, i32
  }
  func.func @transform_1(%arg0: i32) -> (i32, i32) {
    %c0_i32 = arith.constant 0 : i32
    %c0_i32_0 = arith.constant 0 : i32
    return %arg0, %c0_i32 : i32, i32
  }
  func.func @transform_2(%arg0: i32) -> (i32, i32) {
    %c0_i32 = arith.constant 0 : i32
    %c0_i32_0 = arith.constant 0 : i32
    %c0_i32_1 = arith.constant 0 : i32
    return %c0_i32, %c0_i32_0 : i32, i32
  }
  func.func @transform_3(%arg0: i32) -> (i32, i32) {
    %c0_i32 = arith.constant 0 : i32
    %c0_i32_0 = arith.constant 0 : i32
    %c0_i32_1 = arith.constant 0 : i32
    return %c0_i32, %c0_i32_0 : i32, i32
  }
  func.func @transform_4(%arg0: i32) -> (i32, i32) {
    %c0_i32 = arith.constant 0 : i32
    %c0_i32_0 = arith.constant 0 : i32
    %c0_i32_1 = arith.constant 0 : i32
    return %c0_i32, %c0_i32_0 : i32, i32
  }
  func.func @transform_5(%arg0: i32) -> (i32, i32) {
    %c0_i32 = arith.constant 0 : i32
    %c0_i32_0 = arith.constant 0 : i32
    return %arg0, %c0_i32 : i32, i32
  }
  func.func @transform_6(%arg0: i32) -> (i32, i32) {
    %c0_i32 = arith.constant 0 : i32
    %c0_i32_0 = arith.constant 0 : i32
    return %arg0, %c0_i32 : i32, i32
  }
  func.func @transform_7(%arg0: i32) -> (i32, i32) {
    %c0_i32 = arith.constant 0 : i32
    %c0_i32_0 = arith.constant 0 : i32
    return %arg0, %c0_i32 : i32, i32
  }
}

module attributes {stable_mosaic.version = 14 : i64} {
  func.func @body(%arg0: i32, %arg1: memref<2000x128xf32, #tpu.memory_space<vmem>>, %arg2: memref<2000x64xf32, #tpu.memory_space<vmem>>, %arg3: memref<2000x8xf32, #tpu.memory_space<vmem>>, %arg4: memref<2000x32xf32, #tpu.memory_space<vmem>>, %arg5: memref<1x128xf32, #tpu.memory_space<vmem>>, %arg6: memref<128x64xf32, #tpu.memory_space<vmem>>, %arg7: memref<128x32xf32, #tpu.memory_space<vmem>>, %arg8: memref<1x32xf32, #tpu.memory_space<vmem>>, %arg9: memref<32x512xf32, #tpu.memory_space<vmem>>, %arg10: memref<64x512xf32, #tpu.memory_space<vmem>>, %arg11: memref<2000x64xf32, #tpu.memory_space<vmem>>, %arg12: memref<2000x32xf32, #tpu.memory_space<vmem>>) attributes {dimension_semantics = [#tpu.dimension_semantics<arbitrary>], iteration_bounds = array<i64: 5>, scalar_prefetch = 0 : i64, scratch_operands = 0 : i64, tpu.core_type = #tpu.core_type<tc>, window_params = [{transform_indices = @transform_0, window_bounds = array<i64: 2000, 128>}, {transform_indices = @transform_1, window_bounds = array<i64: 2000, 64>}, {transform_indices = @transform_2, window_bounds = array<i64: 2000, 8>}, {transform_indices = @transform_3, window_bounds = array<i64: 2000, 32>}, {pipeline_mode = #tpu.pipeline_mode<synchronous>, transform_indices = @transform_4, window_bounds = array<i64: 1, 128>}, {pipeline_mode = #tpu.pipeline_mode<synchronous>, transform_indices = @transform_5, window_bounds = array<i64: 128, 64>}, {pipeline_mode = #tpu.pipeline_mode<synchronous>, transform_indices = @transform_6, window_bounds = array<i64: 128, 32>}, {pipeline_mode = #tpu.pipeline_mode<synchronous>, transform_indices = @transform_7, window_bounds = array<i64: 1, 32>}, {pipeline_mode = #tpu.pipeline_mode<synchronous>, transform_indices = @transform_8, window_bounds = array<i64: 32, 512>}, {pipeline_mode = #tpu.pipeline_mode<synchronous>, transform_indices = @transform_9, window_bounds = array<i64: 64, 512>}, {transform_indices = @transform_10, window_bounds = array<i64: 2000, 64>}, {transform_indices = @transform_11, window_bounds = array<i64: 2000, 32>}]} {
    %get3A = arith.constant 0 : index
    %get3A_0 = arith.constant 0 : index
    %get3A_1 = vector.load %arg3[%get3A, %get3A_0] : memref<2000x8xf32, #tpu.memory_space<vmem>>, vector<2000x8xf32>
    %slice3A = vector.extract_strided_slice %get3A_1 {offsets = [0, 0], sizes = [2000, 1], strides = [1, 1]} : vector<2000x8xf32> to vector<2000x1xf32>
    %get3A_2 = arith.constant 0 : index
    %get3A_3 = arith.constant 0 : index
    %get3A_4 = vector.load %arg1[%get3A_2, %get3A_3] : memref<2000x128xf32, #tpu.memory_space<vmem>>, vector<2000x128xf32>
    %slice3A_5 = vector.extract_strided_slice %get3A_4 {offsets = [0, 0], sizes = [2000, 64], strides = [1, 1]} : vector<2000x128xf32> to vector<2000x64xf32>
    %slice3A_6 = vector.extract_strided_slice %get3A_4 {offsets = [0, 64], sizes = [2000, 64], strides = [1, 1]} : vector<2000x128xf32> to vector<2000x64xf32>
    %add3A = arith.addf %slice3A_5, %slice3A_6 : vector<2000x64xf32>
    %get3A_7 = arith.constant 0 : index
    %get3A_8 = arith.constant 0 : index
    %get3A_9 = vector.load %arg2[%get3A_7, %get3A_8] : memref<2000x64xf32, #tpu.memory_space<vmem>>, vector<2000x64xf32>
    %add3A_10 = arith.addf %add3A, %get3A_9 : vector<2000x64xf32>
    %mul3A = vector.broadcast %slice3A : vector<2000x1xf32> to vector<2000x64xf32>
    %mul3A_11 = arith.mulf %add3A_10, %mul3A : vector<2000x64xf32>
    %get3A_12 = arith.constant 0 : index
    %get3A_13 = arith.constant 0 : index
    %get3A_14 = vector.load %arg4[%get3A_12, %get3A_13] : memref<2000x32xf32, #tpu.memory_space<vmem>>, vector<2000x32xf32>
    %get3A_15 = arith.constant 0 : index
    %get3A_16 = arith.constant 0 : index
    %get3A_17 = vector.load %arg9[%get3A_15, %get3A_16] : memref<32x512xf32, #tpu.memory_space<vmem>>, vector<32x512xf32>
    %dot_general3A = arith.constant dense<0.000000e+00> : vector<2000x512xf32>
    %dot_general3A_18 = tpu.matmul %get3A_14, %get3A_17, %dot_general3A {dimension_numbers = #tpu.dot_dimension_numbers<[1], [0], [0], [1], [0, 0, 1, 1], [], []>, transpose_lhs_hint = false} : vector<2000x32xf32>, vector<32x512xf32>, vector<2000x512xf32> -> vector<2000x512xf32>
    %get3A_19 = arith.constant 0 : index
    %get3A_20 = arith.constant 0 : index
    %get3A_21 = vector.load %arg10[%get3A_19, %get3A_20] : memref<64x512xf32, #tpu.memory_space<vmem>>, vector<64x512xf32>
    %dot_general3A_22 = arith.constant dense<0.000000e+00> : vector<2000x512xf32>
    %dot_general3A_23 = tpu.matmul %mul3A_11, %get3A_21, %dot_general3A_22 {dimension_numbers = #tpu.dot_dimension_numbers<[1], [0], [0], [1], [0, 0, 1, 1], [], []>, transpose_lhs_hint = false} : vector<2000x64xf32>, vector<64x512xf32>, vector<2000x512xf32> -> vector<2000x512xf32>
    %mul3A_24 = arith.mulf %dot_general3A_18, %dot_general3A_23 : vector<2000x512xf32>
    %slice3A_25 = vector.extract_strided_slice %mul3A_24 {offsets = [0, 0], sizes = [2000, 128], strides = [1, 1]} : vector<2000x512xf32> to vector<2000x128xf32>
    %slice3A_26 = vector.extract_strided_slice %mul3A_24 {offsets = [0, 128], sizes = [2000, 128], strides = [1, 1]} : vector<2000x512xf32> to vector<2000x128xf32>
    %add3A_27 = arith.addf %slice3A_25, %slice3A_26 : vector<2000x128xf32>
    %slice3A_28 = vector.extract_strided_slice %mul3A_24 {offsets = [0, 256], sizes = [2000, 128], strides = [1, 1]} : vector<2000x512xf32> to vector<2000x128xf32>
    %slice3A_29 = vector.extract_strided_slice %mul3A_24 {offsets = [0, 384], sizes = [2000, 128], strides = [1, 1]} : vector<2000x512xf32> to vector<2000x128xf32>
    %add3A_30 = arith.addf %slice3A_28, %slice3A_29 : vector<2000x128xf32>
    %add3A_31 = arith.addf %add3A_27, %add3A_30 : vector<2000x128xf32>
    %get3A_32 = arith.constant 0 : index
    %get3A_33 = arith.constant 0 : index
    %get3A_34 = vector.load %arg5[%get3A_32, %get3A_33] : memref<1x128xf32, #tpu.memory_space<vmem>>, vector<1x128xf32>
    %add3A_35 = vector.broadcast %get3A_34 : vector<1x128xf32> to vector<2000x128xf32>
    %add3A_36 = arith.addf %add3A_31, %add3A_35 : vector<2000x128xf32>
    %max3A = arith.constant 0.000000e+00 : f32
    %max3A_37 = vector.broadcast %max3A : f32 to vector<2000x128xf32>
    %max3A_38 = arith.maximumf %add3A_36, %max3A_37 : vector<2000x128xf32>
    %get3A_39 = arith.constant 0 : index
    %get3A_40 = arith.constant 0 : index
    %get3A_41 = vector.load %arg6[%get3A_39, %get3A_40] : memref<128x64xf32, #tpu.memory_space<vmem>>, vector<128x64xf32>
    %dot_general3A_42 = arith.constant dense<0.000000e+00> : vector<2000x64xf32>
    %dot_general3A_43 = tpu.matmul %max3A_38, %get3A_41, %dot_general3A_42 {dimension_numbers = #tpu.dot_dimension_numbers<[1], [0], [0], [1], [0, 0, 1, 1], [], []>, transpose_lhs_hint = false} : vector<2000x128xf32>, vector<128x64xf32>, vector<2000x64xf32> -> vector<2000x64xf32>
    %mul3A_44 = vector.broadcast %slice3A : vector<2000x1xf32> to vector<2000x64xf32>
    %mul3A_45 = arith.mulf %dot_general3A_43, %mul3A_44 : vector<2000x64xf32>
    %swap3A = arith.constant 0 : index
    %swap3A_46 = arith.constant 0 : index
    %swap3A_47 = vector.load %arg11[%swap3A, %swap3A_46] : memref<2000x64xf32, #tpu.memory_space<vmem>>, vector<2000x64xf32>
    tpu.vector_store %arg11[%swap3A, %swap3A_46], %mul3A_45 {strides = array<i32>} : memref<2000x64xf32, #tpu.memory_space<vmem>>, vector<2000x64xf32>,
    %get3A_48 = arith.constant 0 : index
    %get3A_49 = arith.constant 0 : index
    %get3A_50 = vector.load %arg7[%get3A_48, %get3A_49] : memref<128x32xf32, #tpu.memory_space<vmem>>, vector<128x32xf32>
    %dot_general3A_51 = arith.constant dense<0.000000e+00> : vector<2000x32xf32>
    %dot_general3A_52 = tpu.matmul %max3A_38, %get3A_50, %dot_general3A_51 {dimension_numbers = #tpu.dot_dimension_numbers<[1], [0], [0], [1], [0, 0, 1, 1], [], []>, transpose_lhs_hint = false} : vector<2000x128xf32>, vector<128x32xf32>, vector<2000x32xf32> -> vector<2000x32xf32>
    %get3A_53 = arith.constant 0 : index
    %get3A_54 = arith.constant 0 : index
    %get3A_55 = vector.load %arg8[%get3A_53, %get3A_54] : memref<1x32xf32, #tpu.memory_space<vmem>>, vector<1x32xf32>
    %add3A_56 = vector.broadcast %get3A_55 : vector<1x32xf32> to vector<2000x32xf32>
    %add3A_57 = arith.addf %dot_general3A_52, %add3A_56 : vector<2000x32xf32>
    %swap3A_58 = arith.constant 0 : index
    %swap3A_59 = arith.constant 0 : index
    %swap3A_60 = vector.load %arg12[%swap3A_58, %swap3A_59] : memref<2000x32xf32, #tpu.memory_space<vmem>>, vector<2000x32xf32>
    tpu.vector_store %arg12[%swap3A_58, %swap3A_59], %add3A_57 {strides = array<i32>} : memref<2000x32xf32, #tpu.memory_space<vmem>>, vector<2000x32xf32>,
    return
  }
  func.func @transform_0(%arg0: i32) -> (i32, i32) {
    %c0_i32 = arith.constant 0 : i32
    %c0_i32_0 = arith.constant 0 : i32
    return %arg0, %c0_i32 : i32, i32
  }
  func.func @transform_1(%arg0: i32) -> (i32, i32) {
    %c0_i32 = arith.constant 0 : i32
    %c0_i32_0 = arith.constant 0 : i32
    return %arg0, %c0_i32 : i32, i32
  }
  func.func @transform_2(%arg0: i32) -> (i32, i32) {
    %c0_i32 = arith.constant 0 : i32
    %c0_i32_0 = arith.constant 0 : i32
    return %arg0, %c0_i32 : i32, i32
  }
  func.func @transform_3(%arg0: i32) -> (i32, i32) {
    %c0_i32 = arith.constant 0 : i32
    %c0_i32_0 = arith.constant 0 : i32
    return %arg0, %c0_i32 : i32, i32
  }
  func.func @transform_4(%arg0: i32) -> (i32, i32) {
    %c0_i32 = arith.constant 0 : i32
    %c0_i32_0 = arith.constant 0 : i32
    %c0_i32_1 = arith.constant 0 : i32
    return %c0_i32, %c0_i32_0 : i32, i32
  }
  func.func @transform_5(%arg0: i32) -> (i32, i32) {
    %c0_i32 = arith.constant 0 : i32
    %c0_i32_0 = arith.constant 0 : i32
    %c0_i32_1 = arith.constant 0 : i32
    return %c0_i32, %c0_i32_0 : i32, i32
  }
  func.func @transform_6(%arg0: i32) -> (i32, i32) {
    %c0_i32 = arith.constant 0 : i32
    %c0_i32_0 = arith.constant 0 : i32
    %c0_i32_1 = arith.constant 0 : i32
    return %c0_i32, %c0_i32_0 : i32, i32
  }
  func.func @transform_7(%arg0: i32) -> (i32, i32) {
    %c0_i32 = arith.constant 0 : i32
    %c0_i32_0 = arith.constant 0 : i32
    %c0_i32_1 = arith.constant 0 : i32
    return %c0_i32, %c0_i32_0 : i32, i32
  }
  func.func @transform_8(%arg0: i32) -> (i32, i32) {
    %c0_i32 = arith.constant 0 : i32
    %c0_i32_0 = arith.constant 0 : i32
    %c0_i32_1 = arith.constant 0 : i32
    return %c0_i32, %c0_i32_0 : i32, i32
  }
  func.func @transform_9(%arg0: i32) -> (i32, i32) {
    %c0_i32 = arith.constant 0 : i32
    %c0_i32_0 = arith.constant 0 : i32
    %c0_i32_1 = arith.constant 0 : i32
    return %c0_i32, %c0_i32_0 : i32, i32
  }
  func.func @transform_10(%arg0: i32) -> (i32, i32) {
    %c0_i32 = arith.constant 0 : i32
    %c0_i32_0 = arith.constant 0 : i32
    return %arg0, %c0_i32 : i32, i32
  }
  func.func @transform_11(%arg0: i32) -> (i32, i32) {
    %c0_i32 = arith.constant 0 : i32
    %c0_i32_0 = arith.constant 0 : i32
    return %arg0, %c0_i32 : i32, i32
  }
}

module attributes {stable_mosaic.version = 14 : i64} {
  func.func @body(%arg0: i32, %arg1: memref<2000x128xf32, #tpu.memory_space<vmem>>, %arg2: memref<2000x64xf32, #tpu.memory_space<vmem>>, %arg3: memref<2000x8xf32, #tpu.memory_space<vmem>>, %arg4: memref<2000x32xf32, #tpu.memory_space<vmem>>, %arg5: memref<1x128xf32, #tpu.memory_space<vmem>>, %arg6: memref<128x4xf32, #tpu.memory_space<vmem>>, %arg7: memref<1x4xf32, #tpu.memory_space<vmem>>, %arg8: memref<32x512xf32, #tpu.memory_space<vmem>>, %arg9: memref<64x512xf32, #tpu.memory_space<vmem>>, %arg10: memref<2000x4xf32, #tpu.memory_space<vmem>>) attributes {dimension_semantics = [#tpu.dimension_semantics<arbitrary>], iteration_bounds = array<i64: 5>, scalar_prefetch = 0 : i64, scratch_operands = 0 : i64, tpu.core_type = #tpu.core_type<tc>, window_params = [{transform_indices = @transform_0, window_bounds = array<i64: 2000, 128>}, {transform_indices = @transform_1, window_bounds = array<i64: 2000, 64>}, {transform_indices = @transform_2, window_bounds = array<i64: 2000, 8>}, {transform_indices = @transform_3, window_bounds = array<i64: 2000, 32>}, {pipeline_mode = #tpu.pipeline_mode<synchronous>, transform_indices = @transform_4, window_bounds = array<i64: 1, 128>}, {pipeline_mode = #tpu.pipeline_mode<synchronous>, transform_indices = @transform_5, window_bounds = array<i64: 128, 4>}, {pipeline_mode = #tpu.pipeline_mode<synchronous>, transform_indices = @transform_6, window_bounds = array<i64: 1, 4>}, {pipeline_mode = #tpu.pipeline_mode<synchronous>, transform_indices = @transform_7, window_bounds = array<i64: 32, 512>}, {pipeline_mode = #tpu.pipeline_mode<synchronous>, transform_indices = @transform_8, window_bounds = array<i64: 64, 512>}, {transform_indices = @transform_9, window_bounds = array<i64: 2000, 4>}]} {
    %get3A = arith.constant 0 : index
    %get3A_0 = arith.constant 0 : index
    %get3A_1 = vector.load %arg3[%get3A, %get3A_0] : memref<2000x8xf32, #tpu.memory_space<vmem>>, vector<2000x8xf32>
    %slice3A = vector.extract_strided_slice %get3A_1 {offsets = [0, 0], sizes = [2000, 1], strides = [1, 1]} : vector<2000x8xf32> to vector<2000x1xf32>
    %get3A_2 = arith.constant 0 : index
    %get3A_3 = arith.constant 0 : index
    %get3A_4 = vector.load %arg1[%get3A_2, %get3A_3] : memref<2000x128xf32, #tpu.memory_space<vmem>>, vector<2000x128xf32>
    %slice3A_5 = vector.extract_strided_slice %get3A_4 {offsets = [0, 0], sizes = [2000, 64], strides = [1, 1]} : vector<2000x128xf32> to vector<2000x64xf32>
    %slice3A_6 = vector.extract_strided_slice %get3A_4 {offsets = [0, 64], sizes = [2000, 64], strides = [1, 1]} : vector<2000x128xf32> to vector<2000x64xf32>
    %add3A = arith.addf %slice3A_5, %slice3A_6 : vector<2000x64xf32>
    %get3A_7 = arith.constant 0 : index
    %get3A_8 = arith.constant 0 : index
    %get3A_9 = vector.load %arg2[%get3A_7, %get3A_8] : memref<2000x64xf32, #tpu.memory_space<vmem>>, vector<2000x64xf32>
    %add3A_10 = arith.addf %add3A, %get3A_9 : vector<2000x64xf32>
    %mul3A = vector.broadcast %slice3A : vector<2000x1xf32> to vector<2000x64xf32>
    %mul3A_11 = arith.mulf %add3A_10, %mul3A : vector<2000x64xf32>
    %get3A_12 = arith.constant 0 : index
    %get3A_13 = arith.constant 0 : index
    %get3A_14 = vector.load %arg4[%get3A_12, %get3A_13] : memref<2000x32xf32, #tpu.memory_space<vmem>>, vector<2000x32xf32>
    %get3A_15 = arith.constant 0 : index
    %get3A_16 = arith.constant 0 : index
    %get3A_17 = vector.load %arg8[%get3A_15, %get3A_16] : memref<32x512xf32, #tpu.memory_space<vmem>>, vector<32x512xf32>
    %dot_general3A = arith.constant dense<0.000000e+00> : vector<2000x512xf32>
    %dot_general3A_18 = tpu.matmul %get3A_14, %get3A_17, %dot_general3A {dimension_numbers = #tpu.dot_dimension_numbers<[1], [0], [0], [1], [0, 0, 1, 1], [], []>, transpose_lhs_hint = false} : vector<2000x32xf32>, vector<32x512xf32>, vector<2000x512xf32> -> vector<2000x512xf32>
    %get3A_19 = arith.constant 0 : index
    %get3A_20 = arith.constant 0 : index
    %get3A_21 = vector.load %arg9[%get3A_19, %get3A_20] : memref<64x512xf32, #tpu.memory_space<vmem>>, vector<64x512xf32>
    %dot_general3A_22 = arith.constant dense<0.000000e+00> : vector<2000x512xf32>
    %dot_general3A_23 = tpu.matmul %mul3A_11, %get3A_21, %dot_general3A_22 {dimension_numbers = #tpu.dot_dimension_numbers<[1], [0], [0], [1], [0, 0, 1, 1], [], []>, transpose_lhs_hint = false} : vector<2000x64xf32>, vector<64x512xf32>, vector<2000x512xf32> -> vector<2000x512xf32>
    %mul3A_24 = arith.mulf %dot_general3A_18, %dot_general3A_23 : vector<2000x512xf32>
    %slice3A_25 = vector.extract_strided_slice %mul3A_24 {offsets = [0, 0], sizes = [2000, 128], strides = [1, 1]} : vector<2000x512xf32> to vector<2000x128xf32>
    %slice3A_26 = vector.extract_strided_slice %mul3A_24 {offsets = [0, 128], sizes = [2000, 128], strides = [1, 1]} : vector<2000x512xf32> to vector<2000x128xf32>
    %add3A_27 = arith.addf %slice3A_25, %slice3A_26 : vector<2000x128xf32>
    %slice3A_28 = vector.extract_strided_slice %mul3A_24 {offsets = [0, 256], sizes = [2000, 128], strides = [1, 1]} : vector<2000x512xf32> to vector<2000x128xf32>
    %slice3A_29 = vector.extract_strided_slice %mul3A_24 {offsets = [0, 384], sizes = [2000, 128], strides = [1, 1]} : vector<2000x512xf32> to vector<2000x128xf32>
    %add3A_30 = arith.addf %slice3A_28, %slice3A_29 : vector<2000x128xf32>
    %add3A_31 = arith.addf %add3A_27, %add3A_30 : vector<2000x128xf32>
    %get3A_32 = arith.constant 0 : index
    %get3A_33 = arith.constant 0 : index
    %get3A_34 = vector.load %arg5[%get3A_32, %get3A_33] : memref<1x128xf32, #tpu.memory_space<vmem>>, vector<1x128xf32>
    %add3A_35 = vector.broadcast %get3A_34 : vector<1x128xf32> to vector<2000x128xf32>
    %add3A_36 = arith.addf %add3A_31, %add3A_35 : vector<2000x128xf32>
    %get3A_37 = arith.constant 0 : index
    %get3A_38 = arith.constant 0 : index
    %get3A_39 = vector.load %arg6[%get3A_37, %get3A_38] : memref<128x4xf32, #tpu.memory_space<vmem>>, vector<128x4xf32>
    %dot_general3A_40 = arith.constant dense<0.000000e+00> : vector<2000x4xf32>
    %dot_general3A_41 = tpu.matmul %add3A_36, %get3A_39, %dot_general3A_40 {dimension_numbers = #tpu.dot_dimension_numbers<[1], [0], [0], [1], [0, 0, 1, 1], [], []>, transpose_lhs_hint = false} : vector<2000x128xf32>, vector<128x4xf32>, vector<2000x4xf32> -> vector<2000x4xf32>
    %get3A_42 = arith.constant 0 : index
    %get3A_43 = arith.constant 0 : index
    %get3A_44 = vector.load %arg7[%get3A_42, %get3A_43] : memref<1x4xf32, #tpu.memory_space<vmem>>, vector<1x4xf32>
    %add3A_45 = vector.broadcast %get3A_44 : vector<1x4xf32> to vector<2000x4xf32>
    %add3A_46 = arith.addf %dot_general3A_41, %add3A_45 : vector<2000x4xf32>
    %swap3A = arith.constant 0 : index
    %swap3A_47 = arith.constant 0 : index
    %swap3A_48 = vector.load %arg10[%swap3A, %swap3A_47] : memref<2000x4xf32, #tpu.memory_space<vmem>>, vector<2000x4xf32>
    tpu.vector_store %arg10[%swap3A, %swap3A_47], %add3A_46 {strides = array<i32>} : memref<2000x4xf32, #tpu.memory_space<vmem>>, vector<2000x4xf32>,
    return
  }
  func.func @transform_0(%arg0: i32) -> (i32, i32) {
    %c0_i32 = arith.constant 0 : i32
    %c0_i32_0 = arith.constant 0 : i32
    return %arg0, %c0_i32 : i32, i32
  }
  func.func @transform_1(%arg0: i32) -> (i32, i32) {
    %c0_i32 = arith.constant 0 : i32
    %c0_i32_0 = arith.constant 0 : i32
    return %arg0, %c0_i32 : i32, i32
  }
  func.func @transform_2(%arg0: i32) -> (i32, i32) {
    %c0_i32 = arith.constant 0 : i32
    %c0_i32_0 = arith.constant 0 : i32
    return %arg0, %c0_i32 : i32, i32
  }
  func.func @transform_3(%arg0: i32) -> (i32, i32) {
    %c0_i32 = arith.constant 0 : i32
    %c0_i32_0 = arith.constant 0 : i32
    return %arg0, %c0_i32 : i32, i32
  }
  func.func @transform_4(%arg0: i32) -> (i32, i32) {
    %c0_i32 = arith.constant 0 : i32
    %c0_i32_0 = arith.constant 0 : i32
    %c0_i32_1 = arith.constant 0 : i32
    return %c0_i32, %c0_i32_0 : i32, i32
  }
  func.func @transform_5(%arg0: i32) -> (i32, i32) {
    %c0_i32 = arith.constant 0 : i32
    %c0_i32_0 = arith.constant 0 : i32
    %c0_i32_1 = arith.constant 0 : i32
    return %c0_i32, %c0_i32_0 : i32, i32
  }
  func.func @transform_6(%arg0: i32) -> (i32, i32) {
    %c0_i32 = arith.constant 0 : i32
    %c0_i32_0 = arith.constant 0 : i32
    %c0_i32_1 = arith.constant 0 : i32
    return %c0_i32, %c0_i32_0 : i32, i32
  }
  func.func @transform_7(%arg0: i32) -> (i32, i32) {
    %c0_i32 = arith.constant 0 : i32
    %c0_i32_0 = arith.constant 0 : i32
    %c0_i32_1 = arith.constant 0 : i32
    return %c0_i32, %c0_i32_0 : i32, i32
  }
  func.func @transform_8(%arg0: i32) -> (i32, i32) {
    %c0_i32 = arith.constant 0 : i32
    %c0_i32_0 = arith.constant 0 : i32
    %c0_i32_1 = arith.constant 0 : i32
    return %c0_i32, %c0_i32_0 : i32, i32
  }
  func.func @transform_9(%arg0: i32) -> (i32, i32) {
    %c0_i32 = arith.constant 0 : i32
    %c0_i32_0 = arith.constant 0 : i32
    return %arg0, %c0_i32 : i32, i32
  }
}

</mosaic_0001>

<sc_bundles>
// kernel: kernel.12.cloned.1.call-start
scs
__scs_entry_jumppad:
0x0: {  	(pc) =	sbr.rel $0x88, $3  }
0x1: {  	(tag) =	ssettag $0x0;
	lr =	simm.s32 $0x1  }
0x2: {  	[smem:$0x3F95] =	sst lr;
	_ =	strace $0xD0000000  }
0x3: {  	_ = 	snop  }
0x4: {  	_ = 	snop  }
0x5: {  	_ = 	snop  }
0x6: {  	_ = 	snop  }
0x7: {  	_ = 	snop  }
__scs_overlays_trampoline_lowered:
0x8: {  	[smem:$0x3FA4] =	sst s0  }
0x9: {  	[smem:$0x3FA5] =	sst s1  }
0xa: {  	[smem:$0x3FA6] =	sst s2  }
0xb: {  	[smem:$0x3FA7] =	sst s3  }
0xc: {  	[smem:$0x3FA8] =	sst s4  }
0xd: {  	[smem:$0x3FA9] =	sst s5  }
0xe: {  	[smem:$0x3FAA] =	sst s6  }
0xf: {  	[smem:$0x3FAB] =	sst s7  }
0x10: {  	[smem:$0x3FAC] =	sst s8  }
0x11: {  	[smem:$0x3FAD] =	sst s9;
	s0 =	simm.s32 @!p0 $0x0  }
0x12: {  	s1 =	sld [smem:$0x3F93];
	s0 =	simm.s32 @p0 $0x1  }
0x13: {  	[smem:$0x3FAE] =	sst s0;
	s0 =	simm.s32 @!p1 $0x0  }
0x14: {  	s2 =	sld [smem:$0x3F92];
	s0 =	simm.s32 @p1 $0x1  }
0x15: {  	[smem:$0x3FAF] =	sst s0;
	s0 =	simm.s32 @!p2 $0x0  }
0x16: {  	s3 =	sld [smem:$0x3FDB];
	s0 =	simm.s32 @p2 $0x1  }
0x17: {  	s4 =	simm.s32 $0x1BF5;
	[smem:$0x3FB1] =	sst s0  }
0x18: {  	s0 =	sld [smem:$0x3F94];
	_ =	swait.ge [sflag:s4], $0x0  }
0x19: {  	s7 =	sld [smem:$0x3F95]  }
0x1a: {  	s8 =	sadd.s32 $0xFFFFE003, lr  }
0x1b: {  	s9 =	sadd.s32 $0xFFFFFEF7, lr;
	s5 =	simm.s32 $0xFFFFFFFF;
	p2 =	slt.u32 s8, $0xFFFFF086  }
0x1c: {  	p1 =	slt.u32 s9, $0xF7A;
	s5 =	simm.s32 @!p2 $0x0  }
0x1d: {  	s5 =	simm.s32 @p1 $0x1;
	p0 =	seq.s32 s7, s2  }
0x1e: {  	s7 =	smul.u32 @!p0 $0xF7A, s2;
	p2 =	seq.s32 @!p0 s5, $0x0  }
0x1f: {  	s9 =	smul.u32 $0xF7A, s1;
	s8 =	simm.s32 @!p0 $0x1BF5;
	p2 =	por !p2, p0  }
0x20: {  	[sflag:s8] =	ssyncset.s32 @!p0 $0xFFFFF086;
	s6 =	sadd.s32 @!p0 s3, s7;
	s7 =	simm.s32 @!p0 $0x108  }
0x21: {  	s3 =	sadd.s32 s3, s9;
	s6 =	sadd.s32 @!p0 $0x88, s6;
	s7 =	simm.s32 @p2 $0x1082  }
0x22: {  	[simem:s7], [sflag:s8] =	dma.local @!p0 [hbm:s6], $0xF7A  }
0x23: {  	s9 =	sor.u32 $0xD0000000, s2;
	s6 =	simm.s32 $0x108;
	_ =	swait.ge @!p0 [sflag:s8], $0x0  }
0x24: {  	s3 =	sadd.s32 $0x88, s3;
	s6 =	simm.s32 @!p1 $0x1082;
	[sflag:s4] =	ssyncset.s32 $0xFFFFF086  }
0x25: {  	[simem:s6], [sflag:s4] =	dma.local [hbm:s3], $0xF7A  }
0x26: {  	[smem:$0x3F95] =	sst s1;
	(tag) =	ssettag s2;
	_ =	strace s9  }
0x27: {  	s1 =	sld [smem:$0x3FA5]  }
0x28: {  	s2 =	sld [smem:$0x3FA6]  }
0x29: {  	s4 =	sld [smem:$0x3FA8]  }
0x2a: {  	p0 =	seq.s32 s5, $0x0;
	s5 =	sld [smem:$0x3FA9]  }
0x2b: {  	s6 =	sld [smem:$0x3FAA]  }
0x2c: {  	s7 =	sld [smem:$0x3FAB]  }
0x2d: {  	s3 =	simm.s32 $0x108;
	s8 =	sld [smem:$0x3FAC]  }
0x2e: {  	s3 =	simm.s32 @!p0 $0x1082;
	s9 =	sld [smem:$0x3FAD]  }
0x2f: {  	lr =	sadd.s32 s0, s3;
	s0 =	sld [smem:$0x3FA4]  }
0x30: {  	s3 =	sld [smem:$0x3FA7]  }
0x31: {  	[smem:$0x3FB0] =	sst s10  }
0x32: {  	s10 =	sld [smem:$0x3FAE];
	_ =	sdelay $0x3  }
0x33: {  	p0 =	seq.s32 s10, $0x1;
	s10 =	sld [smem:$0x3FB0];
	_ =	sdelay $0x3  }
0x34: {  	[smem:$0x3FB0] =	sst s10  }
0x35: {  	s10 =	sld [smem:$0x3FAF];
	_ =	sdelay $0x3  }
0x36: {  	p1 =	seq.s32 s10, $0x1;
	s10 =	sld [smem:$0x3FB0];
	_ =	sdelay $0x3  }
0x37: {  	[smem:$0x3FB0] =	sst s10  }
0x38: {  	s10 =	sld [smem:$0x3FB1]  }
0x39: {  	_ = 	snop;
	(pc) =	sbr.ind lr, $3  }
0x3a: {  	_ = 	snop  }
0x3b: {  	_ = 	snop  }
0x3c: {  	p2 =	seq.s32 s10, $0x1;
	s10 =	sld [smem:$0x3FB0]  }
0x3d: {  	_ =	shalt  }
0x3e: {  	_ =	shalt  }
0x3f: {  	_ =	shalt  }
0x40: {  	_ =	shalt  }
0x41: {  	_ =	shalt  }
0x42: {  	_ =	shalt  }
0x43: {  	_ =	shalt  }
0x44: {  	_ =	shalt  }
0x45: {  	_ =	shalt  }
0x46: {  	_ =	shalt  }
0x47: {  	_ =	shalt  }
0x48: {  	_ =	shalt  }
0x49: {  	_ =	shalt  }
0x4a: {  	_ =	shalt  }
0x4b: {  	_ =	shalt  }
0x4c: {  	_ =	shalt  }
0x4d: {  	_ =	shalt  }
0x4e: {  	_ =	shalt  }
0x4f: {  	_ =	shalt  }
0x50: {  	_ =	shalt  }
0x51: {  	_ =	shalt  }
0x52: {  	_ =	shalt  }
0x53: {  	_ =	shalt  }
0x54: {  	_ =	shalt  }
0x55: {  	_ =	shalt  }
0x56: {  	_ =	shalt  }
0x57: {  	_ =	shalt  }
0x58: {  	_ =	shalt  }
0x59: {  	_ =	shalt  }
0x5a: {  	_ =	shalt  }
0x5b: {  	_ =	shalt  }
0x5c: {  	_ =	shalt  }
0x5d: {  	_ =	shalt  }
0x5e: {  	_ =	shalt  }
0x5f: {  	_ =	shalt  }
0x60: {  	_ =	shalt  }
0x61: {  	_ =	shalt  }
0x62: {  	_ =	shalt  }
0x63: {  	_ =	shalt  }
0x64: {  	_ =	shalt  }
0x65: {  	_ =	shalt  }
0x66: {  	_ =	shalt  }
0x67: {  	_ =	shalt  }
0x68: {  	_ =	shalt  }
0x69: {  	_ =	shalt  }
0x6a: {  	_ =	shalt  }
0x6b: {  	_ =	shalt  }
0x6c: {  	_ =	shalt  }
0x6d: {  	_ =	shalt  }
0x6e: {  	_ =	shalt  }
0x6f: {  	_ =	shalt  }
0x70: {  	_ =	shalt  }
0x71: {  	_ =	shalt  }
0x72: {  	_ =	shalt  }
0x73: {  	_ =	shalt  }
0x74: {  	_ =	shalt  }
0x75: {  	_ =	shalt  }
0x76: {  	_ =	shalt  }
0x77: {  	_ =	shalt  }
0x78: {  	_ =	shalt  }
0x79: {  	_ =	shalt  }
0x7a: {  	_ =	shalt  }
0x7b: {  	_ =	shalt  }
0x7c: {  	_ =	shalt  }
0x7d: {  	_ =	shalt  }
0x7e: {  	_ =	shalt  }
0x7f: {  	_ =	shalt  }
0x80: {  	_ =	shalt  }
0x81: {  	_ =	shalt  }
0x82: {  	_ =	shalt  }
0x83: {  	_ =	shalt  }
0x84: {  	_ =	shalt  }
0x85: {  	_ =	shalt  }
0x86: {  	_ =	shalt  }
0x87: {  	_ =	shalt  }
.Lfunc_end0:
.L_simem_size_0:
called_computation.1_lowered:
.L_overlay_start_0:
0x88: {  	s2 =	sld [smem:$0x3FD9]  }
0x89: {  	s3 =	sld [smem:$0x3FFE];
	_ =	sdelay $0x1  }
0x8a: {  	s1 =	srdreg.scid  }
0x8b: {  	s0 =	sand.u32 $0x1, s1  }
0x8c: {  	s17 =	sshll.u32 s0, $0xA;
	s2 =	sadd.s32 s3, s2  }
0x8d: {  	s2 =	sadd.s32 s2, s17  }
0x8e: {  	[smem:$0x3FBC] =	sst s2  }
0x8f: {  	_ = 	snop  }
0x90: {  	s2 =	sld [smem:$0x3FD0];
	(tm) =	ssettm $0x1  }
0x91: {  	s18 =	sld [smem:$0x3FFB];
	_ =	sdelay $0x3  }
0x92: {  	_ =	strace s18  }
0x93: {  	s3 =	sld [smem:$0x3FFC];
	_ =	sdelay $0x3  }
0x94: {  	_ =	strace s3  }
0x95: {  	s3 =	sld [smem:$0x3FFD];
	_ =	sdelay $0x3  }
0x96: {  	_ =	strace s3  }
0x97: {  	_ =	strace $0x8FFFFFFF  }
0x98: {  	s19 =	sld [smem:$0x3FDB];
	_ =	sdelay $0x1  }
0x99: {  	s4 =	simm.s32 $_scs_section_size  }
0x9a: {  	s5 =	simm.s32 $_size__tile_overlayer_lowered;
	s6 =	simm.s32 $_tile_overlayer_lowered  }
0x9b: {  	s22 =	simm.s32 $0x1BFF;
	s21 =	sshll.u32 s6, $0x1;
	s3 =	sadd.s32 s4, s19  }
0x9c: {  	s7 =	simm.s32 $0x0;
	s20 =	sshll.u32 s5, $0x1;
	s5 =	sadd.s32 s21, s3  }
0x9d: {  	[timem:s7], [sflag:s22] =	dma.local [hbm:s5], s20  }
0x9e: {  	_ =	swait.ge [sflag:s22], s20  }
0x9f: {  	s4 =	ssub.s32 $0x0, s20;
	[sflag:s22] =	ssyncset.done $0x0  }
0xa0: {  	[sflag:s22] =	ssyncadd.s32 s4;
	_ =	sdelay $0x1  }
0xa1: {  	s23 =	simm.s32 $0x1B8B  }
0xa2: {  	_ =	swait.ge [sflag:s23], $0x1  }
0xa3: {  	[sflag:s23] =	ssyncset.done $0x0  }
0xa4: {  	s25 =	simm.s32 $0x1B8E;
	s24 =	sld [smem:$0x3FFE];
	[sflag:s23] =	ssyncadd.s32 $0xFFFFFFFF  }
0xa5: {  	s26 =	simm.s32 $execute0_lowered;
	[smem:$0x3FD2] =	sst s25  }
0xa6: {  	s5 =	sshll.u32 s26, $0x1;
	_ =	strace $0x80000049;
	[dreg:$0x1] =	wrdreg $0xFFFFFFFF  }
0xa7: {  	s28 =	simm.s32 $_size_execute0_lowered;
	s3 =	sadd.s32 s3, s5;
	[dreg:$0x0] =	wrdreg $0x0  }
0xa8: {  	s5 =	sshll.u32 s28, $0x1;
	[dreg:$0x2] =	wrdreg s3  }
0xa9: {  	[dreg:$0x3] =	wrdreg s5  }
0xaa: {  	[dreg:$0x4] =	wrdreg $0xC0  }
0xab: {  	_ =	task [dreg:s7], $0x5FFFF  }
0xac: {  	[dreg:$0x1] =	wrdreg $0xFFFFFFFF  }
0xad: {  	[dreg:$0x0] =	wrdreg $0x60  }
0xae: {  	[dreg:$0x2] =	wrdreg s2  }
0xaf: {  	[dreg:$0x3] =	wrdreg s24  }
0xb0: {  	[dreg:$0x4] =	wrdreg $0xCD000  }
0xb1: {  	[dreg:$0x5] =	wrdreg $0x9  }
0xb2: {  	_ =	task.clear_ibuf [dreg:s7], $0x6FFFF;
	_ =	strace $0x90000049  }
0xb3: {  	s29 =	simm.s32 $0x9;
	_ =	strace $0x8000004B  }
0xb4: {  	_ =	swait.ge [sflag:s29], $0x1  }
0xb5: {  	[sflag:s29] =	ssyncadd.s32 $0xFFFFFFFF  }
0xb6: {  	_ =	strace $0x9000004B  }
0xb7: {  	_ =	sfence  }
0xb8: {  	s30 =	sld [smem:$0x0];
	_ =	sdelay $0x2  }
0xb9: {  	s31 =	sshll.u32 s1, $0xD;
	s1 =	sshrl.u32 s1, $0x2  }
0xba: {  	s3 =	sand.u32 $0x4000, s31;
	s1 =	sadd.s32 s1, s30  }
0xbb: {  	s0 =	sor.u32 s3, s0;
	s1 =	sshll.u32 s1, $0x11  }
0xbc: {  	s0 =	sor.u32 s1, s0  }
0xbd: {  	s0 =	sadd.s32 $0x8F2B, s0  }
0xbe: {  	[sflag:s0] =	ssyncadd.remote.s32 $0x1  }
0xbf: {  	_ =	sfence.sel $0xFFFF  }
0xc0: {  	[dreg:$0x0] =	wrdreg $0xFFFFFFFF;
	(pc) =	sbr.abs _section_cstart, $3  }
0xc1: {  	[dreg:$0x1] =	wrdreg $0xFFFFFFFF  }
0xc2: {  	_ =	task.clear_ibuf [dreg:s7], $0x2FFFF;
	_ =	strace $0x9FFFFFFF  }
0xc3: {  	(tm) =	ssettm $0x7FFFFFFF  }
tec
execute0_lowered:
.L_overlay_start_1:
0x0: {  	(tag) =	ssettag $0x1  }
0x1: {  	s2 =	rddreg [dreg:$0x0]  }
0x2: {  	s6 =	rddreg [dreg:$0x1]  }
0x3: {  	s3 =	rddreg [dreg:$0x2];
	s4 =	srdreg.scid  }
0x4: {  	s1 =	stileid.u32;
	s0 =	rddreg [dreg:$0x3];
	s14 =	simm.s32 $0xFA  }
0x5: {  	s15 =	simm.s32 $0x5000;
	s16 =	simm.s32 $0x8E80;
	s17 =	simm.s32 $0x1  }
0x6: {  	s18 =	simm.s32 $0x2;
	s19 =	simm.s32 $0x2700;
	s20 =	simm.s32 $0x4E00  }
0x7: {  	s21 =	simm.s32 $0x4F00;
	s22 =	simm.s32 $0x10;
	s23 =	simm.s32 $0x8  }
0x8: {  	s24 =	simm.s32 $0x0;
	s7 =	sand.u32 $0x1, s4;
	s8 =	smul.u32 $0x13C00, s1  }
0x9: {  	s5 =	sshll.u32 s1, $0x1;
	s4 =	simm.s32 $0x0;
	s10 =	smul.u32 $0x27800, s1  }
0xa: {  	s31 =	sshll.u32 s1, $0x6;
	s5 =	sor.u32 s7, s5;
	[smem:$0x7FF] =	sst s4  }
0xb: {  	s9 =	sshll.u32 s7, $0x6;
	s29 =	ssub.s32 $0x2, s7;
	s5 =	smul.u32 $0x500, s5  }
0xc: {  	_ =	strace $0x8000004A;
	s8 =	sor.u32 s9, s8;
	s7 =	sshrl.u32 s29, $0x1  }
0xd: {  	s30 =	sshrl.u32 s10, $0x2;
	s8 =	sshrl.u32 s8, $0x3;
	s12 =	ssub.s32 s29, s7  }
0xe: {  	s13 =	sadd.s32 s30, s3;
	s28 =	sadd.s32 s5, s6;
	s5 =	sadd.s32 $0x66800, s6  }
0xf: {  	s11 =	sadd.s32 s8, s6;
	s6 =	sor.u32 $0x1C03, s31;
	s10 =	smax.u32 s12, $0x1  }
0x10: {  	s12 =	simm.s32 $0x3;
	s7 =	sadd.s32 $0x35600, s28;
	s8 =	sadd.s32 $0x2B600, s28  }
0x11: {  	s9 =	sadd.s32 $0x67C00, s11;
	s11 =	sshrl.u32 s13, $0x3;
	s13 =	simm.s32 $0x2800  }
.LBB2_1:
0x12: {  	[spmem:s11], [sflag:s6] =	dma.local [hbm:s5], $0x13C0  }
0x13: {  	_ =	swait.ge [sflag:s12], $0x13C0  }
0x14: {  	[sflag:s12] =	ssyncset.done $0x0  }
0x15: {  	[sflag:s12] =	ssyncadd.s32 $0xFFFFEC40  }
0x16: {  	[tilespmem:s4], [sflag:$0x3] =	stream.linear.gather [hbm4b:s7+s4], $0x2800, $0x38;
	[tilespmem:$0x16B00] =	vst v63  }
0x17: {  	_ =	swait.ge [sflag:s12], $0x2800  }
0x18: {  	[sflag:s12] =	ssyncset.done $0x0  }
0x19: {  	[sflag:s12] =	ssyncadd.s32 $0xFFFFD800  }
0x1a: {  	[tilespmem:s13], [sflag:$0x3] =	stream.linear.gather [hbm4b:s8+s4], $0x2800, $0x38;
	[tilespmem:$0x16B00] =	vst v63  }
0x1b: {  	_ =	swait.ge [sflag:s12], $0x2800  }
0x1c: {  	[sflag:s12] =	ssyncset.done $0x0  }
0x1d: {  	[sflag:s12] =	ssyncadd.s32 $0xFFFFD800  }
0x1e: {  	[bflag:$0x0] =	sbarrier.arrive $0xFFFF  }
0x1f: {  	[tilespmem:s15], [sflag:$0x1] =	stream.indirect.gather [hbm4b:s2+s14], $0x40, s4, s14, $0xb8;
	[tilespmem:$0x16B00] =	vst v63  }
0x20: {  	s25 =	simm.s32 $0x100  }
0x21: {  	[tilespmem:s16], [sflag:$0x2] =	stream.indirect.gather [hbm4b:s2+s14], $0x40, s25, s14, $0xb8;
	[tilespmem:$0x16B00] =	vst v63  }
0x22: {  	_ =	swait.ge [sflag:s17], $0x3E80  }
0x23: {  	[sflag:s17] =	ssyncset.done $0x0  }
0x24: {  	s29 =	simm.s32 $0x2800;
	[sflag:s17] =	ssyncadd.s32 $0xFFFFC180  }
0x25: {  	[spmem:s3] =	stream.indirect.scatter.add.f32 [tilespmem:s15], [sflag:$0x3], $0x40, s29, s14, $0xb8;
	[tilespmem:$0x16B00] =	vst v63  }
0x26: {  	_ =	swait.ge [sflag:s12], $0x3E80  }
0x27: {  	[sflag:s12] =	ssyncset.done $0x0  }
0x28: {  	s30 =	simm.s32 $0x200;
	[sflag:s12] =	ssyncadd.s32 $0xFFFFC180  }
0x29: {  	[tilespmem:s15], [sflag:$0x1] =	stream.indirect.gather [hbm4b:s2+s14], $0x40, s30, s14, $0xb8;
	[tilespmem:$0x16B00] =	vst v63  }
0x2a: {  	_ =	swait.ge [sflag:s18], $0x3E80  }
0x2b: {  	[sflag:s18] =	ssyncset.done $0x0  }
0x2c: {  	s31 =	simm.s32 $0x2900;
	[sflag:s18] =	ssyncadd.s32 $0xFFFFC180  }
0x2d: {  	[spmem:s3] =	stream.indirect.scatter.add.f32 [tilespmem:s16], [sflag:$0x3], $0x40, s31, s14, $0xb8;
	[tilespmem:$0x16B00] =	vst v63  }
0x2e: {  	_ =	swait.ge [sflag:s12], $0x3E80  }
0x2f: {  	s26 =	simm.s32 $0x1000;
	s25 =	simm.s32 $0x200;
	[sflag:s12] =	ssyncset.done $0x0  }
.LBB2_2:
0x30: {  	s28 =	sadd.s32 $0x100, s25  }
0x31: {  	[sflag:s12] =	ssyncadd.s32 $0xFFFFC180;
	s29 =	smov.u32 s26;
	s30 =	sadd.s32 $0x800, s26  }
0x32: {  	[tilespmem:s16], [sflag:$0x2] =	stream.indirect.gather [hbm4b:s2+s14], $0x40, s28, s14, $0xb8;
	[tilespmem:$0x16B00] =	vst v63  }
0x33: {  	p0 =	sne.s32 s26, $0x9000;
	_ =	swait.ge [sflag:s17], $0x3E80  }
0x34: {  	[sflag:s17] =	ssyncset.done $0x0  }
0x35: {  	s26 =	sadd.s32 $0x2800, s25;
	[sflag:s17] =	ssyncadd.s32 $0xFFFFC180  }
0x36: {  	[spmem:s3] =	stream.indirect.scatter.add.f32 [tilespmem:s15], [sflag:$0x3], $0x40, s26, s14, $0xb8;
	[tilespmem:$0x16B00] =	vst v63  }
0x37: {  	_ =	swait.ge [sflag:s12], $0x3E80  }
0x38: {  	[sflag:s12] =	ssyncset.done $0x0  }
0x39: {  	s26 =	sadd.s32 $0x200, s25;
	[sflag:s12] =	ssyncadd.s32 $0xFFFFC180  }
0x3a: {  	[tilespmem:s15], [sflag:$0x1] =	stream.indirect.gather [hbm4b:s2+s14], $0x40, s26, s14, $0xb8;
	[tilespmem:$0x16B00] =	vst v63  }
0x3b: {  	_ =	swait.ge [sflag:s18], $0x3E80  }
.Ltmp0:
0x3c: {  	[sflag:s18] =	ssyncset.done $0x0;
	(pc) =	sbr.rel @p0 .LBB2_2-.Ltmp0, $4  }
0x3d: {  	s25 =	sadd.s32 $0x2900, s25;
	[sflag:s18] =	ssyncadd.s32 $0xFFFFC180  }
0x3e: {  	[spmem:s3] =	stream.indirect.scatter.add.f32 [tilespmem:s16], [sflag:$0x3], $0x40, s25, s14, $0xb8;
	[tilespmem:$0x16B00] =	vst v63  }
0x3f: {  	_ =	swait.ge [sflag:s12], $0x3E80  }
0x40: {  	s26 =	smov.u32 s30;
	s25 =	sshra.s32 s29, $0x2;
	[sflag:s12] =	ssyncset.done $0x0  }
0x41: {  	s26 =	sadd.s32 $0x100, s25;
	[sflag:s12] =	ssyncadd.s32 $0xFFFFC180  }
0x42: {  	[tilespmem:s16], [sflag:$0x2] =	stream.indirect.gather [hbm4b:s2+s14], $0x40, s26, s14, $0xb8;
	[tilespmem:$0x16B00] =	vst v63  }
0x43: {  	_ =	swait.ge [sflag:s17], $0x3E80  }
0x44: {  	[sflag:s17] =	ssyncset.done $0x0  }
0x45: {  	s29 =	sadd.s32 $0x2800, s25;
	[sflag:s17] =	ssyncadd.s32 $0xFFFFC180  }
0x46: {  	[spmem:s3] =	stream.indirect.scatter.add.f32 [tilespmem:s15], [sflag:$0x3], $0x40, s29, s14, $0xb8;
	[tilespmem:$0x16B00] =	vst v63  }
0x47: {  	_ =	swait.ge [sflag:s12], $0x3E80  }
0x48: {  	[sflag:s12] =	ssyncset.done $0x0  }
0x49: {  	s30 =	sadd.s32 $0x200, s25;
	[sflag:s12] =	ssyncadd.s32 $0xFFFFC180  }
0x4a: {  	[tilespmem:s15], [sflag:$0x1] =	stream.indirect.gather [hbm4b:s2+s14], $0x40, s30, s14, $0xb8;
	[tilespmem:$0x16B00] =	vst v63  }
0x4b: {  	_ =	swait.ge [sflag:s18], $0x3E80  }
0x4c: {  	[sflag:s18] =	ssyncset.done $0x0  }
0x4d: {  	s31 =	sadd.s32 $0x2900, s25;
	[sflag:s18] =	ssyncadd.s32 $0xFFFFC180  }
0x4e: {  	[spmem:s3] =	stream.indirect.scatter.add.f32 [tilespmem:s16], [sflag:$0x3], $0x40, s31, s14, $0xb8;
	[tilespmem:$0x16B00] =	vst v63  }
0x4f: {  	_ =	swait.ge [sflag:s12], $0x3E80  }
0x50: {  	[sflag:s12] =	ssyncset.done $0x0  }
0x51: {  	[sflag:s12] =	ssyncadd.s32 $0xFFFFC180  }
0x52: {  	[tilespmem:s16], [sflag:$0x2] =	stream.indirect.gather [hbm4b:s2+s14], $0x40, s19, s14, $0xb8;
	[tilespmem:$0x16B00] =	vst v63  }
0x53: {  	_ =	swait.ge [sflag:s17], $0x3E80  }
0x54: {  	[sflag:s17] =	ssyncset.done $0x0  }
0x55: {  	[sflag:s17] =	ssyncadd.s32 $0xFFFFC180  }
0x56: {  	[spmem:s3] =	stream.indirect.scatter.add.f32 [tilespmem:s15], [sflag:$0x3], $0x40, s20, s14, $0xb8;
	[tilespmem:$0x16B00] =	vst v63  }
0x57: {  	_ =	swait.ge [sflag:s12], $0x3E80  }
0x58: {  	[sflag:s12] =	ssyncset.done $0x0  }
0x59: {  	[sflag:s12] =	ssyncadd.s32 $0xFFFFC180  }
0x5a: {  	_ =	swait.ge [sflag:s18], $0x3E80  }
0x5b: {  	[sflag:s18] =	ssyncset.done $0x0  }
0x5c: {  	[sflag:s18] =	ssyncadd.s32 $0xFFFFC180  }
0x5d: {  	[spmem:s3] =	stream.indirect.scatter.add.f32 [tilespmem:s16], [sflag:$0x3], $0x40, s21, s14, $0xb8;
	[tilespmem:$0x16B00] =	vst v63  }
0x5e: {  	_ =	swait.ge [sflag:s12], $0x3E80  }
0x5f: {  	s24 =	sadd.s32 $0x1, s24;
	[sflag:s12] =	ssyncset.done $0x0  }
0x60: {  	p0 =	sne.s32 s24, s10;
	[sflag:s12] =	ssyncadd.s32 $0xFFFFC180  }
.Ltmp1:
0x61: {  	[bflag:$0x0] =	sbarrier.arrive $0xFFFF;
	(pc) =	sbr.rel @p0 .LBB2_1-.Ltmp1, $4  }
0x62: {  	[hbm:s9@s22], [sflag:s6] =	dma.strided [spmem:s11@s23], $0x13C0, s17, $0x8   }
0x63: {  	_ =	swait.ge [sflag:s12], $0x13C0  }
0x64: {  	[sflag:s12] =	ssyncset.done $0x0  }
0x65: {  	[sflag:s12] =	ssyncadd.s32 $0xFFFFEC40  }
0x66: {  	_ =	sfence.sel $0x180000  }
0x67: {  	[bflag:$0x0] =	sbarrier.arrive $0xFFFF  }
0x68: {  	p0 =	sne.s32 s1, $0x0;
	_ =	strace $0x9000004A  }
0x69: {  	s0 =	sadd.s32 @!p0 $0x100000, s0;
	[bflag:$0x2] =	sbarrier.arrive $0xFFFF  }
0x6a: {  	[sflag:s0] =	ssyncadd.tile.s32 @!p0 $0x1;
	_ =	shalt  }
.Lfunc_end2:
_tile_overlayer_lowered:
.L_overlay_start_2:
0x6b: {  	(tag) =	ssettag $0x2  }
0x6c: {  	s0 =	rddreg [dreg:$0x0];
	s2 =	stileid.u32  }
0x6d: {  	s1 =	rddreg [dreg:$0x1];
	p0 =	sne.s32 s2, $0x0  }
0x6e: {  	s3 =	rddreg [dreg:$0x2];
	[bflag:$0x3] =	sbarrier.arrive $0xFFFF;
	s2 =	simm.s32 @!p0 $0x1C03  }
0x6f: {  	[timem:s3], [sflag:s2] =	dma.local @!p0 [hbm:s0], s1  }
0x70: {  	s0 =	simm.s32 @!p0 $0x3  }
0x71: {  	_ =	swait.ge @!p0 [sflag:s0], s1  }
0x72: {  	s1 =	ssub.s32 @!p0 $0x0, s1;
	[sflag:s0] =	ssyncset.done @!p0 $0x0  }
0x73: {  	[sflag:s0] =	ssyncadd.s32 @!p0 s1  }
0x74: {  	[bflag:$0x3] =	sbarrier.arrive $0xFFFF  }
0x75: {  	_ =	shalt  }

// kernel: kernel.15.cloned.1.call-start
scs
__scs_entry_jumppad:
0x0: {  	(pc) =	sbr.rel $0x88, $3  }
0x1: {  	(tag) =	ssettag $0x0;
	lr =	simm.s32 $0x1  }
0x2: {  	[smem:$0x3F95] =	sst lr;
	_ =	strace $0xD0000000  }
0x3: {  	_ = 	snop  }
0x4: {  	_ = 	snop  }
0x5: {  	_ = 	snop  }
0x6: {  	_ = 	snop  }
0x7: {  	_ = 	snop  }
__scs_overlays_trampoline_lowered:
0x8: {  	[smem:$0x3FA4] =	sst s0  }
0x9: {  	[smem:$0x3FA5] =	sst s1  }
0xa: {  	[smem:$0x3FA6] =	sst s2  }
0xb: {  	[smem:$0x3FA7] =	sst s3  }
0xc: {  	[smem:$0x3FA8] =	sst s4  }
0xd: {  	[smem:$0x3FA9] =	sst s5  }
0xe: {  	[smem:$0x3FAA] =	sst s6  }
0xf: {  	[smem:$0x3FAB] =	sst s7  }
0x10: {  	[smem:$0x3FAC] =	sst s8  }
0x11: {  	[smem:$0x3FAD] =	sst s9;
	s0 =	simm.s32 @!p0 $0x0  }
0x12: {  	s1 =	sld [smem:$0x3F93];
	s0 =	simm.s32 @p0 $0x1  }
0x13: {  	[smem:$0x3FAE] =	sst s0;
	s0 =	simm.s32 @!p1 $0x0  }
0x14: {  	s2 =	sld [smem:$0x3F92];
	s0 =	simm.s32 @p1 $0x1  }
0x15: {  	[smem:$0x3FAF] =	sst s0;
	s0 =	simm.s32 @!p2 $0x0  }
0x16: {  	s3 =	sld [smem:$0x3FDB];
	s0 =	simm.s32 @p2 $0x1  }
0x17: {  	s4 =	simm.s32 $0x1BF5;
	[smem:$0x3FB1] =	sst s0  }
0x18: {  	s0 =	sld [smem:$0x3F94];
	_ =	swait.ge [sflag:s4], $0x0  }
0x19: {  	s7 =	sld [smem:$0x3F95]  }
0x1a: {  	s8 =	sadd.s32 $0xFFFFE003, lr  }
0x1b: {  	s9 =	sadd.s32 $0xFFFFFEF7, lr;
	s5 =	simm.s32 $0xFFFFFFFF;
	p2 =	slt.u32 s8, $0xFFFFF086  }
0x1c: {  	p1 =	slt.u32 s9, $0xF7A;
	s5 =	simm.s32 @!p2 $0x0  }
0x1d: {  	s5 =	simm.s32 @p1 $0x1;
	p0 =	seq.s32 s7, s2  }
0x1e: {  	s7 =	smul.u32 @!p0 $0xF7A, s2;
	p2 =	seq.s32 @!p0 s5, $0x0  }
0x1f: {  	s9 =	smul.u32 $0xF7A, s1;
	s8 =	simm.s32 @!p0 $0x1BF5;
	p2 =	por !p2, p0  }
0x20: {  	[sflag:s8] =	ssyncset.s32 @!p0 $0xFFFFF086;
	s6 =	sadd.s32 @!p0 s3, s7;
	s7 =	simm.s32 @!p0 $0x108  }
0x21: {  	s3 =	sadd.s32 s3, s9;
	s6 =	sadd.s32 @!p0 $0x88, s6;
	s7 =	simm.s32 @p2 $0x1082  }
0x22: {  	[simem:s7], [sflag:s8] =	dma.local @!p0 [hbm:s6], $0xF7A  }
0x23: {  	s9 =	sor.u32 $0xD0000000, s2;
	s6 =	simm.s32 $0x108;
	_ =	swait.ge @!p0 [sflag:s8], $0x0  }
0x24: {  	s3 =	sadd.s32 $0x88, s3;
	s6 =	simm.s32 @!p1 $0x1082;
	[sflag:s4] =	ssyncset.s32 $0xFFFFF086  }
0x25: {  	[simem:s6], [sflag:s4] =	dma.local [hbm:s3], $0xF7A  }
0x26: {  	[smem:$0x3F95] =	sst s1;
	(tag) =	ssettag s2;
	_ =	strace s9  }
0x27: {  	s1 =	sld [smem:$0x3FA5]  }
0x28: {  	s2 =	sld [smem:$0x3FA6]  }
0x29: {  	s4 =	sld [smem:$0x3FA8]  }
0x2a: {  	p0 =	seq.s32 s5, $0x0;
	s5 =	sld [smem:$0x3FA9]  }
0x2b: {  	s6 =	sld [smem:$0x3FAA]  }
0x2c: {  	s7 =	sld [smem:$0x3FAB]  }
0x2d: {  	s3 =	simm.s32 $0x108;
	s8 =	sld [smem:$0x3FAC]  }
0x2e: {  	s3 =	simm.s32 @!p0 $0x1082;
	s9 =	sld [smem:$0x3FAD]  }
0x2f: {  	lr =	sadd.s32 s0, s3;
	s0 =	sld [smem:$0x3FA4]  }
0x30: {  	s3 =	sld [smem:$0x3FA7]  }
0x31: {  	[smem:$0x3FB0] =	sst s10  }
0x32: {  	s10 =	sld [smem:$0x3FAE];
	_ =	sdelay $0x3  }
0x33: {  	p0 =	seq.s32 s10, $0x1;
	s10 =	sld [smem:$0x3FB0];
	_ =	sdelay $0x3  }
0x34: {  	[smem:$0x3FB0] =	sst s10  }
0x35: {  	s10 =	sld [smem:$0x3FAF];
	_ =	sdelay $0x3  }
0x36: {  	p1 =	seq.s32 s10, $0x1;
	s10 =	sld [smem:$0x3FB0];
	_ =	sdelay $0x3  }
0x37: {  	[smem:$0x3FB0] =	sst s10  }
0x38: {  	s10 =	sld [smem:$0x3FB1]  }
0x39: {  	_ = 	snop;
	(pc) =	sbr.ind lr, $3  }
0x3a: {  	_ = 	snop  }
0x3b: {  	_ = 	snop  }
0x3c: {  	p2 =	seq.s32 s10, $0x1;
	s10 =	sld [smem:$0x3FB0]  }
0x3d: {  	_ =	shalt  }
0x3e: {  	_ =	shalt  }
0x3f: {  	_ =	shalt  }
0x40: {  	_ =	shalt  }
0x41: {  	_ =	shalt  }
0x42: {  	_ =	shalt  }
0x43: {  	_ =	shalt  }
0x44: {  	_ =	shalt  }
0x45: {  	_ =	shalt  }
0x46: {  	_ =	shalt  }
0x47: {  	_ =	shalt  }
0x48: {  	_ =	shalt  }
0x49: {  	_ =	shalt  }
0x4a: {  	_ =	shalt  }
0x4b: {  	_ =	shalt  }
0x4c: {  	_ =	shalt  }
0x4d: {  	_ =	shalt  }
0x4e: {  	_ =	shalt  }
0x4f: {  	_ =	shalt  }
0x50: {  	_ =	shalt  }
0x51: {  	_ =	shalt  }
0x52: {  	_ =	shalt  }
0x53: {  	_ =	shalt  }
0x54: {  	_ =	shalt  }
0x55: {  	_ =	shalt  }
0x56: {  	_ =	shalt  }
0x57: {  	_ =	shalt  }
0x58: {  	_ =	shalt  }
0x59: {  	_ =	shalt  }
0x5a: {  	_ =	shalt  }
0x5b: {  	_ =	shalt  }
0x5c: {  	_ =	shalt  }
0x5d: {  	_ =	shalt  }
0x5e: {  	_ =	shalt  }
0x5f: {  	_ =	shalt  }
0x60: {  	_ =	shalt  }
0x61: {  	_ =	shalt  }
0x62: {  	_ =	shalt  }
0x63: {  	_ =	shalt  }
0x64: {  	_ =	shalt  }
0x65: {  	_ =	shalt  }
0x66: {  	_ =	shalt  }
0x67: {  	_ =	shalt  }
0x68: {  	_ =	shalt  }
0x69: {  	_ =	shalt  }
0x6a: {  	_ =	shalt  }
0x6b: {  	_ =	shalt  }
0x6c: {  	_ =	shalt  }
0x6d: {  	_ =	shalt  }
0x6e: {  	_ =	shalt  }
0x6f: {  	_ =	shalt  }
0x70: {  	_ =	shalt  }
0x71: {  	_ =	shalt  }
0x72: {  	_ =	shalt  }
0x73: {  	_ =	shalt  }
0x74: {  	_ =	shalt  }
0x75: {  	_ =	shalt  }
0x76: {  	_ =	shalt  }
0x77: {  	_ =	shalt  }
0x78: {  	_ =	shalt  }
0x79: {  	_ =	shalt  }
0x7a: {  	_ =	shalt  }
0x7b: {  	_ =	shalt  }
0x7c: {  	_ =	shalt  }
0x7d: {  	_ =	shalt  }
0x7e: {  	_ =	shalt  }
0x7f: {  	_ =	shalt  }
0x80: {  	_ =	shalt  }
0x81: {  	_ =	shalt  }
0x82: {  	_ =	shalt  }
0x83: {  	_ =	shalt  }
0x84: {  	_ =	shalt  }
0x85: {  	_ =	shalt  }
0x86: {  	_ =	shalt  }
0x87: {  	_ =	shalt  }
.Lfunc_end0:
.L_simem_size_0:
called_computation.2_lowered:
.L_overlay_start_0:
0x88: {  	s2 =	sld [smem:$0x3FD9]  }
0x89: {  	s3 =	sld [smem:$0x3FFE];
	_ =	sdelay $0x1  }
0x8a: {  	s1 =	srdreg.scid  }
0x8b: {  	s0 =	sand.u32 $0x1, s1  }
0x8c: {  	s17 =	sshll.u32 s0, $0xA;
	s2 =	sadd.s32 s3, s2  }
0x8d: {  	s2 =	sadd.s32 s2, s17  }
0x8e: {  	[smem:$0x3FBC] =	sst s2  }
0x8f: {  	_ = 	snop  }
0x90: {  	s2 =	sld [smem:$0x3FD0];
	(tm) =	ssettm $0x1  }
0x91: {  	s18 =	sld [smem:$0x3FFB];
	_ =	sdelay $0x3  }
0x92: {  	_ =	strace s18  }
0x93: {  	s3 =	sld [smem:$0x3FFC];
	_ =	sdelay $0x3  }
0x94: {  	_ =	strace s3  }
0x95: {  	s3 =	sld [smem:$0x3FFD];
	_ =	sdelay $0x3  }
0x96: {  	_ =	strace s3  }
0x97: {  	_ =	strace $0x8FFFFFFF  }
0x98: {  	s19 =	sld [smem:$0x3FDB];
	_ =	sdelay $0x1  }
0x99: {  	s4 =	simm.s32 $_scs_section_size  }
0x9a: {  	s5 =	simm.s32 $_size__tile_overlayer_lowered;
	s6 =	simm.s32 $_tile_overlayer_lowered  }
0x9b: {  	s22 =	simm.s32 $0x1BFF;
	s21 =	sshll.u32 s6, $0x1;
	s3 =	sadd.s32 s4, s19  }
0x9c: {  	s7 =	simm.s32 $0x0;
	s20 =	sshll.u32 s5, $0x1;
	s5 =	sadd.s32 s21, s3  }
0x9d: {  	[timem:s7], [sflag:s22] =	dma.local [hbm:s5], s20  }
0x9e: {  	_ =	swait.ge [sflag:s22], s20  }
0x9f: {  	s4 =	ssub.s32 $0x0, s20;
	[sflag:s22] =	ssyncset.done $0x0  }
0xa0: {  	[sflag:s22] =	ssyncadd.s32 s4;
	_ =	sdelay $0x1  }
0xa1: {  	s23 =	simm.s32 $0x1B8B  }
0xa2: {  	_ =	swait.ge [sflag:s23], $0x1  }
0xa3: {  	[sflag:s23] =	ssyncset.done $0x0  }
0xa4: {  	s25 =	simm.s32 $0x1B8E;
	s24 =	sld [smem:$0x3FFE];
	[sflag:s23] =	ssyncadd.s32 $0xFFFFFFFF  }
0xa5: {  	s26 =	simm.s32 $execute0_lowered;
	[smem:$0x3FD2] =	sst s25  }
0xa6: {  	s5 =	sshll.u32 s26, $0x1;
	_ =	strace $0x8000004C;
	[dreg:$0x1] =	wrdreg $0xFFFFFFFF  }
0xa7: {  	s28 =	simm.s32 $_size_execute0_lowered;
	s3 =	sadd.s32 s3, s5;
	[dreg:$0x0] =	wrdreg $0x0  }
0xa8: {  	s5 =	sshll.u32 s28, $0x1;
	[dreg:$0x2] =	wrdreg s3  }
0xa9: {  	[dreg:$0x3] =	wrdreg s5  }
0xaa: {  	[dreg:$0x4] =	wrdreg $0xC0  }
0xab: {  	_ =	task [dreg:s7], $0x5FFFF  }
0xac: {  	[dreg:$0x1] =	wrdreg $0xFFFFFFFF  }
0xad: {  	[dreg:$0x0] =	wrdreg $0x60  }
0xae: {  	[dreg:$0x2] =	wrdreg s2  }
0xaf: {  	[dreg:$0x3] =	wrdreg s24  }
0xb0: {  	[dreg:$0x4] =	wrdreg $0xCD000  }
0xb1: {  	[dreg:$0x5] =	wrdreg $0x9  }
0xb2: {  	_ =	task.clear_ibuf [dreg:s7], $0x6FFFF;
	_ =	strace $0x9000004C  }
0xb3: {  	s29 =	simm.s32 $0x9;
	_ =	strace $0x8000004E  }
0xb4: {  	_ =	swait.ge [sflag:s29], $0x1  }
0xb5: {  	[sflag:s29] =	ssyncadd.s32 $0xFFFFFFFF  }
0xb6: {  	_ =	strace $0x9000004E  }
0xb7: {  	_ =	sfence  }
0xb8: {  	s30 =	sld [smem:$0x0];
	_ =	sdelay $0x2  }
0xb9: {  	s31 =	sshll.u32 s1, $0xD;
	s1 =	sshrl.u32 s1, $0x2  }
0xba: {  	s3 =	sand.u32 $0x4000, s31;
	s1 =	sadd.s32 s1, s30  }
0xbb: {  	s0 =	sor.u32 s3, s0;
	s1 =	sshll.u32 s1, $0x11  }
0xbc: {  	s0 =	sor.u32 s1, s0  }
0xbd: {  	s0 =	sadd.s32 $0x8F2B, s0  }
0xbe: {  	[sflag:s0] =	ssyncadd.remote.s32 $0x1  }
0xbf: {  	_ =	sfence.sel $0xFFFF  }
0xc0: {  	[dreg:$0x0] =	wrdreg $0xFFFFFFFF;
	(pc) =	sbr.abs _section_cstart, $3  }
0xc1: {  	[dreg:$0x1] =	wrdreg $0xFFFFFFFF  }
0xc2: {  	_ =	task.clear_ibuf [dreg:s7], $0x2FFFF;
	_ =	strace $0x9FFFFFFF  }
0xc3: {  	(tm) =	ssettm $0x7FFFFFFF  }
tec
execute0_lowered:
.L_overlay_start_1:
0x0: {  	(tag) =	ssettag $0x1  }
0x1: {  	s2 =	rddreg [dreg:$0x0]  }
0x2: {  	s6 =	rddreg [dreg:$0x1]  }
0x3: {  	s3 =	rddreg [dreg:$0x2];
	s4 =	srdreg.scid  }
0x4: {  	s1 =	stileid.u32;
	s0 =	rddreg [dreg:$0x3];
	s14 =	simm.s32 $0xFA  }
0x5: {  	s15 =	simm.s32 $0x5000;
	s16 =	simm.s32 $0x8E80;
	s17 =	simm.s32 $0x1  }
0x6: {  	s18 =	simm.s32 $0x2;
	s19 =	simm.s32 $0x2700;
	s20 =	simm.s32 $0x4E00  }
0x7: {  	s21 =	simm.s32 $0x4F00;
	s22 =	simm.s32 $0x10;
	s23 =	simm.s32 $0x8  }
0x8: {  	s24 =	simm.s32 $0x0;
	s7 =	sand.u32 $0x1, s4;
	s8 =	smul.u32 $0x13C00, s1  }
0x9: {  	s5 =	sshll.u32 s1, $0x1;
	s4 =	simm.s32 $0x0;
	s10 =	smul.u32 $0x27800, s1  }
0xa: {  	s31 =	sshll.u32 s1, $0x6;
	s5 =	sor.u32 s7, s5;
	[smem:$0x7FF] =	sst s4  }
0xb: {  	s9 =	sshll.u32 s7, $0x6;
	s29 =	ssub.s32 $0x2, s7;
	s5 =	smul.u32 $0x500, s5  }
0xc: {  	_ =	strace $0x8000004D;
	s8 =	sor.u32 s9, s8;
	s7 =	sshrl.u32 s29, $0x1  }
0xd: {  	s30 =	sshrl.u32 s10, $0x2;
	s8 =	sshrl.u32 s8, $0x3;
	s12 =	ssub.s32 s29, s7  }
0xe: {  	s13 =	sadd.s32 s30, s3;
	s28 =	sadd.s32 s5, s6;
	s5 =	sadd.s32 $0x66800, s6  }
0xf: {  	s11 =	sadd.s32 s8, s6;
	s6 =	sor.u32 $0x1C03, s31;
	s10 =	smax.u32 s12, $0x1  }
0x10: {  	s12 =	simm.s32 $0x3;
	s7 =	sadd.s32 $0x35600, s28;
	s8 =	sadd.s32 $0x2B600, s28  }
0x11: {  	s9 =	sadd.s32 $0x3C00, s11;
	s11 =	sshrl.u32 s13, $0x3;
	s13 =	simm.s32 $0x2800  }
.LBB2_1:
0x12: {  	[spmem:s11], [sflag:s6] =	dma.local [hbm:s5], $0x13C0  }
0x13: {  	_ =	swait.ge [sflag:s12], $0x13C0  }
0x14: {  	[sflag:s12] =	ssyncset.done $0x0  }
0x15: {  	[sflag:s12] =	ssyncadd.s32 $0xFFFFEC40  }
0x16: {  	[tilespmem:s4], [sflag:$0x3] =	stream.linear.gather [hbm4b:s7+s4], $0x2800, $0x38;
	[tilespmem:$0x16B00] =	vst v63  }
0x17: {  	_ =	swait.ge [sflag:s12], $0x2800  }
0x18: {  	[sflag:s12] =	ssyncset.done $0x0  }
0x19: {  	[sflag:s12] =	ssyncadd.s32 $0xFFFFD800  }
0x1a: {  	[tilespmem:s13], [sflag:$0x3] =	stream.linear.gather [hbm4b:s8+s4], $0x2800, $0x38;
	[tilespmem:$0x16B00] =	vst v63  }
0x1b: {  	_ =	swait.ge [sflag:s12], $0x2800  }
0x1c: {  	[sflag:s12] =	ssyncset.done $0x0  }
0x1d: {  	[sflag:s12] =	ssyncadd.s32 $0xFFFFD800  }
0x1e: {  	[bflag:$0x0] =	sbarrier.arrive $0xFFFF  }
0x1f: {  	[tilespmem:s15], [sflag:$0x1] =	stream.indirect.gather [hbm4b:s2+s14], $0x40, s4, s14, $0xb8;
	[tilespmem:$0x16B00] =	vst v63  }
0x20: {  	s25 =	simm.s32 $0x100  }
0x21: {  	[tilespmem:s16], [sflag:$0x2] =	stream.indirect.gather [hbm4b:s2+s14], $0x40, s25, s14, $0xb8;
	[tilespmem:$0x16B00] =	vst v63  }
0x22: {  	_ =	swait.ge [sflag:s17], $0x3E80  }
0x23: {  	[sflag:s17] =	ssyncset.done $0x0  }
0x24: {  	s29 =	simm.s32 $0x2800;
	[sflag:s17] =	ssyncadd.s32 $0xFFFFC180  }
0x25: {  	[spmem:s3] =	stream.indirect.scatter.add.f32 [tilespmem:s15], [sflag:$0x3], $0x40, s29, s14, $0xb8;
	[tilespmem:$0x16B00] =	vst v63  }
0x26: {  	_ =	swait.ge [sflag:s12], $0x3E80  }
0x27: {  	[sflag:s12] =	ssyncset.done $0x0  }
0x28: {  	s30 =	simm.s32 $0x200;
	[sflag:s12] =	ssyncadd.s32 $0xFFFFC180  }
0x29: {  	[tilespmem:s15], [sflag:$0x1] =	stream.indirect.gather [hbm4b:s2+s14], $0x40, s30, s14, $0xb8;
	[tilespmem:$0x16B00] =	vst v63  }
0x2a: {  	_ =	swait.ge [sflag:s18], $0x3E80  }
0x2b: {  	[sflag:s18] =	ssyncset.done $0x0  }
0x2c: {  	s31 =	simm.s32 $0x2900;
	[sflag:s18] =	ssyncadd.s32 $0xFFFFC180  }
0x2d: {  	[spmem:s3] =	stream.indirect.scatter.add.f32 [tilespmem:s16], [sflag:$0x3], $0x40, s31, s14, $0xb8;
	[tilespmem:$0x16B00] =	vst v63  }
0x2e: {  	_ =	swait.ge [sflag:s12], $0x3E80  }
0x2f: {  	s26 =	simm.s32 $0x1000;
	s25 =	simm.s32 $0x200;
	[sflag:s12] =	ssyncset.done $0x0  }
.LBB2_2:
0x30: {  	s28 =	sadd.s32 $0x100, s25  }
0x31: {  	[sflag:s12] =	ssyncadd.s32 $0xFFFFC180;
	s29 =	smov.u32 s26;
	s30 =	sadd.s32 $0x800, s26  }
0x32: {  	[tilespmem:s16], [sflag:$0x2] =	stream.indirect.gather [hbm4b:s2+s14], $0x40, s28, s14, $0xb8;
	[tilespmem:$0x16B00] =	vst v63  }
0x33: {  	p0 =	sne.s32 s26, $0x9000;
	_ =	swait.ge [sflag:s17], $0x3E80  }
0x34: {  	[sflag:s17] =	ssyncset.done $0x0  }
0x35: {  	s26 =	sadd.s32 $0x2800, s25;
	[sflag:s17] =	ssyncadd.s32 $0xFFFFC180  }
0x36: {  	[spmem:s3] =	stream.indirect.scatter.add.f32 [tilespmem:s15], [sflag:$0x3], $0x40, s26, s14, $0xb8;
	[tilespmem:$0x16B00] =	vst v63  }
0x37: {  	_ =	swait.ge [sflag:s12], $0x3E80  }
0x38: {  	[sflag:s12] =	ssyncset.done $0x0  }
0x39: {  	s26 =	sadd.s32 $0x200, s25;
	[sflag:s12] =	ssyncadd.s32 $0xFFFFC180  }
0x3a: {  	[tilespmem:s15], [sflag:$0x1] =	stream.indirect.gather [hbm4b:s2+s14], $0x40, s26, s14, $0xb8;
	[tilespmem:$0x16B00] =	vst v63  }
0x3b: {  	_ =	swait.ge [sflag:s18], $0x3E80  }
.Ltmp0:
0x3c: {  	[sflag:s18] =	ssyncset.done $0x0;
	(pc) =	sbr.rel @p0 .LBB2_2-.Ltmp0, $4  }
0x3d: {  	s25 =	sadd.s32 $0x2900, s25;
	[sflag:s18] =	ssyncadd.s32 $0xFFFFC180  }
0x3e: {  	[spmem:s3] =	stream.indirect.scatter.add.f32 [tilespmem:s16], [sflag:$0x3], $0x40, s25, s14, $0xb8;
	[tilespmem:$0x16B00] =	vst v63  }
0x3f: {  	_ =	swait.ge [sflag:s12], $0x3E80  }
0x40: {  	s26 =	smov.u32 s30;
	s25 =	sshra.s32 s29, $0x2;
	[sflag:s12] =	ssyncset.done $0x0  }
0x41: {  	s26 =	sadd.s32 $0x100, s25;
	[sflag:s12] =	ssyncadd.s32 $0xFFFFC180  }
0x42: {  	[tilespmem:s16], [sflag:$0x2] =	stream.indirect.gather [hbm4b:s2+s14], $0x40, s26, s14, $0xb8;
	[tilespmem:$0x16B00] =	vst v63  }
0x43: {  	_ =	swait.ge [sflag:s17], $0x3E80  }
0x44: {  	[sflag:s17] =	ssyncset.done $0x0  }
0x45: {  	s29 =	sadd.s32 $0x2800, s25;
	[sflag:s17] =	ssyncadd.s32 $0xFFFFC180  }
0x46: {  	[spmem:s3] =	stream.indirect.scatter.add.f32 [tilespmem:s15], [sflag:$0x3], $0x40, s29, s14, $0xb8;
	[tilespmem:$0x16B00] =	vst v63  }
0x47: {  	_ =	swait.ge [sflag:s12], $0x3E80  }
0x48: {  	[sflag:s12] =	ssyncset.done $0x0  }
0x49: {  	s30 =	sadd.s32 $0x200, s25;
	[sflag:s12] =	ssyncadd.s32 $0xFFFFC180  }
0x4a: {  	[tilespmem:s15], [sflag:$0x1] =	stream.indirect.gather [hbm4b:s2+s14], $0x40, s30, s14, $0xb8;
	[tilespmem:$0x16B00] =	vst v63  }
0x4b: {  	_ =	swait.ge [sflag:s18], $0x3E80  }
0x4c: {  	[sflag:s18] =	ssyncset.done $0x0  }
0x4d: {  	s31 =	sadd.s32 $0x2900, s25;
	[sflag:s18] =	ssyncadd.s32 $0xFFFFC180  }
0x4e: {  	[spmem:s3] =	stream.indirect.scatter.add.f32 [tilespmem:s16], [sflag:$0x3], $0x40, s31, s14, $0xb8;
	[tilespmem:$0x16B00] =	vst v63  }
0x4f: {  	_ =	swait.ge [sflag:s12], $0x3E80  }
0x50: {  	[sflag:s12] =	ssyncset.done $0x0  }
0x51: {  	[sflag:s12] =	ssyncadd.s32 $0xFFFFC180  }
0x52: {  	[tilespmem:s16], [sflag:$0x2] =	stream.indirect.gather [hbm4b:s2+s14], $0x40, s19, s14, $0xb8;
	[tilespmem:$0x16B00] =	vst v63  }
0x53: {  	_ =	swait.ge [sflag:s17], $0x3E80  }
0x54: {  	[sflag:s17] =	ssyncset.done $0x0  }
0x55: {  	[sflag:s17] =	ssyncadd.s32 $0xFFFFC180  }
0x56: {  	[spmem:s3] =	stream.indirect.scatter.add.f32 [tilespmem:s15], [sflag:$0x3], $0x40, s20, s14, $0xb8;
	[tilespmem:$0x16B00] =	vst v63  }
0x57: {  	_ =	swait.ge [sflag:s12], $0x3E80  }
0x58: {  	[sflag:s12] =	ssyncset.done $0x0  }
0x59: {  	[sflag:s12] =	ssyncadd.s32 $0xFFFFC180  }
0x5a: {  	_ =	swait.ge [sflag:s18], $0x3E80  }
0x5b: {  	[sflag:s18] =	ssyncset.done $0x0  }
0x5c: {  	[sflag:s18] =	ssyncadd.s32 $0xFFFFC180  }
0x5d: {  	[spmem:s3] =	stream.indirect.scatter.add.f32 [tilespmem:s16], [sflag:$0x3], $0x40, s21, s14, $0xb8;
	[tilespmem:$0x16B00] =	vst v63  }
0x5e: {  	_ =	swait.ge [sflag:s12], $0x3E80  }
0x5f: {  	s24 =	sadd.s32 $0x1, s24;
	[sflag:s12] =	ssyncset.done $0x0  }
0x60: {  	p0 =	sne.s32 s24, s10;
	[sflag:s12] =	ssyncadd.s32 $0xFFFFC180  }
.Ltmp1:
0x61: {  	[bflag:$0x0] =	sbarrier.arrive $0xFFFF;
	(pc) =	sbr.rel @p0 .LBB2_1-.Ltmp1, $4  }
0x62: {  	[hbm:s9@s22], [sflag:s6] =	dma.strided [spmem:s11@s23], $0x13C0, s17, $0x8   }
0x63: {  	_ =	swait.ge [sflag:s12], $0x13C0  }
0x64: {  	[sflag:s12] =	ssyncset.done $0x0  }
0x65: {  	[sflag:s12] =	ssyncadd.s32 $0xFFFFEC40  }
0x66: {  	_ =	sfence.sel $0x180000  }
0x67: {  	[bflag:$0x0] =	sbarrier.arrive $0xFFFF  }
0x68: {  	p0 =	sne.s32 s1, $0x0;
	_ =	strace $0x9000004D  }
0x69: {  	s0 =	sadd.s32 @!p0 $0x100000, s0;
	[bflag:$0x2] =	sbarrier.arrive $0xFFFF  }
0x6a: {  	[sflag:s0] =	ssyncadd.tile.s32 @!p0 $0x1;
	_ =	shalt  }
.Lfunc_end2:
_tile_overlayer_lowered:
.L_overlay_start_2:
0x6b: {  	(tag) =	ssettag $0x2  }
0x6c: {  	s0 =	rddreg [dreg:$0x0];
	s2 =	stileid.u32  }
0x6d: {  	s1 =	rddreg [dreg:$0x1];
	p0 =	sne.s32 s2, $0x0  }
0x6e: {  	s3 =	rddreg [dreg:$0x2];
	[bflag:$0x3] =	sbarrier.arrive $0xFFFF;
	s2 =	simm.s32 @!p0 $0x1C03  }
0x6f: {  	[timem:s3], [sflag:s2] =	dma.local @!p0 [hbm:s0], s1  }
0x70: {  	s0 =	simm.s32 @!p0 $0x3  }
0x71: {  	_ =	swait.ge @!p0 [sflag:s0], s1  }
0x72: {  	s1 =	ssub.s32 @!p0 $0x0, s1;
	[sflag:s0] =	ssyncset.done @!p0 $0x0  }
0x73: {  	[sflag:s0] =	ssyncadd.s32 @!p0 s1  }
0x74: {  	[bflag:$0x3] =	sbarrier.arrive $0xFFFF  }
0x75: {  	_ =	shalt  }

// kernel: kernel.18.cloned.1.call-start
scs
__scs_entry_jumppad:
0x0: {  	(pc) =	sbr.rel $0x88, $3  }
0x1: {  	(tag) =	ssettag $0x0;
	lr =	simm.s32 $0x1  }
0x2: {  	[smem:$0x3F95] =	sst lr;
	_ =	strace $0xD0000000  }
0x3: {  	_ = 	snop  }
0x4: {  	_ = 	snop  }
0x5: {  	_ = 	snop  }
0x6: {  	_ = 	snop  }
0x7: {  	_ = 	snop  }
__scs_overlays_trampoline_lowered:
0x8: {  	[smem:$0x3FA4] =	sst s0  }
0x9: {  	[smem:$0x3FA5] =	sst s1  }
0xa: {  	[smem:$0x3FA6] =	sst s2  }
0xb: {  	[smem:$0x3FA7] =	sst s3  }
0xc: {  	[smem:$0x3FA8] =	sst s4  }
0xd: {  	[smem:$0x3FA9] =	sst s5  }
0xe: {  	[smem:$0x3FAA] =	sst s6  }
0xf: {  	[smem:$0x3FAB] =	sst s7  }
0x10: {  	[smem:$0x3FAC] =	sst s8  }
0x11: {  	[smem:$0x3FAD] =	sst s9;
	s0 =	simm.s32 @!p0 $0x0  }
0x12: {  	s1 =	sld [smem:$0x3F93];
	s0 =	simm.s32 @p0 $0x1  }
0x13: {  	[smem:$0x3FAE] =	sst s0;
	s0 =	simm.s32 @!p1 $0x0  }
0x14: {  	s2 =	sld [smem:$0x3F92];
	s0 =	simm.s32 @p1 $0x1  }
0x15: {  	[smem:$0x3FAF] =	sst s0;
	s0 =	simm.s32 @!p2 $0x0  }
0x16: {  	s3 =	sld [smem:$0x3FDB];
	s0 =	simm.s32 @p2 $0x1  }
0x17: {  	s4 =	simm.s32 $0x1BF5;
	[smem:$0x3FB1] =	sst s0  }
0x18: {  	s0 =	sld [smem:$0x3F94];
	_ =	swait.ge [sflag:s4], $0x0  }
0x19: {  	s7 =	sld [smem:$0x3F95]  }
0x1a: {  	s8 =	sadd.s32 $0xFFFFE003, lr  }
0x1b: {  	s9 =	sadd.s32 $0xFFFFFEF7, lr;
	s5 =	simm.s32 $0xFFFFFFFF;
	p2 =	slt.u32 s8, $0xFFFFF086  }
0x1c: {  	p1 =	slt.u32 s9, $0xF7A;
	s5 =	simm.s32 @!p2 $0x0  }
0x1d: {  	s5 =	simm.s32 @p1 $0x1;
	p0 =	seq.s32 s7, s2  }
0x1e: {  	s7 =	smul.u32 @!p0 $0xF7A, s2;
	p2 =	seq.s32 @!p0 s5, $0x0  }
0x1f: {  	s9 =	smul.u32 $0xF7A, s1;
	s8 =	simm.s32 @!p0 $0x1BF5;
	p2 =	por !p2, p0  }
0x20: {  	[sflag:s8] =	ssyncset.s32 @!p0 $0xFFFFF086;
	s6 =	sadd.s32 @!p0 s3, s7;
	s7 =	simm.s32 @!p0 $0x108  }
0x21: {  	s3 =	sadd.s32 s3, s9;
	s6 =	sadd.s32 @!p0 $0x88, s6;
	s7 =	simm.s32 @p2 $0x1082  }
0x22: {  	[simem:s7], [sflag:s8] =	dma.local @!p0 [hbm:s6], $0xF7A  }
0x23: {  	s9 =	sor.u32 $0xD0000000, s2;
	s6 =	simm.s32 $0x108;
	_ =	swait.ge @!p0 [sflag:s8], $0x0  }
0x24: {  	s3 =	sadd.s32 $0x88, s3;
	s6 =	simm.s32 @!p1 $0x1082;
	[sflag:s4] =	ssyncset.s32 $0xFFFFF086  }
0x25: {  	[simem:s6], [sflag:s4] =	dma.local [hbm:s3], $0xF7A  }
0x26: {  	[smem:$0x3F95] =	sst s1;
	(tag) =	ssettag s2;
	_ =	strace s9  }
0x27: {  	s1 =	sld [smem:$0x3FA5]  }
0x28: {  	s2 =	sld [smem:$0x3FA6]  }
0x29: {  	s4 =	sld [smem:$0x3FA8]  }
0x2a: {  	p0 =	seq.s32 s5, $0x0;
	s5 =	sld [smem:$0x3FA9]  }
0x2b: {  	s6 =	sld [smem:$0x3FAA]  }
0x2c: {  	s7 =	sld [smem:$0x3FAB]  }
0x2d: {  	s3 =	simm.s32 $0x108;
	s8 =	sld [smem:$0x3FAC]  }
0x2e: {  	s3 =	simm.s32 @!p0 $0x1082;
	s9 =	sld [smem:$0x3FAD]  }
0x2f: {  	lr =	sadd.s32 s0, s3;
	s0 =	sld [smem:$0x3FA4]  }
0x30: {  	s3 =	sld [smem:$0x3FA7]  }
0x31: {  	[smem:$0x3FB0] =	sst s10  }
0x32: {  	s10 =	sld [smem:$0x3FAE];
	_ =	sdelay $0x3  }
0x33: {  	p0 =	seq.s32 s10, $0x1;
	s10 =	sld [smem:$0x3FB0];
	_ =	sdelay $0x3  }
0x34: {  	[smem:$0x3FB0] =	sst s10  }
0x35: {  	s10 =	sld [smem:$0x3FAF];
	_ =	sdelay $0x3  }
0x36: {  	p1 =	seq.s32 s10, $0x1;
	s10 =	sld [smem:$0x3FB0];
	_ =	sdelay $0x3  }
0x37: {  	[smem:$0x3FB0] =	sst s10  }
0x38: {  	s10 =	sld [smem:$0x3FB1]  }
0x39: {  	_ = 	snop;
	(pc) =	sbr.ind lr, $3  }
0x3a: {  	_ = 	snop  }
0x3b: {  	_ = 	snop  }
0x3c: {  	p2 =	seq.s32 s10, $0x1;
	s10 =	sld [smem:$0x3FB0]  }
0x3d: {  	_ =	shalt  }
0x3e: {  	_ =	shalt  }
0x3f: {  	_ =	shalt  }
0x40: {  	_ =	shalt  }
0x41: {  	_ =	shalt  }
0x42: {  	_ =	shalt  }
0x43: {  	_ =	shalt  }
0x44: {  	_ =	shalt  }
0x45: {  	_ =	shalt  }
0x46: {  	_ =	shalt  }
0x47: {  	_ =	shalt  }
0x48: {  	_ =	shalt  }
0x49: {  	_ =	shalt  }
0x4a: {  	_ =	shalt  }
0x4b: {  	_ =	shalt  }
0x4c: {  	_ =	shalt  }
0x4d: {  	_ =	shalt  }
0x4e: {  	_ =	shalt  }
0x4f: {  	_ =	shalt  }
0x50: {  	_ =	shalt  }
0x51: {  	_ =	shalt  }
0x52: {  	_ =	shalt  }
0x53: {  	_ =	shalt  }
0x54: {  	_ =	shalt  }
0x55: {  	_ =	shalt  }
0x56: {  	_ =	shalt  }
0x57: {  	_ =	shalt  }
0x58: {  	_ =	shalt  }
0x59: {  	_ =	shalt  }
0x5a: {  	_ =	shalt  }
0x5b: {  	_ =	shalt  }
0x5c: {  	_ =	shalt  }
0x5d: {  	_ =	shalt  }
0x5e: {  	_ =	shalt  }
0x5f: {  	_ =	shalt  }
0x60: {  	_ =	shalt  }
0x61: {  	_ =	shalt  }
0x62: {  	_ =	shalt  }
0x63: {  	_ =	shalt  }
0x64: {  	_ =	shalt  }
0x65: {  	_ =	shalt  }
0x66: {  	_ =	shalt  }
0x67: {  	_ =	shalt  }
0x68: {  	_ =	shalt  }
0x69: {  	_ =	shalt  }
0x6a: {  	_ =	shalt  }
0x6b: {  	_ =	shalt  }
0x6c: {  	_ =	shalt  }
0x6d: {  	_ =	shalt  }
0x6e: {  	_ =	shalt  }
0x6f: {  	_ =	shalt  }
0x70: {  	_ =	shalt  }
0x71: {  	_ =	shalt  }
0x72: {  	_ =	shalt  }
0x73: {  	_ =	shalt  }
0x74: {  	_ =	shalt  }
0x75: {  	_ =	shalt  }
0x76: {  	_ =	shalt  }
0x77: {  	_ =	shalt  }
0x78: {  	_ =	shalt  }
0x79: {  	_ =	shalt  }
0x7a: {  	_ =	shalt  }
0x7b: {  	_ =	shalt  }
0x7c: {  	_ =	shalt  }
0x7d: {  	_ =	shalt  }
0x7e: {  	_ =	shalt  }
0x7f: {  	_ =	shalt  }
0x80: {  	_ =	shalt  }
0x81: {  	_ =	shalt  }
0x82: {  	_ =	shalt  }
0x83: {  	_ =	shalt  }
0x84: {  	_ =	shalt  }
0x85: {  	_ =	shalt  }
0x86: {  	_ =	shalt  }
0x87: {  	_ =	shalt  }
.Lfunc_end0:
.L_simem_size_0:
called_computation.3_lowered:
.L_overlay_start_0:
0x88: {  	s2 =	sld [smem:$0x3FD9]  }
0x89: {  	s3 =	sld [smem:$0x3FFE];
	_ =	sdelay $0x1  }
0x8a: {  	s1 =	srdreg.scid  }
0x8b: {  	s0 =	sand.u32 $0x1, s1  }
0x8c: {  	s17 =	sshll.u32 s0, $0xA;
	s2 =	sadd.s32 s3, s2  }
0x8d: {  	s2 =	sadd.s32 s2, s17  }
0x8e: {  	[smem:$0x3FBC] =	sst s2  }
0x8f: {  	_ = 	snop  }
0x90: {  	s2 =	sld [smem:$0x3FC8]  }
0x91: {  	s18 =	sld [smem:$0x3FD0];
	(tm) =	ssettm $0x1  }
0x92: {  	s4 =	sld [smem:$0x3FFB];
	_ =	sdelay $0x3  }
0x93: {  	_ =	strace s4  }
0x94: {  	s4 =	sld [smem:$0x3FFC];
	_ =	sdelay $0x3  }
0x95: {  	_ =	strace s4  }
0x96: {  	s4 =	sld [smem:$0x3FFD];
	_ =	sdelay $0x3  }
0x97: {  	_ =	strace s4  }
0x98: {  	_ =	strace $0x8FFFFFFF  }
0x99: {  	s19 =	sld [smem:$0x3FDB];
	_ =	sdelay $0x1  }
0x9a: {  	s5 =	simm.s32 $_scs_section_size  }
0x9b: {  	s6 =	simm.s32 $_size__tile_overlayer_lowered;
	s7 =	simm.s32 $_tile_overlayer_lowered  }
0x9c: {  	s22 =	simm.s32 $0x1BFF;
	s21 =	sshll.u32 s7, $0x1;
	s4 =	sadd.s32 s5, s19  }
0x9d: {  	s8 =	simm.s32 $0x0;
	s20 =	sshll.u32 s6, $0x1;
	s6 =	sadd.s32 s21, s4  }
0x9e: {  	[timem:s8], [sflag:s22] =	dma.local [hbm:s6], s20  }
0x9f: {  	_ =	swait.ge [sflag:s22], s20  }
0xa0: {  	s5 =	ssub.s32 $0x0, s20;
	[sflag:s22] =	ssyncset.done $0x0  }
0xa1: {  	[sflag:s22] =	ssyncadd.s32 s5;
	_ =	sdelay $0x1  }
0xa2: {  	s23 =	simm.s32 $0x1B8B  }
0xa3: {  	_ =	swait.ge [sflag:s23], $0x1  }
0xa4: {  	[sflag:s23] =	ssyncset.done $0x0  }
0xa5: {  	s25 =	simm.s32 $0x1B8E;
	s24 =	sld [smem:$0x3FFE];
	[sflag:s23] =	ssyncadd.s32 $0xFFFFFFFF  }
0xa6: {  	s26 =	simm.s32 $execute0_lowered;
	[smem:$0x3FD2] =	sst s25  }
0xa7: {  	s6 =	sshll.u32 s26, $0x1;
	_ =	strace $0x8000004F;
	[dreg:$0x1] =	wrdreg $0xFFFFFFFF  }
0xa8: {  	s28 =	simm.s32 $_size_execute0_lowered;
	s4 =	sadd.s32 s4, s6;
	[dreg:$0x0] =	wrdreg $0x0  }
0xa9: {  	s6 =	sshll.u32 s28, $0x1;
	[dreg:$0x2] =	wrdreg s4  }
0xaa: {  	[dreg:$0x3] =	wrdreg s6  }
0xab: {  	[dreg:$0x4] =	wrdreg $0xC0  }
0xac: {  	_ =	task [dreg:s8], $0x5FFFF  }
0xad: {  	[dreg:$0x1] =	wrdreg $0xFFFFFFFF  }
0xae: {  	[dreg:$0x0] =	wrdreg $0x60  }
0xaf: {  	[dreg:$0x2] =	wrdreg s24  }
0xb0: {  	[dreg:$0x3] =	wrdreg s2  }
0xb1: {  	[dreg:$0x4] =	wrdreg s18  }
0xb2: {  	[dreg:$0x5] =	wrdreg $0x9  }
0xb3: {  	_ =	task.clear_ibuf [dreg:s8], $0x6FFFF;
	_ =	strace $0x9000004F  }
0xb4: {  	s29 =	simm.s32 $0x9;
	_ =	strace $0x80000051  }
0xb5: {  	_ =	swait.ge [sflag:s29], $0x1  }
0xb6: {  	[sflag:s29] =	ssyncadd.s32 $0xFFFFFFFF  }
0xb7: {  	_ =	strace $0x90000051  }
0xb8: {  	_ =	sfence  }
0xb9: {  	s30 =	sld [smem:$0x0];
	_ =	sdelay $0x2  }
0xba: {  	s31 =	sshll.u32 s1, $0xD;
	s1 =	sshrl.u32 s1, $0x2  }
0xbb: {  	s3 =	sand.u32 $0x4000, s31;
	s1 =	sadd.s32 s1, s30  }
0xbc: {  	s0 =	sor.u32 s3, s0;
	s1 =	sshll.u32 s1, $0x11  }
0xbd: {  	s0 =	sor.u32 s1, s0  }
0xbe: {  	s0 =	sadd.s32 $0x8F2B, s0  }
0xbf: {  	[sflag:s0] =	ssyncadd.remote.s32 $0x1  }
0xc0: {  	_ =	sfence.sel $0xFFFF  }
0xc1: {  	[dreg:$0x0] =	wrdreg $0xFFFFFFFF;
	(pc) =	sbr.abs _section_cstart, $3  }
0xc2: {  	[dreg:$0x1] =	wrdreg $0xFFFFFFFF  }
0xc3: {  	_ =	task.clear_ibuf [dreg:s8], $0x2FFFF;
	_ =	strace $0x9FFFFFFF  }
0xc4: {  	(tm) =	ssettm $0x7FFFFFFF  }
0xc5: {  	_ =	shalt  }
tec
execute0_lowered:
.L_overlay_start_1:
0x0: {  	(tag) =	ssettag $0x1  }
0x1: {  	s3 =	rddreg [dreg:$0x0]  }
0x2: {  	s4 =	rddreg [dreg:$0x1]  }
0x3: {  	s6 =	rddreg [dreg:$0x2]  }
0x4: {  	s0 =	rddreg [dreg:$0x3];
	s2 =	simm.s32 $0x0  }
0x5: {  	s5 =	srdreg.scid;
	s1 =	stileid.u32;
	s11 =	simm.s32 $0xEB40  }
0x6: {  	s12 =	simm.s32 $0x13940;
	s13 =	simm.s32 $0x0;
	[smem:$0x7FF] =	sst s2  }
0x7: {  	s5 =	sand.u32 $0x1, s5;
	s7 =	sshll.u32 s1, $0x1;
	s3 =	sadd.s32 $0x3C00, s3  }
0x8: {  	p0 =	sgt.u32 s1, $0x1;
	_ =	strace $0x80000050;
	s8 =	ssub.s32 $0x2, s5  }
.Ltmp0:
0x9: {  	s5 =	sor.u32 s5, s7;
	s30 =	sshrl.u32 s8, $0x1;
	(pc) =	sbr.rel .LBB2_1-.Ltmp0, $4  }
0xa: {  	s9 =	smul.u32 $0x9C0, s5;
	s10 =	sshll.u32 s5, $0x5;
	s8 =	ssub.s32 s8, s30  }
0xb: {  	s5 =	sadd.s32 s10, s4;
	s31 =	sadd.s32 s10, s6;
	s10 =	simm.s32 $0x9C40  }
0xc: {  	s4 =	sadd.s32 s4, s9;
	s5 =	sadd.s32 $0x13800, s5;
	s6 =	sadd.s32 s6, s9  }
0xd: {  	s7 =	sadd.s32 $0x13800, s31;
	s8 =	smax.u32 s8, $0x1;
	s9 =	simm.s32 $0x1  }
.LBB2_5:
0xe: {  	[hbm4b:s6+s2] =	stream.linear.scatter [tilespmem:s11], [sflag:$0x1], $0x4E00, $0x38;
	[tilespmem:$0x13A40] =	vst v63  }
0xf: {  	_ =	swait.ge [sflag:s9], $0x4E00  }
0x10: {  	[sflag:s9] =	ssyncset.done $0x0  }
0x11: {  	[sflag:s9] =	ssyncadd.s32 $0xFFFFB200  }
.LBB2_6:
0x12: {  	s13 =	sadd.s32 $0x1, s13  }
0x13: {  	p1 =	sne.s32 s13, s8  }
.Ltmp1:
0x14: {  	_ = 	snop;
	(pc) =	sbr.rel @!p1 .LBB2_7-.Ltmp1, $1  }
0x15: {  	_ =	sdelay $0x3  }
.LBB2_1:
0x16: {  	[tilespmem:s2], [sflag:$0x1] =	stream.linear.gather [hbm4b:s3+s2], $0x9C40, $0x38;
	[tilespmem:$0x13A40] =	vst v63  }
0x17: {  	_ =	swait.ge [sflag:s9], $0x9C40  }
0x18: {  	[sflag:s9] =	ssyncset.done $0x0  }
0x19: {  	[sflag:s9] =	ssyncadd.s32 $0xFFFF63C0  }
0x1a: {  	[tilespmem:s10], [sflag:$0x1] =	stream.linear.gather [hbm4b:s4+s2], $0x4E00, $0x38;
	[tilespmem:$0x13A40] =	vst v63  }
0x1b: {  	_ =	swait.ge [sflag:s9], $0x4E00  }
0x1c: {  	[sflag:s9] =	ssyncset.done $0x0  }
0x1d: {  	s14 =	simm.s32 @!p0 $0x0;
	s15 =	simm.s32 @!p0 $0xEA40;
	[sflag:s9] =	ssyncadd.s32 $0xFFFFB200  }
0x1e: {  	[tilespmem:s15], [sflag:$0x1] =	stream.linear.gather @!p0 [hbm4b:s5+s14], $0x100, $0x38;
	[tilespmem:$0x13A40] =	vst v63  }
0x1f: {  	s14 =	simm.s32 @!p0 $0x1  }
0x20: {  	_ =	swait.ge @!p0 [sflag:s14], $0x100  }
0x21: {  	[sflag:s14] =	ssyncset.done @!p0 $0x0  }
0x22: {  	[sflag:s14] =	ssyncadd.s32 @!p0 $0xFFFFFF00;
	s14 =	simm.s32 $0x0  }
0x23: {  	v0 =	vld [tilespmem:s14+$0x9C40]  }
0x24: {  	v1 =	vld [tilespmem:s14+$0x9CC0];
	_ =	sdelay $0x3  }
0x25: {  	v0 =	vshll.u32 v0, $0x2  }
0x26: {  	v1 =	vshll.u32 v1, $0x2;
	v6 =	vor.u32 $0x1, v0  }
0x27: {  	v8 =	vor.u32 $0x2, v1  }
0x28: {  	v2 =	vld [tilespmem:s14+$0x9CD0];
	v1 =	vor.u32 $0x3, v1  }
0x29: {  	v3 =	vld [tilespmem:s14+$0x9C50]  }
0x2a: {  	v0 =	vld.idx.msk [tilespmem:v0+s2+$0x0], $0xffff  }
0x2b: {  	v6 =	vld.idx.msk [tilespmem:v6+s2+$0x0], $0xffff  }
0x2c: {  	v8 =	vld.idx.msk [tilespmem:v8+s2+$0x0], $0xffff  }
0x2d: {  	v1 =	vld.idx.msk [tilespmem:v1+s2+$0x0], $0xffff;
	_ =	sdelay $0x1  }
0x2e: {  	v2 =	vshll.u32 v2, $0x2  }
0x2f: {  	v15 =	vor.u32 $0x3, v2  }
0x30: {  	v2 =	vor.u32 $0x2, v2;
	v8 =	vadd.f32 v8, v0  }
0x31: {  	v3 =	vshll.u32 v3, $0x2;
	v1 =	vadd.f32 v1, v6  }
0x32: {  	v4 =	vld [tilespmem:s14+$0x9CE0];
	v6 =	vor.u32 $0x1, v3;
	[tilespmem:s14+$0xEB40] =	vst v8  }
0x33: {  	v5 =	vld [tilespmem:s14+$0x9C60];
	[tilespmem:s14+$0xEBC0] =	vst v1  }
0x34: {  	v1 =	vld.idx.msk [tilespmem:v15+s2+$0x0], $0xffff  }
0x35: {  	v2 =	vld.idx.msk [tilespmem:v2+s2+$0x0], $0xffff  }
0x36: {  	v3 =	vld.idx.msk [tilespmem:v3+s2+$0x0], $0xffff  }
0x37: {  	v6 =	vld.idx.msk [tilespmem:v6+s2+$0x0], $0xffff;
	_ =	sdelay $0x1  }
0x38: {  	v4 =	vshll.u32 v4, $0x2  }
0x39: {  	v63 =	vor.u32 $0x2, v4  }
0x3a: {  	v4 =	vor.u32 $0x3, v4;
	v2 =	vadd.f32 v2, v3  }
0x3b: {  	v3 =	vshll.u32 v5, $0x2;
	v1 =	vadd.f32 v1, v6  }
0x3c: {  	v7 =	vld [tilespmem:s14+$0x9CF0];
	v5 =	vor.u32 $0x1, v3;
	[tilespmem:s14+$0xEB50] =	vst v2  }
0x3d: {  	v9 =	vld [tilespmem:s14+$0x9C70];
	[tilespmem:s14+$0xEBD0] =	vst v1  }
0x3e: {  	v1 =	vld.idx.msk [tilespmem:v63+s2+$0x0], $0xffff  }
0x3f: {  	v2 =	vld.idx.msk [tilespmem:v4+s2+$0x0], $0xffff  }
0x40: {  	v3 =	vld.idx.msk [tilespmem:v3+s2+$0x0], $0xffff  }
0x41: {  	v4 =	vld.idx.msk [tilespmem:v5+s2+$0x0], $0xffff;
	_ =	sdelay $0x1  }
0x42: {  	v5 =	vshll.u32 v7, $0x2  }
0x43: {  	v7 =	vor.u32 $0x2, v5  }
0x44: {  	v6 =	vshll.u32 v9, $0x2;
	v1 =	vadd.f32 v1, v3;
	v3 =	vor.u32 $0x3, v5  }
0x45: {  	v2 =	vadd.f32 v2, v4;
	v4 =	vor.u32 $0x1, v6  }
0x46: {  	v10 =	vld [tilespmem:s14+$0x9D00];
	[tilespmem:s14+$0xEB60] =	vst v1  }
0x47: {  	v11 =	vld [tilespmem:s14+$0x9C80];
	[tilespmem:s14+$0xEBE0] =	vst v2  }
0x48: {  	v1 =	vld.idx.msk [tilespmem:v7+s2+$0x0], $0xffff  }
0x49: {  	v3 =	vld.idx.msk [tilespmem:v3+s2+$0x0], $0xffff  }
0x4a: {  	v2 =	vld.idx.msk [tilespmem:v4+s2+$0x0], $0xffff  }
0x4b: {  	v4 =	vld.idx.msk [tilespmem:v6+s2+$0x0], $0xffff;
	_ =	sdelay $0x1  }
0x4c: {  	v5 =	vshll.u32 v10, $0x2  }
0x4d: {  	v7 =	vor.u32 $0x2, v5  }
0x4e: {  	v6 =	vshll.u32 v11, $0x2;
	v2 =	vadd.f32 v3, v2  }
0x4f: {  	v3 =	vor.u32 $0x1, v6;
	v1 =	vadd.f32 v1, v4  }
0x50: {  	v12 =	vld [tilespmem:s14+$0x9D10];
	[tilespmem:s14+$0xEBF0] =	vst v2;
	v2 =	vor.u32 $0x3, v5  }
0x51: {  	v13 =	vld [tilespmem:s14+$0x9C90];
	[tilespmem:s14+$0xEB70] =	vst v1  }
0x52: {  	v1 =	vld.idx.msk [tilespmem:v7+s2+$0x0], $0xffff  }
0x53: {  	v4 =	vld.idx.msk [tilespmem:v6+s2+$0x0], $0xffff  }
0x54: {  	v3 =	vld.idx.msk [tilespmem:v3+s2+$0x0], $0xffff  }
0x55: {  	v2 =	vld.idx.msk [tilespmem:v2+s2+$0x0], $0xffff;
	_ =	sdelay $0x1  }
0x56: {  	v5 =	vshll.u32 v12, $0x2  }
0x57: {  	v6 =	vshll.u32 v13, $0x2;
	v7 =	vor.u32 $0x3, v5  }
0x58: {  	v1 =	vadd.f32 v1, v4;
	v4 =	vor.u32 $0x1, v6  }
0x59: {  	v2 =	vadd.f32 v2, v3  }
0x5a: {  	[tilespmem:s14+$0xEB80] =	vst v1;
	v1 =	vor.u32 $0x2, v5  }
0x5b: {  	v14 =	vld [tilespmem:s14+$0x9D20];
	[tilespmem:s14+$0xEC00] =	vst v2  }
0x5c: {  	v2 =	vld.idx.msk [tilespmem:v7+s2+$0x0], $0xffff  }
0x5d: {  	v3 =	vld.idx.msk [tilespmem:v4+s2+$0x0], $0xffff  }
0x5e: {  	v4 =	vld.idx.msk [tilespmem:v6+s2+$0x0], $0xffff  }
0x5f: {  	v1 =	vld.idx.msk [tilespmem:v1+s2+$0x0], $0xffff  }
0x60: {  	v16 =	vld [tilespmem:s14+$0x9CA0];
	_ =	sdelay $0x2  }
0x61: {  	v17 =	vld [tilespmem:s14+$0x9D30];
	v5 =	vshll.u32 v14, $0x2;
	v3 =	vadd.f32 v2, v3  }
0x62: {  	v6 =	vadd.f32 v1, v4;
	v4 =	vor.u32 $0x2, v5  }
0x63: {  	v2 =	vshll.u32 v16, $0x2;
	[tilespmem:s14+$0xEC10] =	vst v3;
	v3 =	vor.u32 $0x3, v5  }
0x64: {  	v5 =	vor.u32 $0x1, v2;
	_ =	sdelay $0x1  }
0x65: {  	s15 =	simm.s32 $0x400;
	v0 =	vld [tilespmem:s14+$0x9CB0];
	v1 =	vshll.u32 v17, $0x2;
	[tilespmem:s14+$0xEB90] =	vst v6  }
.LBB2_2:
0x66: {  	p1 =	sne.s32 s15, $0x13400;
	v4 =	vld.idx.msk [tilespmem:v4+s2+$0x0], $0xffff;
	s16 =	smov.u32 s15;
	s15 =	sadd.s32 $0x400, s15  }
0x67: {  	v3 =	vld.idx.msk [tilespmem:v3+s2+$0x0], $0xffff  }
0x68: {  	v5 =	vld.idx.msk [tilespmem:v5+s2+$0x0], $0xffff  }
0x69: {  	v2 =	vld.idx.msk [tilespmem:v2+s2+$0x0], $0xffff;
	_ =	sdelay $0x3  }
0x6a: {  	v6 =	vor.u32 $0x3, v1  }
0x6b: {  	v1 =	vor.u32 $0x2, v1;
	v3 =	vadd.f32 v3, v5  }
0x6c: {  	v0 =	vshll.u32 v0, $0x2;
	v2 =	vadd.f32 v4, v2  }
0x6d: {  	[tilespmem:s14+$0xEC20] =	vst v3;
	v3 =	vor.u32 $0x1, v0  }
0x6e: {  	[tilespmem:s14+$0xEBA0] =	vst v2  }
0x6f: {  	v2 =	vld.idx.msk [tilespmem:v6+s2+$0x0], $0xffff  }
0x70: {  	v1 =	vld.idx.msk [tilespmem:v1+s2+$0x0], $0xffff  }
0x71: {  	v0 =	vld.idx.msk [tilespmem:v0+s2+$0x0], $0xffff  }
0x72: {  	s16 =	sshra.s32 s16, $0x2;
	v3 =	vld.idx.msk [tilespmem:v3+s2+$0x0], $0xffff  }
0x73: {  	v4 =	vld [tilespmem:s16+$0x9C40]  }
0x74: {  	v5 =	vld [tilespmem:s16+$0x9CC0]  }
0x75: {  	v6 =	vld [tilespmem:s16+$0x9CD0]  }
0x76: {  	v7 =	vld [tilespmem:s16+$0x9C50]  }
0x77: {  	v0 =	vadd.f32 v1, v0;
	v8 =	vld [tilespmem:s16+$0x9CE0]  }
0x78: {  	v2 =	vadd.f32 v2, v3;
	v1 =	vshll.u32 v4, $0x2;
	v4 =	vld [tilespmem:s16+$0x9C60]  }
0x79: {  	v3 =	vshll.u32 v5, $0x2;
	v5 =	vor.u32 $0x1, v1;
	v9 =	vld [tilespmem:s16+$0x9CF0];
	[tilespmem:s14+$0xEBB0] =	vst v0  }
0x7a: {  	v0 =	vor.u32 $0x2, v3;
	v3 =	vor.u32 $0x3, v3;
	v10 =	vld [tilespmem:s16+$0x9C70];
	[tilespmem:s14+$0xEC30] =	vst v2;
	s14 =	smov.u32 s16  }
0x7b: {  	v2 =	vld [tilespmem:s14+$0x9D00]  }
0x7c: {  	v8 =	vshll.u32 v8, $0x2;
	v11 =	vld [tilespmem:s14+$0x9C80]  }
0x7d: {  	v1 =	vld.idx.msk [tilespmem:v1+s2+$0x0], $0xffff  }
0x7e: {  	v5 =	vld.idx.msk [tilespmem:v5+s2+$0x0], $0xffff;
	v9 =	vshll.u32 v9, $0x2  }
0x7f: {  	v0 =	vld.idx.msk [tilespmem:v0+s2+$0x0], $0xffff  }
0x80: {  	v3 =	vld.idx.msk [tilespmem:v3+s2+$0x0], $0xffff;
	v2 =	vshll.u32 v2, $0x2  }
0x81: {  	v6 =	vshll.u32 v6, $0x2;
	v12 =	vld [tilespmem:s14+$0x9D10]  }
0x82: {  	v13 =	vor.u32 $0x3, v6;
	v14 =	vld [tilespmem:s14+$0x9C90]  }
0x83: {  	v15 =	vld [tilespmem:s14+$0x9D20]  }
0x84: {  	v16 =	vld [tilespmem:s14+$0x9CA0]  }
0x85: {  	v6 =	vor.u32 $0x2, v6;
	v1 =	vadd.f32 v0, v1;
	v17 =	vld [tilespmem:s14+$0x9D30]  }
0x86: {  	v3 =	vadd.f32 v3, v5;
	v5 =	vshll.u32 v7, $0x2;
	v7 =	vshll.u32 v12, $0x2;
	v0 =	vld [tilespmem:s14+$0x9CB0]  }
0x87: {  	v12 =	vor.u32 $0x1, v5;
	[tilespmem:s14+$0xEB40] =	vst v1  }
0x88: {  	[tilespmem:s14+$0xEBC0] =	vst v3;
	v3 =	vshll.u32 v15, $0x2  }
0x89: {  	v13 =	vld.idx.msk [tilespmem:v13+s2+$0x0], $0xffff  }
0x8a: {  	v6 =	vld.idx.msk [tilespmem:v6+s2+$0x0], $0xffff;
	v1 =	vshll.u32 v17, $0x2  }
0x8b: {  	v5 =	vld.idx.msk [tilespmem:v5+s2+$0x0], $0xffff  }
0x8c: {  	v12 =	vld.idx.msk [tilespmem:v12+s2+$0x0], $0xffff;
	_ =	sdelay $0x3  }
0x8d: {  	v15 =	vor.u32 $0x2, v8  }
0x8e: {  	v4 =	vshll.u32 v4, $0x2;
	v5 =	vadd.f32 v6, v5;
	v6 =	vor.u32 $0x3, v8  }
0x8f: {  	v8 =	vadd.f32 v13, v12;
	v12 =	vor.u32 $0x1, v4  }
0x90: {  	[tilespmem:s14+$0xEB50] =	vst v5  }
0x91: {  	[tilespmem:s14+$0xEBD0] =	vst v8  }
0x92: {  	v5 =	vld.idx.msk [tilespmem:v15+s2+$0x0], $0xffff  }
0x93: {  	v6 =	vld.idx.msk [tilespmem:v6+s2+$0x0], $0xffff  }
0x94: {  	v8 =	vld.idx.msk [tilespmem:v12+s2+$0x0], $0xffff  }
0x95: {  	v4 =	vld.idx.msk [tilespmem:v4+s2+$0x0], $0xffff;
	_ =	sdelay $0x3  }
0x96: {  	v10 =	vshll.u32 v10, $0x2;
	v12 =	vor.u32 $0x2, v9  }
0x97: {  	v6 =	vadd.f32 v6, v8;
	v8 =	vor.u32 $0x1, v10  }
0x98: {  	v4 =	vadd.f32 v5, v4;
	v5 =	vor.u32 $0x3, v9  }
0x99: {  	[tilespmem:s14+$0xEBE0] =	vst v6  }
0x9a: {  	[tilespmem:s14+$0xEB60] =	vst v4  }
0x9b: {  	v4 =	vld.idx.msk [tilespmem:v12+s2+$0x0], $0xffff  }
0x9c: {  	v6 =	vld.idx.msk [tilespmem:v8+s2+$0x0], $0xffff  }
0x9d: {  	v5 =	vld.idx.msk [tilespmem:v5+s2+$0x0], $0xffff  }
0x9e: {  	v8 =	vld.idx.msk [tilespmem:v10+s2+$0x0], $0xffff;
	_ =	sdelay $0x3  }
0x9f: {  	v9 =	vshll.u32 v11, $0x2;
	v10 =	vor.u32 $0x2, v2  }
0xa0: {  	v5 =	vadd.f32 v5, v6;
	v6 =	vor.u32 $0x1, v9  }
0xa1: {  	v4 =	vadd.f32 v4, v8  }
0xa2: {  	v2 =	vor.u32 $0x3, v2;
	[tilespmem:s14+$0xEBF0] =	vst v5  }
0xa3: {  	[tilespmem:s14+$0xEB70] =	vst v4  }
0xa4: {  	v4 =	vld.idx.msk [tilespmem:v10+s2+$0x0], $0xffff  }
0xa5: {  	v5 =	vld.idx.msk [tilespmem:v6+s2+$0x0], $0xffff  }
0xa6: {  	v6 =	vld.idx.msk [tilespmem:v9+s2+$0x0], $0xffff  }
0xa7: {  	v2 =	vld.idx.msk [tilespmem:v2+s2+$0x0], $0xffff;
	_ =	sdelay $0x3  }
0xa8: {  	v8 =	vshll.u32 v14, $0x2;
	v9 =	vor.u32 $0x3, v7  }
0xa9: {  	v4 =	vadd.f32 v4, v6;
	v6 =	vor.u32 $0x1, v8  }
0xaa: {  	v2 =	vadd.f32 v2, v5  }
0xab: {  	[tilespmem:s14+$0xEB80] =	vst v4;
	v4 =	vor.u32 $0x2, v7  }
0xac: {  	[tilespmem:s14+$0xEC00] =	vst v2  }
0xad: {  	v2 =	vld.idx.msk [tilespmem:v9+s2+$0x0], $0xffff  }
0xae: {  	v5 =	vld.idx.msk [tilespmem:v6+s2+$0x0], $0xffff  }
0xaf: {  	v6 =	vld.idx.msk [tilespmem:v8+s2+$0x0], $0xffff  }
0xb0: {  	v7 =	vld.idx.msk [tilespmem:v4+s2+$0x0], $0xffff;
	_ =	sdelay $0x3  }
.Ltmp2:
0xb1: {  	v4 =	vor.u32 $0x2, v3;
	v5 =	vadd.f32 v2, v5;
	(pc) =	sbr.rel @p1 .LBB2_2-.Ltmp2, $3  }
0xb2: {  	v3 =	vor.u32 $0x3, v3;
	v2 =	vshll.u32 v16, $0x2  }
0xb3: {  	v6 =	vadd.f32 v7, v6;
	[tilespmem:s14+$0xEC10] =	vst v5;
	v5 =	vor.u32 $0x1, v2;
	_ =	sdelay $0x1  }
0xb4: {  	[tilespmem:s14+$0xEB90] =	vst v6  }
0xb5: {  	_ =	sdelay $0x3  }
0xb6: {  	v4 =	vld.idx.msk [tilespmem:v4+s2+$0x0], $0xffff  }
0xb7: {  	v3 =	vld.idx.msk [tilespmem:v3+s2+$0x0], $0xffff  }
0xb8: {  	v5 =	vld.idx.msk [tilespmem:v5+s2+$0x0], $0xffff  }
0xb9: {  	v2 =	vld.idx.msk [tilespmem:v2+s2+$0x0], $0xffff;
	_ =	sdelay $0x2  }
0xba: {  	v6 =	vor.u32 $0x3, v1  }
0xbb: {  	v61 =	vor.u32 $0x2, v1;
	v3 =	vadd.f32 v3, v5  }
0xbc: {  	v0 =	vshll.u32 v0, $0x2;
	v2 =	vadd.f32 v4, v2  }
0xbd: {  	v62 =	vor.u32 $0x1, v0;
	[tilespmem:s14+$0xEC20] =	vst v3  }
0xbe: {  	[tilespmem:s14+$0xEBA0] =	vst v2  }
0xbf: {  	v2 =	vld.idx.msk [tilespmem:v6+s2+$0x0], $0xffff  }
0xc0: {  	v1 =	vld.idx.msk [tilespmem:v61+s2+$0x0], $0xffff  }
0xc1: {  	v0 =	vld.idx.msk [tilespmem:v0+s2+$0x0], $0xffff  }
0xc2: {  	v3 =	vld.idx.msk [tilespmem:v62+s2+$0x0], $0xffff;
	_ =	sdelay $0x2  }
.Ltmp3:
0xc3: {  	_ = 	snop;
	(pc) =	sbr.rel @p0 .LBB2_5-.Ltmp3, $4  }
0xc4: {  	v0 =	vadd.f32 v1, v0  }
0xc5: {  	v63 =	vadd.f32 v2, v3  }
0xc6: {  	[tilespmem:s14+$0xEBB0] =	vst v0  }
0xc7: {  	[tilespmem:s14+$0xEC30] =	vst v63  }
0xc8: {  	v0 =	vld [tilespmem:$0xEA40]  }
0xc9: {  	v1 =	vld [tilespmem:$0xEAC0];
	_ =	sdelay $0x3  }
0xca: {  	v0 =	vshll.u32 v0, $0x2  }
0xcb: {  	v1 =	vshll.u32 v1, $0x2;
	v2 =	vor.u32 $0x1, v0  }
0xcc: {  	v3 =	vor.u32 $0x2, v1  }
0xcd: {  	v4 =	vld [tilespmem:$0xEA50];
	v1 =	vor.u32 $0x3, v1  }
0xce: {  	v5 =	vld [tilespmem:$0xEAD0]  }
0xcf: {  	v0 =	vld.idx.msk [tilespmem:v0+s2+$0x0], $0xffff  }
0xd0: {  	v2 =	vld.idx.msk [tilespmem:v2+s2+$0x0], $0xffff  }
0xd1: {  	v3 =	vld.idx.msk [tilespmem:v3+s2+$0x0], $0xffff  }
0xd2: {  	v1 =	vld.idx.msk [tilespmem:v1+s2+$0x0], $0xffff;
	_ =	sdelay $0x2  }
0xd3: {  	v4 =	vshll.u32 v4, $0x2  }
0xd4: {  	v17 =	vshll.u32 v5, $0x2;
	v18 =	vor.u32 $0x1, v4;
	v0 =	vadd.f32 v3, v0  }
0xd5: {  	v19 =	vor.u32 $0x2, v17;
	v1 =	vadd.f32 v1, v2  }
0xd6: {  	v22 =	vld [tilespmem:$0xEA60];
	v20 =	vor.u32 $0x3, v17;
	[tilespmem:$0x13940] =	vst v0  }
0xd7: {  	v23 =	vld [tilespmem:$0xEAE0];
	[tilespmem:$0x139C0] =	vst v1  }
0xd8: {  	v0 =	vld.idx.msk [tilespmem:v4+s2+$0x0], $0xffff  }
0xd9: {  	v21 =	vld.idx.msk [tilespmem:v18+s2+$0x0], $0xffff  }
0xda: {  	v2 =	vld.idx.msk [tilespmem:v19+s2+$0x0], $0xffff  }
0xdb: {  	v1 =	vld.idx.msk [tilespmem:v20+s2+$0x0], $0xffff;
	_ =	sdelay $0x2  }
0xdc: {  	v4 =	vshll.u32 v22, $0x2  }
0xdd: {  	v24 =	vshll.u32 v23, $0x2;
	v25 =	vor.u32 $0x1, v4;
	v0 =	vadd.f32 v2, v0  }
0xde: {  	v26 =	vor.u32 $0x2, v24;
	v1 =	vadd.f32 v1, v21  }
0xdf: {  	v29 =	vld [tilespmem:$0xEA70];
	v27 =	vor.u32 $0x3, v24;
	[tilespmem:$0x13950] =	vst v0  }
0xe0: {  	v30 =	vld [tilespmem:$0xEAF0];
	[tilespmem:$0x139D0] =	vst v1  }
0xe1: {  	v0 =	vld.idx.msk [tilespmem:v4+s2+$0x0], $0xffff  }
0xe2: {  	v28 =	vld.idx.msk [tilespmem:v25+s2+$0x0], $0xffff  }
0xe3: {  	v3 =	vld.idx.msk [tilespmem:v26+s2+$0x0], $0xffff  }
0xe4: {  	v1 =	vld.idx.msk [tilespmem:v27+s2+$0x0], $0xffff;
	_ =	sdelay $0x2  }
0xe5: {  	v4 =	vshll.u32 v29, $0x2  }
0xe6: {  	v31 =	vshll.u32 v30, $0x2;
	v32 =	vor.u32 $0x1, v4;
	v0 =	vadd.f32 v3, v0  }
0xe7: {  	v33 =	vor.u32 $0x2, v31;
	v1 =	vadd.f32 v1, v28  }
0xe8: {  	v36 =	vld [tilespmem:$0xEA80];
	v34 =	vor.u32 $0x3, v31;
	[tilespmem:$0x13960] =	vst v0  }
0xe9: {  	v37 =	vld [tilespmem:$0xEB00];
	[tilespmem:$0x139E0] =	vst v1  }
0xea: {  	v0 =	vld.idx.msk [tilespmem:v4+s2+$0x0], $0xffff  }
0xeb: {  	v35 =	vld.idx.msk [tilespmem:v32+s2+$0x0], $0xffff  }
0xec: {  	v2 =	vld.idx.msk [tilespmem:v33+s2+$0x0], $0xffff  }
0xed: {  	v1 =	vld.idx.msk [tilespmem:v34+s2+$0x0], $0xffff;
	_ =	sdelay $0x2  }
0xee: {  	v4 =	vshll.u32 v36, $0x2  }
0xef: {  	v38 =	vshll.u32 v37, $0x2;
	v39 =	vor.u32 $0x1, v4;
	v0 =	vadd.f32 v2, v0  }
0xf0: {  	v40 =	vor.u32 $0x2, v38;
	v1 =	vadd.f32 v1, v35  }
0xf1: {  	v43 =	vld [tilespmem:$0xEA90];
	v41 =	vor.u32 $0x3, v38;
	[tilespmem:$0x13970] =	vst v0  }
0xf2: {  	v44 =	vld [tilespmem:$0xEB10];
	[tilespmem:$0x139F0] =	vst v1  }
0xf3: {  	v0 =	vld.idx.msk [tilespmem:v4+s2+$0x0], $0xffff  }
0xf4: {  	v42 =	vld.idx.msk [tilespmem:v39+s2+$0x0], $0xffff  }
0xf5: {  	v3 =	vld.idx.msk [tilespmem:v40+s2+$0x0], $0xffff  }
0xf6: {  	v1 =	vld.idx.msk [tilespmem:v41+s2+$0x0], $0xffff;
	_ =	sdelay $0x2  }
0xf7: {  	v4 =	vshll.u32 v43, $0x2  }
0xf8: {  	v45 =	vshll.u32 v44, $0x2;
	v46 =	vor.u32 $0x1, v4;
	v0 =	vadd.f32 v3, v0  }
0xf9: {  	v47 =	vor.u32 $0x2, v45;
	v1 =	vadd.f32 v1, v42  }
0xfa: {  	v50 =	vld [tilespmem:$0xEAA0];
	v48 =	vor.u32 $0x3, v45;
	[tilespmem:$0x13980] =	vst v0  }
0xfb: {  	v51 =	vld [tilespmem:$0xEB20];
	[tilespmem:$0x13A00] =	vst v1  }
0xfc: {  	v0 =	vld.idx.msk [tilespmem:v4+s2+$0x0], $0xffff  }
0xfd: {  	v49 =	vld.idx.msk [tilespmem:v46+s2+$0x0], $0xffff  }
0xfe: {  	v2 =	vld.idx.msk [tilespmem:v47+s2+$0x0], $0xffff  }
0xff: {  	v1 =	vld.idx.msk [tilespmem:v48+s2+$0x0], $0xffff;
	_ =	sdelay $0x2  }
0x100: {  	v4 =	vshll.u32 v50, $0x2  }
0x101: {  	v52 =	vshll.u32 v51, $0x2;
	v53 =	vor.u32 $0x1, v4;
	v0 =	vadd.f32 v2, v0  }
0x102: {  	v54 =	vor.u32 $0x2, v52;
	v1 =	vadd.f32 v1, v49  }
0x103: {  	v57 =	vld [tilespmem:$0xEAB0];
	v55 =	vor.u32 $0x3, v52;
	[tilespmem:$0x13990] =	vst v0  }
0x104: {  	v58 =	vld [tilespmem:$0xEB30];
	[tilespmem:$0x13A10] =	vst v1  }
0x105: {  	v0 =	vld.idx.msk [tilespmem:v4+s2+$0x0], $0xffff  }
0x106: {  	v56 =	vld.idx.msk [tilespmem:v53+s2+$0x0], $0xffff  }
0x107: {  	v3 =	vld.idx.msk [tilespmem:v54+s2+$0x0], $0xffff  }
0x108: {  	v1 =	vld.idx.msk [tilespmem:v55+s2+$0x0], $0xffff;
	_ =	sdelay $0x2  }
0x109: {  	v4 =	vshll.u32 v57, $0x2  }
0x10a: {  	v59 =	vshll.u32 v58, $0x2;
	v60 =	vor.u32 $0x1, v4;
	v0 =	vadd.f32 v3, v0  }
0x10b: {  	v61 =	vor.u32 $0x2, v59;
	v1 =	vadd.f32 v1, v56  }
0x10c: {  	v62 =	vor.u32 $0x3, v59;
	[tilespmem:$0x139A0] =	vst v0  }
0x10d: {  	[tilespmem:$0x13A20] =	vst v1  }
0x10e: {  	v1 =	vld.idx.msk [tilespmem:v4+s2+$0x0], $0xffff  }
0x10f: {  	v63 =	vld.idx.msk [tilespmem:v60+s2+$0x0], $0xffff  }
0x110: {  	v2 =	vld.idx.msk [tilespmem:v61+s2+$0x0], $0xffff  }
0x111: {  	v0 =	vld.idx.msk [tilespmem:v62+s2+$0x0], $0xffff;
	_ =	sdelay $0x3  }
0x112: {  	v1 =	vadd.f32 v2, v1  }
0x113: {  	v0 =	vadd.f32 v0, v63  }
0x114: {  	[tilespmem:$0x139B0] =	vst v1  }
0x115: {  	[tilespmem:$0x13A30] =	vst v0  }
0x116: {  	[hbm4b:s6+s2] =	stream.linear.scatter [tilespmem:s11], [sflag:$0x1], $0x4E00, $0x38;
	[tilespmem:$0x13A40] =	vst v63  }
0x117: {  	_ =	swait.ge [sflag:s9], $0x4E00  }
0x118: {  	[sflag:s9] =	ssyncset.done $0x0  }
.Ltmp4:
0x119: {  	[sflag:s9] =	ssyncadd.s32 $0xFFFFB200;
	(pc) =	sbr.rel .LBB2_6-.Ltmp4, $4  }
0x11a: {  	[hbm4b:s7+s2] =	stream.linear.scatter [tilespmem:s12], [sflag:$0x1], $0x100, $0x38;
	[tilespmem:$0x13A40] =	vst v63  }
0x11b: {  	_ =	swait.ge [sflag:s9], $0x100  }
0x11c: {  	[sflag:s9] =	ssyncset.done $0x0  }
0x11d: {  	[sflag:s9] =	ssyncadd.s32 $0xFFFFFF00  }
.LBB2_7:
0x11e: {  	_ =	sfence.sel $0x180000  }
0x11f: {  	[bflag:$0x0] =	sbarrier.arrive $0xFFFF  }
0x120: {  	p0 =	sne.s32 s1, $0x0;
	_ =	strace $0x90000050  }
0x121: {  	s0 =	sadd.s32 @!p0 $0x100000, s0;
	[bflag:$0x2] =	sbarrier.arrive $0xFFFF  }
0x122: {  	[sflag:s0] =	ssyncadd.tile.s32 @!p0 $0x1;
	_ =	shalt  }
.Lfunc_end2:
_tile_overlayer_lowered:
.L_overlay_start_2:
0x123: {  	(tag) =	ssettag $0x2  }
0x124: {  	s0 =	rddreg [dreg:$0x0];
	s2 =	stileid.u32  }
0x125: {  	s1 =	rddreg [dreg:$0x1];
	p0 =	sne.s32 s2, $0x0  }
0x126: {  	s3 =	rddreg [dreg:$0x2];
	[bflag:$0x3] =	sbarrier.arrive $0xFFFF;
	s2 =	simm.s32 @!p0 $0x1C01  }
0x127: {  	[timem:s3], [sflag:s2] =	dma.local @!p0 [hbm:s0], s1  }
0x128: {  	s0 =	simm.s32 @!p0 $0x1  }
0x129: {  	_ =	swait.ge @!p0 [sflag:s0], s1  }
0x12a: {  	s1 =	ssub.s32 @!p0 $0x0, s1;
	[sflag:s0] =	ssyncset.done @!p0 $0x0  }
0x12b: {  	[sflag:s0] =	ssyncadd.s32 @!p0 s1  }
0x12c: {  	[bflag:$0x3] =	sbarrier.arrive $0xFFFF  }
0x12d: {  	_ =	shalt  }

// kernel: kernel.9.cloned.1.call-start
scs
__scs_entry_jumppad:
0x0: {  	(pc) =	sbr.rel $0x88, $3  }
0x1: {  	(tag) =	ssettag $0x0;
	lr =	simm.s32 $0x1  }
0x2: {  	[smem:$0x3F95] =	sst lr;
	_ =	strace $0xD0000000  }
0x3: {  	_ = 	snop  }
0x4: {  	_ = 	snop  }
0x5: {  	_ = 	snop  }
0x6: {  	_ = 	snop  }
0x7: {  	_ = 	snop  }
__scs_overlays_trampoline_lowered:
0x8: {  	[smem:$0x3FA4] =	sst s0  }
0x9: {  	[smem:$0x3FA5] =	sst s1  }
0xa: {  	[smem:$0x3FA6] =	sst s2  }
0xb: {  	[smem:$0x3FA7] =	sst s3  }
0xc: {  	[smem:$0x3FA8] =	sst s4  }
0xd: {  	[smem:$0x3FA9] =	sst s5  }
0xe: {  	[smem:$0x3FAA] =	sst s6  }
0xf: {  	[smem:$0x3FAB] =	sst s7  }
0x10: {  	[smem:$0x3FAC] =	sst s8  }
0x11: {  	[smem:$0x3FAD] =	sst s9;
	s0 =	simm.s32 @!p0 $0x0  }
0x12: {  	s1 =	sld [smem:$0x3F93];
	s0 =	simm.s32 @p0 $0x1  }
0x13: {  	[smem:$0x3FAE] =	sst s0;
	s0 =	simm.s32 @!p1 $0x0  }
0x14: {  	s2 =	sld [smem:$0x3F92];
	s0 =	simm.s32 @p1 $0x1  }
0x15: {  	[smem:$0x3FAF] =	sst s0;
	s0 =	simm.s32 @!p2 $0x0  }
0x16: {  	s3 =	sld [smem:$0x3FDB];
	s0 =	simm.s32 @p2 $0x1  }
0x17: {  	s4 =	simm.s32 $0x1BF5;
	[smem:$0x3FB1] =	sst s0  }
0x18: {  	s0 =	sld [smem:$0x3F94];
	_ =	swait.ge [sflag:s4], $0x0  }
0x19: {  	s7 =	sld [smem:$0x3F95]  }
0x1a: {  	s8 =	sadd.s32 $0xFFFFE003, lr  }
0x1b: {  	s9 =	sadd.s32 $0xFFFFFEF7, lr;
	s5 =	simm.s32 $0xFFFFFFFF;
	p2 =	slt.u32 s8, $0xFFFFF086  }
0x1c: {  	p1 =	slt.u32 s9, $0xF7A;
	s5 =	simm.s32 @!p2 $0x0  }
0x1d: {  	s5 =	simm.s32 @p1 $0x1;
	p0 =	seq.s32 s7, s2  }
0x1e: {  	s7 =	smul.u32 @!p0 $0xF7A, s2;
	p2 =	seq.s32 @!p0 s5, $0x0  }
0x1f: {  	s9 =	smul.u32 $0xF7A, s1;
	s8 =	simm.s32 @!p0 $0x1BF5;
	p2 =	por !p2, p0  }
0x20: {  	[sflag:s8] =	ssyncset.s32 @!p0 $0xFFFFF086;
	s6 =	sadd.s32 @!p0 s3, s7;
	s7 =	simm.s32 @!p0 $0x108  }
0x21: {  	s3 =	sadd.s32 s3, s9;
	s6 =	sadd.s32 @!p0 $0x88, s6;
	s7 =	simm.s32 @p2 $0x1082  }
0x22: {  	[simem:s7], [sflag:s8] =	dma.local @!p0 [hbm:s6], $0xF7A  }
0x23: {  	s9 =	sor.u32 $0xD0000000, s2;
	s6 =	simm.s32 $0x108;
	_ =	swait.ge @!p0 [sflag:s8], $0x0  }
0x24: {  	s3 =	sadd.s32 $0x88, s3;
	s6 =	simm.s32 @!p1 $0x1082;
	[sflag:s4] =	ssyncset.s32 $0xFFFFF086  }
0x25: {  	[simem:s6], [sflag:s4] =	dma.local [hbm:s3], $0xF7A  }
0x26: {  	[smem:$0x3F95] =	sst s1;
	(tag) =	ssettag s2;
	_ =	strace s9  }
0x27: {  	s1 =	sld [smem:$0x3FA5]  }
0x28: {  	s2 =	sld [smem:$0x3FA6]  }
0x29: {  	s4 =	sld [smem:$0x3FA8]  }
0x2a: {  	p0 =	seq.s32 s5, $0x0;
	s5 =	sld [smem:$0x3FA9]  }
0x2b: {  	s6 =	sld [smem:$0x3FAA]  }
0x2c: {  	s7 =	sld [smem:$0x3FAB]  }
0x2d: {  	s3 =	simm.s32 $0x108;
	s8 =	sld [smem:$0x3FAC]  }
0x2e: {  	s3 =	simm.s32 @!p0 $0x1082;
	s9 =	sld [smem:$0x3FAD]  }
0x2f: {  	lr =	sadd.s32 s0, s3;
	s0 =	sld [smem:$0x3FA4]  }
0x30: {  	s3 =	sld [smem:$0x3FA7]  }
0x31: {  	[smem:$0x3FB0] =	sst s10  }
0x32: {  	s10 =	sld [smem:$0x3FAE];
	_ =	sdelay $0x3  }
0x33: {  	p0 =	seq.s32 s10, $0x1;
	s10 =	sld [smem:$0x3FB0];
	_ =	sdelay $0x3  }
0x34: {  	[smem:$0x3FB0] =	sst s10  }
0x35: {  	s10 =	sld [smem:$0x3FAF];
	_ =	sdelay $0x3  }
0x36: {  	p1 =	seq.s32 s10, $0x1;
	s10 =	sld [smem:$0x3FB0];
	_ =	sdelay $0x3  }
0x37: {  	[smem:$0x3FB0] =	sst s10  }
0x38: {  	s10 =	sld [smem:$0x3FB1]  }
0x39: {  	_ = 	snop;
	(pc) =	sbr.ind lr, $3  }
0x3a: {  	_ = 	snop  }
0x3b: {  	_ = 	snop  }
0x3c: {  	p2 =	seq.s32 s10, $0x1;
	s10 =	sld [smem:$0x3FB0]  }
0x3d: {  	_ =	shalt  }
0x3e: {  	_ =	shalt  }
0x3f: {  	_ =	shalt  }
0x40: {  	_ =	shalt  }
0x41: {  	_ =	shalt  }
0x42: {  	_ =	shalt  }
0x43: {  	_ =	shalt  }
0x44: {  	_ =	shalt  }
0x45: {  	_ =	shalt  }
0x46: {  	_ =	shalt  }
0x47: {  	_ =	shalt  }
0x48: {  	_ =	shalt  }
0x49: {  	_ =	shalt  }
0x4a: {  	_ =	shalt  }
0x4b: {  	_ =	shalt  }
0x4c: {  	_ =	shalt  }
0x4d: {  	_ =	shalt  }
0x4e: {  	_ =	shalt  }
0x4f: {  	_ =	shalt  }
0x50: {  	_ =	shalt  }
0x51: {  	_ =	shalt  }
0x52: {  	_ =	shalt  }
0x53: {  	_ =	shalt  }
0x54: {  	_ =	shalt  }
0x55: {  	_ =	shalt  }
0x56: {  	_ =	shalt  }
0x57: {  	_ =	shalt  }
0x58: {  	_ =	shalt  }
0x59: {  	_ =	shalt  }
0x5a: {  	_ =	shalt  }
0x5b: {  	_ =	shalt  }
0x5c: {  	_ =	shalt  }
0x5d: {  	_ =	shalt  }
0x5e: {  	_ =	shalt  }
0x5f: {  	_ =	shalt  }
0x60: {  	_ =	shalt  }
0x61: {  	_ =	shalt  }
0x62: {  	_ =	shalt  }
0x63: {  	_ =	shalt  }
0x64: {  	_ =	shalt  }
0x65: {  	_ =	shalt  }
0x66: {  	_ =	shalt  }
0x67: {  	_ =	shalt  }
0x68: {  	_ =	shalt  }
0x69: {  	_ =	shalt  }
0x6a: {  	_ =	shalt  }
0x6b: {  	_ =	shalt  }
0x6c: {  	_ =	shalt  }
0x6d: {  	_ =	shalt  }
0x6e: {  	_ =	shalt  }
0x6f: {  	_ =	shalt  }
0x70: {  	_ =	shalt  }
0x71: {  	_ =	shalt  }
0x72: {  	_ =	shalt  }
0x73: {  	_ =	shalt  }
0x74: {  	_ =	shalt  }
0x75: {  	_ =	shalt  }
0x76: {  	_ =	shalt  }
0x77: {  	_ =	shalt  }
0x78: {  	_ =	shalt  }
0x79: {  	_ =	shalt  }
0x7a: {  	_ =	shalt  }
0x7b: {  	_ =	shalt  }
0x7c: {  	_ =	shalt  }
0x7d: {  	_ =	shalt  }
0x7e: {  	_ =	shalt  }
0x7f: {  	_ =	shalt  }
0x80: {  	_ =	shalt  }
0x81: {  	_ =	shalt  }
0x82: {  	_ =	shalt  }
0x83: {  	_ =	shalt  }
0x84: {  	_ =	shalt  }
0x85: {  	_ =	shalt  }
0x86: {  	_ =	shalt  }
0x87: {  	_ =	shalt  }
.Lfunc_end0:
.L_simem_size_0:
called_computation_lowered:
.L_overlay_start_0:
0x88: {  	s2 =	sld [smem:$0x3FD9]  }
0x89: {  	s3 =	sld [smem:$0x3FFE];
	_ =	sdelay $0x1  }
0x8a: {  	s1 =	srdreg.scid  }
0x8b: {  	s0 =	sand.u32 $0x1, s1  }
0x8c: {  	s17 =	sshll.u32 s0, $0xA;
	s2 =	sadd.s32 s3, s2  }
0x8d: {  	s2 =	sadd.s32 s2, s17  }
0x8e: {  	[smem:$0x3FBC] =	sst s2  }
0x8f: {  	_ = 	snop  }
0x90: {  	s2 =	sld [smem:$0x3FC8]  }
0x91: {  	s18 =	sld [smem:$0x3FD0];
	(tm) =	ssettm $0x1  }
0x92: {  	s4 =	sld [smem:$0x3FFB];
	_ =	sdelay $0x3  }
0x93: {  	_ =	strace s4  }
0x94: {  	s4 =	sld [smem:$0x3FFC];
	_ =	sdelay $0x3  }
0x95: {  	_ =	strace s4  }
0x96: {  	s4 =	sld [smem:$0x3FFD];
	_ =	sdelay $0x3  }
0x97: {  	_ =	strace s4  }
0x98: {  	_ =	strace $0x8FFFFFFF  }
0x99: {  	s19 =	sld [smem:$0x3FDB];
	_ =	sdelay $0x1  }
0x9a: {  	s5 =	simm.s32 $_scs_section_size  }
0x9b: {  	s6 =	simm.s32 $_size__tile_overlayer_lowered;
	s7 =	simm.s32 $_tile_overlayer_lowered  }
0x9c: {  	s22 =	simm.s32 $0x1BFF;
	s21 =	sshll.u32 s7, $0x1;
	s4 =	sadd.s32 s5, s19  }
0x9d: {  	s8 =	simm.s32 $0x0;
	s20 =	sshll.u32 s6, $0x1;
	s6 =	sadd.s32 s21, s4  }
0x9e: {  	[timem:s8], [sflag:s22] =	dma.local [hbm:s6], s20  }
0x9f: {  	_ =	swait.ge [sflag:s22], s20  }
0xa0: {  	s5 =	ssub.s32 $0x0, s20;
	[sflag:s22] =	ssyncset.done $0x0  }
0xa1: {  	[sflag:s22] =	ssyncadd.s32 s5;
	_ =	sdelay $0x1  }
0xa2: {  	s23 =	simm.s32 $0x1B8B  }
0xa3: {  	_ =	swait.ge [sflag:s23], $0x1  }
0xa4: {  	[sflag:s23] =	ssyncset.done $0x0  }
0xa5: {  	s25 =	simm.s32 $0x1B8E;
	s24 =	sld [smem:$0x3FFE];
	[sflag:s23] =	ssyncadd.s32 $0xFFFFFFFF  }
0xa6: {  	s26 =	simm.s32 $execute0_lowered;
	[smem:$0x3FD2] =	sst s25  }
0xa7: {  	s6 =	sshll.u32 s26, $0x1;
	_ =	strace $0x80000046;
	[dreg:$0x1] =	wrdreg $0xFFFFFFFF  }
0xa8: {  	s28 =	simm.s32 $_size_execute0_lowered;
	s4 =	sadd.s32 s4, s6;
	[dreg:$0x0] =	wrdreg $0x0  }
0xa9: {  	s6 =	sshll.u32 s28, $0x1;
	[dreg:$0x2] =	wrdreg s4  }
0xaa: {  	[dreg:$0x3] =	wrdreg s6  }
0xab: {  	[dreg:$0x4] =	wrdreg $0xC0  }
0xac: {  	_ =	task [dreg:s8], $0x5FFFF  }
0xad: {  	[dreg:$0x1] =	wrdreg $0xFFFFFFFF  }
0xae: {  	[dreg:$0x0] =	wrdreg $0x60  }
0xaf: {  	[dreg:$0x2] =	wrdreg s2  }
0xb0: {  	[dreg:$0x3] =	wrdreg s24  }
0xb1: {  	[dreg:$0x4] =	wrdreg s18  }
0xb2: {  	[dreg:$0x5] =	wrdreg $0x53000  }
0xb3: {  	[dreg:$0x6] =	wrdreg $0x9  }
0xb4: {  	_ =	task.clear_ibuf [dreg:s8], $0x7FFFF;
	_ =	strace $0x90000046  }
0xb5: {  	s29 =	simm.s32 $0x9;
	_ =	strace $0x80000048  }
0xb6: {  	_ =	swait.ge [sflag:s29], $0x1  }
0xb7: {  	[sflag:s29] =	ssyncadd.s32 $0xFFFFFFFF  }
0xb8: {  	_ =	strace $0x90000048  }
0xb9: {  	_ =	sfence  }
0xba: {  	s30 =	sld [smem:$0x0];
	_ =	sdelay $0x2  }
0xbb: {  	s31 =	sshll.u32 s1, $0xD;
	s1 =	sshrl.u32 s1, $0x2  }
0xbc: {  	s3 =	sand.u32 $0x4000, s31;
	s1 =	sadd.s32 s1, s30  }
0xbd: {  	s0 =	sor.u32 s3, s0;
	s1 =	sshll.u32 s1, $0x11  }
0xbe: {  	s0 =	sor.u32 s1, s0  }
0xbf: {  	s0 =	sadd.s32 $0x8F2B, s0  }
0xc0: {  	[sflag:s0] =	ssyncadd.remote.s32 $0x1  }
0xc1: {  	_ =	sfence.sel $0xFFFF  }
0xc2: {  	[dreg:$0x0] =	wrdreg $0xFFFFFFFF;
	(pc) =	sbr.abs _section_cstart, $3  }
0xc3: {  	[dreg:$0x1] =	wrdreg $0xFFFFFFFF  }
0xc4: {  	_ =	task.clear_ibuf [dreg:s8], $0x2FFFF;
	_ =	strace $0x9FFFFFFF  }
0xc5: {  	(tm) =	ssettm $0x7FFFFFFF  }
tec
execute0_lowered:
.L_overlay_start_1:
0x0: {  	(tag) =	ssettag $0x1  }
0x1: {  	s7 =	rddreg [dreg:$0x0]  }
0x2: {  	s6 =	rddreg [dreg:$0x1]  }
0x3: {  	s1 =	rddreg [dreg:$0x2]  }
0x4: {  	s2 =	rddreg [dreg:$0x3]  }
0x5: {  	s0 =	rddreg [dreg:$0x4];
	s3 =	simm.s32 $0x0  }
0x6: {  	s4 =	srdreg.scid;
	s15 =	simm.s32 $0x10;
	s16 =	simm.s32 $0x0  }
0x7: {  	[smem:$0x7FF] =	sst s3;
	s5 =	sadd.s32 $0x3C00, s6;
	s8 =	sand.u32 $0x1, s4  }
0x8: {  	s4 =	stileid.u32;
	_ =	strace $0x80000047;
	s9 =	ssub.s32 $0x2, s8  }
0x9: {  	s10 =	sshll.u32 s4, $0x1;
	s11 =	smul.u32 $0x4F00, s4;
	s12 =	sadd.s32 s8, s6  }
0xa: {  	s30 =	sshll.u32 s4, $0x6;
	s13 =	smul.u32 $0x2780, s4;
	p0 =	sgt.u32 s4, $0x1  }
0xb: {  	s25 =	sshrl.u32 s9, $0x1;
	s8 =	sor.u32 s8, s10;
	s6 =	sor.u32 $0x1C01, s30  }
0xc: {  	s26 =	ssub.s32 s9, s25;
	s28 =	sshrl.u32 s11, $0x2;
	s29 =	smul.u32 $0x9C0, s8  }
0xd: {  	s8 =	sshll.u32 s8, $0x5;
	s31 =	sadd.s32 s13, s12;
	s12 =	simm.s32 $0x1  }
0xe: {  	s13 =	simm.s32 $0x4F00;
	s14 =	sadd.s32 s28, s2;
	s8 =	sadd.s32 s8, s7  }
0xf: {  	s9 =	sadd.s32 $0x3E00, s31;
	s10 =	smax.u32 s26, $0x1;
	s7 =	sadd.s32 s7, s29  }
0x10: {  	s8 =	sadd.s32 $0x13800, s8;
	s11 =	sshrl.u32 s14, $0x3;
	s14 =	simm.s32 $0x80  }
.LBB2_1:
0x11: {  	[spmem:s11], [sflag:s6] =	dma.local [hbm:s1], $0x278  }
0x12: {  	_ =	swait.ge [sflag:s12], $0x278  }
0x13: {  	[sflag:s12] =	ssyncset.done $0x0  }
0x14: {  	[sflag:s12] =	ssyncadd.s32 $0xFFFFFD88  }
0x15: {  	[tilespmem:s13], [sflag:$0x1] =	stream.linear.gather [hbm4b:s5+s3], $0x400, $0x38;
	[tilespmem:$0x66C0] =	vst v63  }
0x16: {  	_ =	swait.ge [sflag:s12], $0x400  }
0x17: {  	[sflag:s12] =	ssyncset.done $0x0  }
0x18: {  	[sflag:s12] =	ssyncadd.s32 $0xFFFFFC00  }
0x19: {  	[tilespmem:s3], [sflag:$0x1] =	stream.linear.gather [hbm4b:s7+s3], $0x4E00, $0x38;
	[tilespmem:$0x66C0] =	vst v63  }
0x1a: {  	_ =	swait.ge [sflag:s12], $0x4E00  }
0x1b: {  	[sflag:s12] =	ssyncset.done $0x0  }
0x1c: {  	s17 =	simm.s32 @!p0 $0x0;
	s18 =	simm.s32 @!p0 $0x4E00;
	[sflag:s12] =	ssyncadd.s32 $0xFFFFB200  }
0x1d: {  	[tilespmem:s18], [sflag:$0x1] =	stream.linear.gather @!p0 [hbm4b:s8+s17], $0x100, $0x38;
	[tilespmem:$0x66C0] =	vst v63  }
0x1e: {  	s17 =	simm.s32 @!p0 $0x1  }
0x1f: {  	_ =	swait.ge @!p0 [sflag:s17], $0x100  }
0x20: {  	[sflag:s17] =	ssyncset.done @!p0 $0x0  }
0x21: {  	[sflag:s17] =	ssyncadd.s32 @!p0 $0xFFFFFF00  }
0x22: {  	s31 =	simm.s32 $0x80;
	[bflag:$0x0] =	sbarrier.arrive $0xFFFF  }
0x23: {  	[spmem:s2] =	stream.indirect.scatter.add.f32 [tilespmem:s13], [sflag:$0x1], $0x8, s31, s14, $0xb8;
	[tilespmem:$0x66C0] =	vst v63  }
0x24: {  	_ =	swait.ge [sflag:s12], $0x400  }
0x25: {  	s17 =	simm.s32 $0x600;
	[sflag:s12] =	ssyncset.done $0x0  }
.LBB2_2:
0x26: {  	s18 =	sshra.s32 s17, $0x2;
	[sflag:s12] =	ssyncadd.s32 $0xFFFFFC00;
	p1 =	sne.s32 s17, $0x13600  }
0x27: {  	[spmem:s2] =	stream.indirect.scatter.add.f32 [tilespmem:s13], [sflag:$0x1], $0x8, s18, s14, $0xb8;
	[tilespmem:$0x66C0] =	vst v63  }
.Ltmp0:
0x28: {  	_ = 	snop;
	(pc) =	sbr.rel @p1 .LBB2_2-.Ltmp0, $4  }
0x29: {  	_ = 	snop  }
0x2a: {  	s17 =	sadd.s32 $0x400, s17  }
0x2b: {  	_ =	swait.ge [sflag:s12], $0x400  }
0x2c: {  	[sflag:s12] =	ssyncset.done $0x0  }
0x2d: {  	[sflag:s12] =	ssyncadd.s32 $0xFFFFFC00  }
0x2e: {  	s17 =	simm.s32 @!p0 $0x80;
	s18 =	simm.s32 @!p0 $0x4E80;
	s19 =	simm.s32 @!p0 $0x4F00  }
0x2f: {  	[spmem:s2] =	stream.indirect.scatter.add.f32 @!p0 [tilespmem:s19], [sflag:$0x1], $0x8, s18, s17, $0xb8;
	[tilespmem:$0x66C0] =	vst v63  }
0x30: {  	s17 =	simm.s32 @!p0 $0x1  }
0x31: {  	_ =	swait.ge @!p0 [sflag:s17], $0x400  }
0x32: {  	s16 =	sadd.s32 $0x1, s16;
	[sflag:s17] =	ssyncset.done @!p0 $0x0  }
0x33: {  	p1 =	sne.s32 s16, s10;
	[sflag:s17] =	ssyncadd.s32 @!p0 $0xFFFFFC00  }
.Ltmp1:
0x34: {  	[bflag:$0x0] =	sbarrier.arrive $0xFFFF;
	(pc) =	sbr.rel @p1 .LBB2_1-.Ltmp1, $4  }
0x35: {  	[hbm:s9@s15], [sflag:s6] =	dma.strided [spmem:s11@s12], $0x278, s12, $0x1   }
0x36: {  	_ =	swait.ge [sflag:s12], $0x278  }
0x37: {  	[sflag:s12] =	ssyncset.done $0x0  }
0x38: {  	[sflag:s12] =	ssyncadd.s32 $0xFFFFFD88  }
0x39: {  	_ =	sfence.sel $0x180000  }
0x3a: {  	[bflag:$0x0] =	sbarrier.arrive $0xFFFF  }
0x3b: {  	p0 =	sne.s32 s4, $0x0;
	_ =	strace $0x90000047  }
0x3c: {  	s0 =	sadd.s32 @!p0 $0x100000, s0;
	[bflag:$0x2] =	sbarrier.arrive $0xFFFF  }
0x3d: {  	[sflag:s0] =	ssyncadd.tile.s32 @!p0 $0x1;
	_ =	shalt  }
.Lfunc_end2:
_tile_overlayer_lowered:
.L_overlay_start_2:
0x3e: {  	(tag) =	ssettag $0x2  }
0x3f: {  	s0 =	rddreg [dreg:$0x0];
	s2 =	stileid.u32  }
0x40: {  	s1 =	rddreg [dreg:$0x1];
	p0 =	sne.s32 s2, $0x0  }
0x41: {  	s3 =	rddreg [dreg:$0x2];
	[bflag:$0x3] =	sbarrier.arrive $0xFFFF;
	s2 =	simm.s32 @!p0 $0x1C01  }
0x42: {  	[timem:s3], [sflag:s2] =	dma.local @!p0 [hbm:s0], s1  }
0x43: {  	s0 =	simm.s32 @!p0 $0x1  }
0x44: {  	_ =	swait.ge @!p0 [sflag:s0], s1  }
0x45: {  	s1 =	ssub.s32 @!p0 $0x0, s1;
	[sflag:s0] =	ssyncset.done @!p0 $0x0  }
0x46: {  	[sflag:s0] =	ssyncadd.s32 @!p0 s1  }
0x47: {  	[bflag:$0x3] =	sbarrier.arrive $0xFFFF  }
0x48: {  	_ =	shalt  }

</sc_bundles>
